<compile_context>
chip_gen: v7x
topology: tpu7x:2x2x1
jax: 0.10.2.dev20260603
libtpu: 0.0.44.dev20260713+nightly
codegen_flags: <defaults>
</compile_context>

<pallas_src>
import functools

import jax
import jax.numpy as jnp
from jax import lax
from jax.experimental import pallas as pl
from jax.experimental.pallas import tpu as pltpu
from jax.experimental.pallas import tpu_sc as plsc

_NC = 2
_NS = 16
_NW = _NC * _NS
_L = 16
_B = 128


def _round_up(a, b):
    return (a + b - 1) // b * b


def _mesh():
    return plsc.VectorSubcoreMesh(
        core_axis_name="c", subcore_axis_name="s",
        num_cores=_NC, num_subcores=_NS)


def _fill_rows(rows_v, val):
    def body(r, carry):
        rows_v[r] = jnp.full((_L,), val, jnp.float32)
        return carry
    lax.fori_loop(0, _B, body, 0)


def _sc_deg(dst2d, npad):
    chunks = dst2d.shape[0]
    cpw = chunks // _NW
    rpt = npad // _NS
    nco = rpt // _B

    @functools.partial(
        pl.kernel,
        out_type=jax.ShapeDtypeStruct((_NC, npad, _L), jnp.float32),
        mesh=_mesh(),
        compiler_params=pltpu.CompilerParams(use_tc_tiling_on_sc=False),
        scratch_types=[
            pltpu.VMEM((cpw, _B), jnp.int32),
            pltpu.VMEM((_B, _L), jnp.float32),
            pltpu.VMEM((npad // _NS, _L), jnp.float32),
            pltpu.VMEM_SHARED((npad, _L), jnp.float32),
            pltpu.SemaphoreType.DMA,
            pltpu.SemaphoreType.DMA,
        ],
    )
    def k(dst_hbm, out_hbm, dst_v, rows_v, stage_v, acc_sh, gsem, ssem):
        cid = lax.axis_index("c")
        sid = lax.axis_index("s")
        wid = cid * _NS + sid
        idx_cp = pltpu.async_copy(
            dst_hbm.at[pl.ds(wid * cpw, cpw)], dst_v, gsem)
        _fill_rows(rows_v, 1.0)
        for r in range(_B):
            stage_v[r] = jnp.zeros((_L,), jnp.float32)
        for j in range(nco):
            pltpu.async_copy(
                stage_v.at[pl.ds(0, _B)],
                acc_sh.at[pl.ds(sid * rpt + j * _B, _B)], ssem)
        idx_cp.wait()
        pltpu.make_async_copy(
            out_hbm.at[cid, pl.ds(0, rpt)], stage_v, ssem).wait()
        plsc.subcore_barrier()

        def body(j, carry):
            pltpu.async_copy(rows_v, acc_sh.at[dst_v.at[j]], ssem, add=True)
            return carry
        lax.fori_loop(0, cpw, body, 0)

        def drain(j, carry):
            pltpu.make_async_copy(
                out_hbm.at[cid, pl.ds(0, _B)], rows_v, ssem).wait()
            return carry
        lax.fori_loop(0, cpw, drain, 0)
        plsc.subcore_barrier()
        for j in range(nco):
            pltpu.async_copy(acc_sh.at[pl.ds(sid * rpt + j * _B, _B)],
                             stage_v.at[pl.ds(j * _B, _B)], gsem)
        pltpu.make_async_copy(
            out_hbm.at[cid, pl.ds(0, rpt)], stage_v, gsem).wait()
        for j in range(nco):
            pltpu.async_copy(stage_v.at[pl.ds(j * _B, _B)],
                             out_hbm.at[cid, pl.ds(sid * rpt + j * _B, _B)],
                             ssem)
        pltpu.make_async_copy(
            out_hbm.at[cid, pl.ds(0, rpt)], stage_v, ssem).wait()

    return k(dst2d)


def _sc_edge(table, src2d, dst2d, npad):
    chunks = dst2d.shape[0]
    cpw = chunks // _NW
    rpt = npad // _NS
    nco = rpt // _B

    @functools.partial(
        pl.kernel,
        out_type=jax.ShapeDtypeStruct((_NC, npad, _L), jnp.float32),
        mesh=_mesh(),
        compiler_params=pltpu.CompilerParams(use_tc_tiling_on_sc=False),
        scratch_types=[
            pltpu.VMEM((cpw, _B), jnp.int32),
            pltpu.VMEM((cpw, _B), jnp.int32),
            pltpu.VMEM((cpw * _B, _L), jnp.float32),
            pltpu.VMEM((_B, _L), jnp.float32),
            pltpu.VMEM_SHARED((npad, _L), jnp.float32),
            pltpu.SemaphoreType.DMA,
            pltpu.SemaphoreType.DMA,
        ],
    )
    def k(table_hbm, src_hbm, dst_hbm, out_hbm, src_v, dst_v, rows_v,
          zbuf_v, acc_sh, gsem, ssem):
        cid = lax.axis_index("c")
        sid = lax.axis_index("s")
        wid = cid * _NS + sid
        src_cp = pltpu.async_copy(
            src_hbm.at[pl.ds(wid * cpw, cpw)], src_v, gsem)
        dst_cp = pltpu.async_copy(
            dst_hbm.at[pl.ds(wid * cpw, cpw)], dst_v, ssem)
        src_cp.wait()

        def fire_gather(j, carry):
            pltpu.async_copy(table_hbm.at[src_v.at[j]],
                             rows_v.at[pl.ds(j * _B, _B)], gsem)
            return carry
        lax.fori_loop(0, cpw, fire_gather, 0)

        _fill_rows(zbuf_v, 0.0)
        for j in range(nco):
            pltpu.async_copy(zbuf_v,
                             acc_sh.at[pl.ds(sid * rpt + j * _B, _B)], ssem)
        dst_cp.wait()
        pltpu.make_async_copy(
            out_hbm.at[cid, pl.ds(0, nco * _B)],
            rows_v.at[pl.ds(0, nco * _B)], ssem).wait()
        plsc.subcore_barrier()
        pltpu.make_async_copy(
            out_hbm.at[cid, pl.ds(0, cpw * _B)], rows_v, gsem).wait()

        def fire_scatter(j, carry):
            pltpu.async_copy(rows_v.at[pl.ds(j * _B, _B)],
                             acc_sh.at[dst_v.at[j]], ssem, add=True)
            return carry
        lax.fori_loop(0, cpw, fire_scatter, 0)
        pltpu.make_async_copy(
            out_hbm.at[cid, pl.ds(0, cpw * _B)], rows_v, ssem).wait()
        plsc.subcore_barrier()
        for j in range(nco):
            pltpu.async_copy(acc_sh.at[pl.ds(sid * rpt + j * _B, _B)],
                             rows_v.at[pl.ds(j * _B, _B)], gsem)
        pltpu.make_async_copy(
            out_hbm.at[cid, pl.ds(0, nco * _B)],
            rows_v.at[pl.ds(0, nco * _B)], gsem).wait()
        for j in range(nco):
            pltpu.async_copy(rows_v.at[pl.ds(j * _B, _B)],
                             out_hbm.at[cid, pl.ds(sid * rpt + j * _B, _B)],
                             ssem)
        pltpu.make_async_copy(
            out_hbm.at[cid, pl.ds(0, nco * _B)],
            rows_v.at[pl.ds(0, nco * _B)], ssem).wait()

    return k(table, src2d, dst2d)


def _tc_prep(x3, w1bd, dpk, n, npad):
    rk = n * _L // _B
    rc = npad * _L // _B
    d = x3.shape[2]
    g = _B // _L

    def mm_body(x_ref, w_ref, h_ref):
        h = jnp.dot(x_ref[:, 0, :], w_ref[0:d, :],
                    preferred_element_type=jnp.float32)
        for j in range(1, g):
            h = h + jnp.dot(x_ref[:, j, :], w_ref[j * d:(j + 1) * d, :],
                            preferred_element_type=jnp.float32)
        h_ref[...] = h

    hk = pl.pallas_call(
        mm_body,
        out_shape=jax.ShapeDtypeStruct((rk, _B), jnp.float32),
    )(x3, w1bd)

    def sc_body(h_ref, d_ref, hs_ref, di_ref):
        dd = d_ref[...]
        dinv = lax.rsqrt(1.0 + dd[:rk, :] + dd[rc:rc + rk, :])
        hs_ref[...] = h_ref[...] * dinv
        di_ref[...] = dinv

    return pl.pallas_call(
        sc_body,
        out_shape=[jax.ShapeDtypeStruct((rk, _B), jnp.float32),
                   jax.ShapeDtypeStruct((rk, _B), jnp.float32)],
    )(hk, dpk)


def _tc_mid(s1k, hs1k, dik, b1t, w2bd, n, npad):
    rk = n * _L // _B
    rc = npad * _L // _B

    def body(s_ref, h_ref, di_ref, b_ref, w_ref, o_ref):
        s = s_ref[...]
        di = di_ref[...]
        a = di * (s[:rk, :] + s[rc:rc + rk, :] + h_ref[...]) + b_ref[...]
        o1 = jnp.maximum(a, 0.0)
        o_ref[...] = di * jnp.dot(o1, w_ref[...],
                                  preferred_element_type=jnp.float32)

    return pl.pallas_call(
        body,
        out_shape=jax.ShapeDtypeStruct((rk, _B), jnp.float32),
    )(s1k, hs1k, dik, b1t, w2bd)


def _tc_final(s2k, hs2k, dik, b2t, n, npad):
    rk = n * _L // _B
    rc = npad * _L // _B

    g = _B // _L

    def body(s_ref, h_ref, di_ref, b_ref, m_ref, i_ref, o_ref):
        s = s_ref[...]
        z = di_ref[...] * (s[:rk, :] + s[rc:rc + rk, :] + h_ref[...]) \
            + b_ref[...]
        e = jnp.exp(z)
        sums = jnp.dot(e, m_ref[...], preferred_element_type=jnp.float32)
        outv = z - jnp.log(sums)
        eye = i_ref[...]
        for j in range(g):
            o_ref[:, j, :] = jnp.dot(outv, eye[:, j * _L:(j + 1) * _L],
                                     preferred_element_type=jnp.float32)

    ones_bd = jnp.kron(jnp.eye(g, dtype=jnp.float32),
                       jnp.ones((_L, _L), jnp.float32))
    eye128 = jnp.eye(_B, dtype=jnp.float32)
    return pl.pallas_call(
        body,
        out_shape=jax.ShapeDtypeStruct((rk, g, _L), jnp.float32),
    )(s2k, hs2k, dik, b2t, ones_bd, eye128)


def kernel(x, edge_index, W1, b1, W2, b2):
    n = x.shape[0]
    e = edge_index.shape[1]
    npad = _round_up(n + _B, _NS * _B)
    epad = _round_up(e, _NW * _B)
    pad = epad - e

    flat = edge_index.reshape(-1)
    src = flat[:e]
    dst = flat[e:]
    pad_iota = jnp.arange(pad, dtype=jnp.int32) % _B
    src2d = jnp.concatenate([src, pad_iota]).reshape(-1, _B)
    dst2d = jnp.concatenate([dst, n + pad_iota]).reshape(-1, _B)

    g = _B // _L
    b1t = jnp.tile(b1, g).reshape(1, _B)
    b2t = jnp.tile(b2, g).reshape(1, _B)
    w1bd = jnp.kron(jnp.eye(g, dtype=jnp.float32), W1)
    w2bd = jnp.kron(jnp.eye(g, dtype=jnp.float32), W2)
    x3 = x.reshape(n // g, g, x.shape[1])

    def pack(a):
        return a.reshape(-1, _B)

    degp = _sc_deg(dst2d, npad)
    hs1k, dik = _tc_prep(x3, w1bd, pack(degp), n, npad)
    s1 = _sc_edge(hs1k.reshape(n, _L), src2d, dst2d, npad)
    hs2k = _tc_mid(pack(s1), hs1k, dik, b1t, w2bd, n, npad)
    s2 = _sc_edge(hs2k.reshape(n, _L), src2d, dst2d, npad)
    return _tc_final(pack(s2), hs2k, dik, b2t, n, npad).reshape(n, _L)

# --- scband reference (transcript-rebuilt; emitter-appended) ---
"""Pipeline reference for scband-net-82944408420792 (READ-ONLY COPY).

The authoritative reference and input builder live on the scoring server;
editing this copy changes nothing except your own understanding.
"""

import jax, jax.numpy as jnp
import numpy as np

N = 10000
E = 160000
D = 256
H = 16
C = 16


def setup_inputs(seed: int = 0) -> dict:
    key = jax.random.key(seed)
    k1, k2, k3, k4 = jax.random.split(key, 4)
    x = jax.random.normal(k1, (N, D), dtype=jnp.float32)
    edge_index = jax.random.randint(k2, (2, E), 0, N, dtype=jnp.int32)
    W1 = jax.random.normal(k3, (D, H), dtype=jnp.float32) * (1.0 / np.sqrt(D))
    b1 = jnp.zeros((H,), dtype=jnp.float32)
    W2 = jax.random.normal(k4, (H, C), dtype=jnp.float32) * (1.0 / np.sqrt(H))
    b2 = jnp.zeros((C,), dtype=jnp.float32)
    return {"x": x, "edge_index": edge_index, "W1": W1, "b1": b1, "W2": W2, "b2": b2}


def _gcn_conv(x, edge_index, W, b):
    # GCNConv: D^{-1/2} (A + I) D^{-1/2} X W + b  (PyG default: add self-loops, symmetric norm)
    n = x.shape[0]
    src = edge_index[0]
    dst = edge_index[1]
    loop = jnp.arange(n, dtype=src.dtype)
    src = jnp.concatenate([src, loop], axis=0)
    dst = jnp.concatenate([dst, loop], axis=0)
    deg = jnp.zeros((n,), dtype=x.dtype).at[dst].add(1.0)
    dinv = jnp.where(deg > 0, jax.lax.rsqrt(jnp.maximum(deg, 1e-12)), 0.0)
    norm = dinv[src] * dinv[dst]
    h = x @ W
    msg = h[src] * norm[:, None]
    out = jnp.zeros((n, W.shape[1]), dtype=x.dtype).at[dst].add(msg)
    return out + b


def reference(x, edge_index, W1, b1, W2, b2):
    h = jax.nn.relu(_gcn_conv(x, edge_index, W1, b1))
    # dropout is identity in eval mode (training=False)
    h = _gcn_conv(h, edge_index, W2, b2)
    return jax.nn.log_softmax(h, axis=1)

if __name__ == "__main__":
    import jax
    _d = setup_inputs()
    print(jax.jit(kernel)(*tuple(_d.values())))

</pallas_src>

<mosaic_0001>
#map = affine_map<(d0, d1) -> (0, 0)>
#map1 = affine_map<(d0, d1) -> (0, 0, 0)>
module attributes {stable_mosaic.version = 14 : i64} {
  func.func @k(%arg0: i32, %arg1: i32, %arg2: memref<10000x16xf32, #tpu.memory_space<hbm>>, %arg3: memref<1280x128xi32, #tpu.memory_space<hbm>>, %arg4: memref<1280x128xi32, #tpu.memory_space<hbm>>, %arg5: memref<2x10240x16xf32, #tpu.memory_space<hbm>>, %arg6: memref<40x128xi32, #tpu.memory_space<vmem>>, %arg7: memref<40x128xi32, #tpu.memory_space<vmem>>, %arg8: memref<5120x16xf32, #tpu.memory_space<vmem>>, %arg9: memref<128x16xf32, #tpu.memory_space<vmem>>, %arg10: memref<10240x16xf32, #tpu.memory_space<vmem_shared>>, %arg11: memref<!tpu.dma_semaphore, #tpu.memory_space<semaphore_mem>>, %arg12: memref<!tpu.dma_semaphore, #tpu.memory_space<semaphore_mem>>) attributes {dimension_semantics = [#tpu.dimension_semantics<core_parallel>, #tpu.dimension_semantics<subcore_parallel>], iteration_bounds = array<i64: 2, 16>, scalar_prefetch = 0 : i64, scratch_operands = 7 : i64, tpu.core_type = #tpu.core_type<sc_vector_subcore>, window_params = [{transform_indices = #map}, {transform_indices = #map}, {transform_indices = #map}, {transform_indices = #map1}]} {
    %mul3A = arith.constant 16 : i32
    %mul3A_0 = arith.muli %arg0, %mul3A : i32
    %add3A = arith.addi %mul3A_0, %arg1 : i32
    %mul3A_1 = arith.constant 40 : i32
    %mul3A_2 = arith.muli %add3A, %mul3A_1 : i32
    %dma_start3A = arith.constant 0 : i32
    %dma_start3A_3 = tpu.memref_slice %arg3[%mul3A_2, %dma_start3A] : memref<1280x128xi32, #tpu.memory_space<hbm>> -> memref<40x128xi32, #tpu.memory_space<hbm>>
    %dma_start3A_4 = arith.constant 0 : i32
    %dma_start3A_5 = tpu.memref_slice %arg3[%mul3A_2, %dma_start3A_4] : memref<1280x128xi32, #tpu.memory_space<hbm>> -> memref<40x128xi32, #tpu.memory_space<hbm>>
    tpu.enqueue_dma source(%dma_start3A_5 : memref<40x128xi32, #tpu.memory_space<hbm>>) target(%arg6 : memref<40x128xi32, #tpu.memory_space<vmem>>) target_semaphore(%arg11 : memref<!tpu.dma_semaphore, #tpu.memory_space<semaphore_mem>>)
    %mul3A_6 = arith.constant 40 : i32
    %mul3A_7 = arith.muli %add3A, %mul3A_6 : i32
    %dma_start3A_8 = arith.constant 0 : i32
    %dma_start3A_9 = tpu.memref_slice %arg4[%mul3A_7, %dma_start3A_8] : memref<1280x128xi32, #tpu.memory_space<hbm>> -> memref<40x128xi32, #tpu.memory_space<hbm>>
    %dma_start3A_10 = arith.constant 0 : i32
    %dma_start3A_11 = tpu.memref_slice %arg4[%mul3A_7, %dma_start3A_10] : memref<1280x128xi32, #tpu.memory_space<hbm>> -> memref<40x128xi32, #tpu.memory_space<hbm>>
    tpu.enqueue_dma source(%dma_start3A_11 : memref<40x128xi32, #tpu.memory_space<hbm>>) target(%arg7 : memref<40x128xi32, #tpu.memory_space<vmem>>) target_semaphore(%arg12 : memref<!tpu.dma_semaphore, #tpu.memory_space<semaphore_mem>>)
    %dma_wait3A = arith.constant 0 : i32
    %dma_wait3A_12 = tpu.memref_slice %arg3[%mul3A_2, %dma_wait3A] : memref<1280x128xi32, #tpu.memory_space<hbm>> -> memref<40x128xi32, #tpu.memory_space<hbm>>
    %dma_wait3A_13 = arith.constant 0 : i32
    %dma_wait3A_14 = tpu.memref_slice %arg3[%mul3A_2, %dma_wait3A_13] : memref<1280x128xi32, #tpu.memory_space<hbm>> -> memref<40x128xi32, #tpu.memory_space<hbm>>
    tpu.wait_dma2 semaphore(%arg11 : memref<!tpu.dma_semaphore, #tpu.memory_space<semaphore_mem>>) src(%dma_wait3A_14 : memref<40x128xi32, #tpu.memory_space<hbm>>) dst(%arg6 : memref<40x128xi32, #tpu.memory_space<vmem>>)
    %scan3A = arith.constant 0 : i32
    %scan3A_15 = arith.constant 0 : i32
    %scan3A_16 = arith.constant 40 : i32
    %scan3A_17 = arith.addi %scan3A_15, %scan3A_16 : i32
    %scan3A_18 = arith.constant 1 : i32
    scf.for %scan3A_285 = %scan3A_15 to %scan3A_17 step %scan3A_18  : i32 {
      %mul3A_286 = arith.constant 128 : i32
      %mul3A_287 = arith.muli %scan3A_285, %mul3A_286 : i32
      %dma_start3A_288 = arith.constant 0 : i32
      %dma_start3A_289 = tpu.memref_slice %arg8[%mul3A_287, %dma_start3A_288] : memref<5120x16xf32, #tpu.memory_space<vmem>> -> memref<128x16xf32, #tpu.memory_space<vmem>>
      %dma_start3A_290 = arith.constant 0 : i32
      %dma_start3A_291 = tpu.memref_slice %arg6[%scan3A_285, %dma_start3A_290] : memref<40x128xi32, #tpu.memory_space<vmem>> -> memref<1x128xi32, #tpu.memory_space<vmem>>
      %dma_start3A_292 = tpu.memref_squeeze %dma_start3A_291 : memref<1x128xi32, #tpu.memory_space<vmem>> -> memref<128xi32, #tpu.memory_space<vmem>>
      %dma_start3A_293 = arith.constant 0 : i32
      %dma_start3A_294 = arith.constant 0 : i32
      %dma_start3A_295 = tpu.memref_slice %arg2[%dma_start3A_293, %dma_start3A_294] : memref<10000x16xf32, #tpu.memory_space<hbm>> -> memref<10000x16xf32, #tpu.memory_space<hbm>>
      tpu.enqueue_indirect_dma source(%dma_start3A_295 : memref<10000x16xf32, #tpu.memory_space<hbm>>) target(%dma_start3A_289 : memref<128x16xf32, #tpu.memory_space<vmem>>) offsets(%dma_start3A_292 : memref<128xi32, #tpu.memory_space<vmem>>) semaphore(%arg11 : memref<!tpu.dma_semaphore, #tpu.memory_space<semaphore_mem>>)
    }
    %scan3A_19 = arith.constant 40 : i32
    %scan3A_20 = arith.constant 0 : i32
    %scan3A_21 = arith.constant 0 : i32
    %scan3A_22 = arith.constant 128 : i32
    %scan3A_23 = arith.addi %scan3A_21, %scan3A_22 : i32
    %scan3A_24 = arith.constant 1 : i32
    scf.for %scan3A_285 = %scan3A_21 to %scan3A_23 step %scan3A_24  : i32 {
      %broadcast_in_dim3A = arith.constant 0.000000e+00 : f32
      %broadcast_in_dim3A_286 = vector.broadcast %broadcast_in_dim3A : f32 to vector<16xf32>
      %swap3A = arith.index_cast %scan3A_285 : i32 to index
      %swap3A_287 = arith.constant 0 : index
      %swap3A_288 = tpu.vector_load %arg9[%swap3A, %swap3A_287] {strides = array<i32>} : memref<128x16xf32, #tpu.memory_space<vmem>>, vector<1x16xf32>,
      %swap3A_289 = vector.shape_cast %swap3A_288 : vector<1x16xf32> to vector<16xf32>
      %swap3A_290 = vector.shape_cast %broadcast_in_dim3A_286 : vector<16xf32> to vector<1x16xf32>
      tpu.vector_store %arg9[%swap3A, %swap3A_287], %swap3A_290 {strides = array<i32>} : memref<128x16xf32, #tpu.memory_space<vmem>>, vector<1x16xf32>,
    }
    %scan3A_25 = arith.constant 128 : i32
    %mul3A_26 = arith.constant 640 : i32
    %mul3A_27 = arith.muli %arg1, %mul3A_26 : i32
    %add3A_28 = arith.constant 0 : i32
    %add3A_29 = arith.addi %mul3A_27, %add3A_28 : i32
    %dma_start3A_30 = arith.constant 0 : i32
    %dma_start3A_31 = tpu.memref_slice %arg10[%add3A_29, %dma_start3A_30] : memref<10240x16xf32, #tpu.memory_space<vmem_shared>> -> memref<128x16xf32, #tpu.memory_space<vmem_shared>>
    %dma_start3A_32 = arith.constant 0 : i32
    %dma_start3A_33 = tpu.memref_slice %arg10[%add3A_29, %dma_start3A_32] : memref<10240x16xf32, #tpu.memory_space<vmem_shared>> -> memref<128x16xf32, #tpu.memory_space<vmem_shared>>
    tpu.enqueue_dma source(%arg9 : memref<128x16xf32, #tpu.memory_space<vmem>>) target(%dma_start3A_33 : memref<128x16xf32, #tpu.memory_space<vmem_shared>>) target_semaphore(%arg12 : memref<!tpu.dma_semaphore, #tpu.memory_space<semaphore_mem>>)
    %mul3A_34 = arith.constant 640 : i32
    %mul3A_35 = arith.muli %arg1, %mul3A_34 : i32
    %add3A_36 = arith.constant 128 : i32
    %add3A_37 = arith.addi %mul3A_35, %add3A_36 : i32
    %dma_start3A_38 = arith.constant 0 : i32
    %dma_start3A_39 = tpu.memref_slice %arg10[%add3A_37, %dma_start3A_38] : memref<10240x16xf32, #tpu.memory_space<vmem_shared>> -> memref<128x16xf32, #tpu.memory_space<vmem_shared>>
    %dma_start3A_40 = arith.constant 0 : i32
    %dma_start3A_41 = tpu.memref_slice %arg10[%add3A_37, %dma_start3A_40] : memref<10240x16xf32, #tpu.memory_space<vmem_shared>> -> memref<128x16xf32, #tpu.memory_space<vmem_shared>>
    tpu.enqueue_dma source(%arg9 : memref<128x16xf32, #tpu.memory_space<vmem>>) target(%dma_start3A_41 : memref<128x16xf32, #tpu.memory_space<vmem_shared>>) target_semaphore(%arg12 : memref<!tpu.dma_semaphore, #tpu.memory_space<semaphore_mem>>)
    %mul3A_42 = arith.constant 640 : i32
    %mul3A_43 = arith.muli %arg1, %mul3A_42 : i32
    %add3A_44 = arith.constant 256 : i32
    %add3A_45 = arith.addi %mul3A_43, %add3A_44 : i32
    %dma_start3A_46 = arith.constant 0 : i32
    %dma_start3A_47 = tpu.memref_slice %arg10[%add3A_45, %dma_start3A_46] : memref<10240x16xf32, #tpu.memory_space<vmem_shared>> -> memref<128x16xf32, #tpu.memory_space<vmem_shared>>
    %dma_start3A_48 = arith.constant 0 : i32
    %dma_start3A_49 = tpu.memref_slice %arg10[%add3A_45, %dma_start3A_48] : memref<10240x16xf32, #tpu.memory_space<vmem_shared>> -> memref<128x16xf32, #tpu.memory_space<vmem_shared>>
    tpu.enqueue_dma source(%arg9 : memref<128x16xf32, #tpu.memory_space<vmem>>) target(%dma_start3A_49 : memref<128x16xf32, #tpu.memory_space<vmem_shared>>) target_semaphore(%arg12 : memref<!tpu.dma_semaphore, #tpu.memory_space<semaphore_mem>>)
    %mul3A_50 = arith.constant 640 : i32
    %mul3A_51 = arith.muli %arg1, %mul3A_50 : i32
    %add3A_52 = arith.constant 384 : i32
    %add3A_53 = arith.addi %mul3A_51, %add3A_52 : i32
    %dma_start3A_54 = arith.constant 0 : i32
    %dma_start3A_55 = tpu.memref_slice %arg10[%add3A_53, %dma_start3A_54] : memref<10240x16xf32, #tpu.memory_space<vmem_shared>> -> memref<128x16xf32, #tpu.memory_space<vmem_shared>>
    %dma_start3A_56 = arith.constant 0 : i32
    %dma_start3A_57 = tpu.memref_slice %arg10[%add3A_53, %dma_start3A_56] : memref<10240x16xf32, #tpu.memory_space<vmem_shared>> -> memref<128x16xf32, #tpu.memory_space<vmem_shared>>
    tpu.enqueue_dma source(%arg9 : memref<128x16xf32, #tpu.memory_space<vmem>>) target(%dma_start3A_57 : memref<128x16xf32, #tpu.memory_space<vmem_shared>>) target_semaphore(%arg12 : memref<!tpu.dma_semaphore, #tpu.memory_space<semaphore_mem>>)
    %mul3A_58 = arith.constant 640 : i32
    %mul3A_59 = arith.muli %arg1, %mul3A_58 : i32
    %add3A_60 = arith.constant 512 : i32
    %add3A_61 = arith.addi %mul3A_59, %add3A_60 : i32
    %dma_start3A_62 = arith.constant 0 : i32
    %dma_start3A_63 = tpu.memref_slice %arg10[%add3A_61, %dma_start3A_62] : memref<10240x16xf32, #tpu.memory_space<vmem_shared>> -> memref<128x16xf32, #tpu.memory_space<vmem_shared>>
    %dma_start3A_64 = arith.constant 0 : i32
    %dma_start3A_65 = tpu.memref_slice %arg10[%add3A_61, %dma_start3A_64] : memref<10240x16xf32, #tpu.memory_space<vmem_shared>> -> memref<128x16xf32, #tpu.memory_space<vmem_shared>>
    tpu.enqueue_dma source(%arg9 : memref<128x16xf32, #tpu.memory_space<vmem>>) target(%dma_start3A_65 : memref<128x16xf32, #tpu.memory_space<vmem_shared>>) target_semaphore(%arg12 : memref<!tpu.dma_semaphore, #tpu.memory_space<semaphore_mem>>)
    %dma_wait3A_66 = arith.constant 0 : i32
    %dma_wait3A_67 = tpu.memref_slice %arg4[%mul3A_7, %dma_wait3A_66] : memref<1280x128xi32, #tpu.memory_space<hbm>> -> memref<40x128xi32, #tpu.memory_space<hbm>>
    %dma_wait3A_68 = arith.constant 0 : i32
    %dma_wait3A_69 = tpu.memref_slice %arg4[%mul3A_7, %dma_wait3A_68] : memref<1280x128xi32, #tpu.memory_space<hbm>> -> memref<40x128xi32, #tpu.memory_space<hbm>>
    tpu.wait_dma2 semaphore(%arg12 : memref<!tpu.dma_semaphore, #tpu.memory_space<semaphore_mem>>) src(%dma_wait3A_69 : memref<40x128xi32, #tpu.memory_space<hbm>>) dst(%arg7 : memref<40x128xi32, #tpu.memory_space<vmem>>)
    %dma_wait3A_70 = arith.constant 0 : i32
    %dma_wait3A_71 = arith.constant 0 : i32
    %dma_wait3A_72 = tpu.memref_slice %arg8[%dma_wait3A_70, %dma_wait3A_71] : memref<5120x16xf32, #tpu.memory_space<vmem>> -> memref<640x16xf32, #tpu.memory_space<vmem>>
    %dma_wait3A_73 = arith.constant 0 : i32
    %dma_wait3A_74 = arith.constant 0 : i32
    %dma_wait3A_75 = tpu.memref_slice %arg5[%arg0, %dma_wait3A_73, %dma_wait3A_74] : memref<2x10240x16xf32, #tpu.memory_space<hbm>> -> memref<1x640x16xf32, #tpu.memory_space<hbm>>
    %dma_wait3A_76 = tpu.memref_squeeze %dma_wait3A_75 : memref<1x640x16xf32, #tpu.memory_space<hbm>> -> memref<640x16xf32, #tpu.memory_space<hbm>>
    %dma_wait3A_77 = arith.constant 0 : i32
    %dma_wait3A_78 = arith.constant 0 : i32
    %dma_wait3A_79 = tpu.memref_slice %arg8[%dma_wait3A_77, %dma_wait3A_78] : memref<5120x16xf32, #tpu.memory_space<vmem>> -> memref<640x16xf32, #tpu.memory_space<vmem>>
    %dma_wait3A_80 = arith.constant 0 : i32
    %dma_wait3A_81 = arith.constant 0 : i32
    %dma_wait3A_82 = tpu.memref_slice %arg5[%arg0, %dma_wait3A_80, %dma_wait3A_81] : memref<2x10240x16xf32, #tpu.memory_space<hbm>> -> memref<1x640x16xf32, #tpu.memory_space<hbm>>
    %dma_wait3A_83 = tpu.memref_squeeze %dma_wait3A_82 : memref<1x640x16xf32, #tpu.memory_space<hbm>> -> memref<640x16xf32, #tpu.memory_space<hbm>>
    tpu.wait_dma2 semaphore(%arg12 : memref<!tpu.dma_semaphore, #tpu.memory_space<semaphore_mem>>) src(%dma_wait3A_83 : memref<640x16xf32, #tpu.memory_space<hbm>>) dst(%dma_wait3A_79 : memref<640x16xf32, #tpu.memory_space<vmem>>)
    %barrier3A = arith.constant 0 : index
    tpu.barrier barrier_id(%barrier3A)
    %dma_wait3A_84 = arith.constant 0 : i32
    %dma_wait3A_85 = arith.constant 0 : i32
    %dma_wait3A_86 = tpu.memref_slice %arg5[%arg0, %dma_wait3A_84, %dma_wait3A_85] : memref<2x10240x16xf32, #tpu.memory_space<hbm>> -> memref<1x5120x16xf32, #tpu.memory_space<hbm>>
    %dma_wait3A_87 = tpu.memref_squeeze %dma_wait3A_86 : memref<1x5120x16xf32, #tpu.memory_space<hbm>> -> memref<5120x16xf32, #tpu.memory_space<hbm>>
    %dma_wait3A_88 = arith.constant 0 : i32
    %dma_wait3A_89 = arith.constant 0 : i32
    %dma_wait3A_90 = tpu.memref_slice %arg5[%arg0, %dma_wait3A_88, %dma_wait3A_89] : memref<2x10240x16xf32, #tpu.memory_space<hbm>> -> memref<1x5120x16xf32, #tpu.memory_space<hbm>>
    %dma_wait3A_91 = tpu.memref_squeeze %dma_wait3A_90 : memref<1x5120x16xf32, #tpu.memory_space<hbm>> -> memref<5120x16xf32, #tpu.memory_space<hbm>>
    tpu.wait_dma2 semaphore(%arg11 : memref<!tpu.dma_semaphore, #tpu.memory_space<semaphore_mem>>) src(%dma_wait3A_91 : memref<5120x16xf32, #tpu.memory_space<hbm>>) dst(%arg8 : memref<5120x16xf32, #tpu.memory_space<vmem>>)
    %scan3A_92 = arith.constant 0 : i32
    %scan3A_93 = arith.constant 0 : i32
    %scan3A_94 = arith.constant 40 : i32
    %scan3A_95 = arith.addi %scan3A_93, %scan3A_94 : i32
    %scan3A_96 = arith.constant 1 : i32
    scf.for %scan3A_285 = %scan3A_93 to %scan3A_95 step %scan3A_96  : i32 {
      %mul3A_286 = arith.constant 128 : i32
      %mul3A_287 = arith.muli %scan3A_285, %mul3A_286 : i32
      %dma_start3A_288 = arith.constant 0 : i32
      %dma_start3A_289 = tpu.memref_slice %arg8[%mul3A_287, %dma_start3A_288] : memref<5120x16xf32, #tpu.memory_space<vmem>> -> memref<128x16xf32, #tpu.memory_space<vmem>>
      %dma_start3A_290 = arith.constant 0 : i32
      %dma_start3A_291 = tpu.memref_slice %arg7[%scan3A_285, %dma_start3A_290] : memref<40x128xi32, #tpu.memory_space<vmem>> -> memref<1x128xi32, #tpu.memory_space<vmem>>
      %dma_start3A_292 = tpu.memref_squeeze %dma_start3A_291 : memref<1x128xi32, #tpu.memory_space<vmem>> -> memref<128xi32, #tpu.memory_space<vmem>>
      %dma_start3A_293 = arith.constant 0 : i32
      %dma_start3A_294 = arith.constant 0 : i32
      %dma_start3A_295 = tpu.memref_slice %arg10[%dma_start3A_293, %dma_start3A_294] : memref<10240x16xf32, #tpu.memory_space<vmem_shared>> -> memref<10240x16xf32, #tpu.memory_space<vmem_shared>>
      tpu.enqueue_indirect_dma source(%dma_start3A_289 : memref<128x16xf32, #tpu.memory_space<vmem>>) target(%dma_start3A_295 : memref<10240x16xf32, #tpu.memory_space<vmem_shared>>) offsets(%dma_start3A_292 : memref<128xi32, #tpu.memory_space<vmem>>) semaphore(%arg12 : memref<!tpu.dma_semaphore, #tpu.memory_space<semaphore_mem>>) {add = true}
    }
    %scan3A_97 = arith.constant 40 : i32
    %dma_wait3A_98 = arith.constant 0 : i32
    %dma_wait3A_99 = arith.constant 0 : i32
    %dma_wait3A_100 = tpu.memref_slice %arg5[%arg0, %dma_wait3A_98, %dma_wait3A_99] : memref<2x10240x16xf32, #tpu.memory_space<hbm>> -> memref<1x5120x16xf32, #tpu.memory_space<hbm>>
    %dma_wait3A_101 = tpu.memref_squeeze %dma_wait3A_100 : memref<1x5120x16xf32, #tpu.memory_space<hbm>> -> memref<5120x16xf32, #tpu.memory_space<hbm>>
    %dma_wait3A_102 = arith.constant 0 : i32
    %dma_wait3A_103 = arith.constant 0 : i32
    %dma_wait3A_104 = tpu.memref_slice %arg5[%arg0, %dma_wait3A_102, %dma_wait3A_103] : memref<2x10240x16xf32, #tpu.memory_space<hbm>> -> memref<1x5120x16xf32, #tpu.memory_space<hbm>>
    %dma_wait3A_105 = tpu.memref_squeeze %dma_wait3A_104 : memref<1x5120x16xf32, #tpu.memory_space<hbm>> -> memref<5120x16xf32, #tpu.memory_space<hbm>>
    tpu.wait_dma2 semaphore(%arg12 : memref<!tpu.dma_semaphore, #tpu.memory_space<semaphore_mem>>) src(%dma_wait3A_105 : memref<5120x16xf32, #tpu.memory_space<hbm>>) dst(%arg8 : memref<5120x16xf32, #tpu.memory_space<vmem>>)
    %barrier3A_106 = arith.constant 0 : index
    tpu.barrier barrier_id(%barrier3A_106)
    %mul3A_107 = arith.constant 640 : i32
    %mul3A_108 = arith.muli %arg1, %mul3A_107 : i32
    %add3A_109 = arith.constant 0 : i32
    %add3A_110 = arith.addi %mul3A_108, %add3A_109 : i32
    %dma_start3A_111 = arith.constant 0 : i32
    %dma_start3A_112 = arith.constant 0 : i32
    %dma_start3A_113 = tpu.memref_slice %arg8[%dma_start3A_111, %dma_start3A_112] : memref<5120x16xf32, #tpu.memory_space<vmem>> -> memref<128x16xf32, #tpu.memory_space<vmem>>
    %dma_start3A_114 = arith.constant 0 : i32
    %dma_start3A_115 = tpu.memref_slice %arg10[%add3A_110, %dma_start3A_114] : memref<10240x16xf32, #tpu.memory_space<vmem_shared>> -> memref<128x16xf32, #tpu.memory_space<vmem_shared>>
    %dma_start3A_116 = arith.constant 0 : i32
    %dma_start3A_117 = arith.constant 0 : i32
    %dma_start3A_118 = tpu.memref_slice %arg8[%dma_start3A_116, %dma_start3A_117] : memref<5120x16xf32, #tpu.memory_space<vmem>> -> memref<128x16xf32, #tpu.memory_space<vmem>>
    %dma_start3A_119 = arith.constant 0 : i32
    %dma_start3A_120 = tpu.memref_slice %arg10[%add3A_110, %dma_start3A_119] : memref<10240x16xf32, #tpu.memory_space<vmem_shared>> -> memref<128x16xf32, #tpu.memory_space<vmem_shared>>
    tpu.enqueue_dma source(%dma_start3A_120 : memref<128x16xf32, #tpu.memory_space<vmem_shared>>) target(%dma_start3A_118 : memref<128x16xf32, #tpu.memory_space<vmem>>) target_semaphore(%arg11 : memref<!tpu.dma_semaphore, #tpu.memory_space<semaphore_mem>>)
    %mul3A_121 = arith.constant 640 : i32
    %mul3A_122 = arith.muli %arg1, %mul3A_121 : i32
    %add3A_123 = arith.constant 128 : i32
    %add3A_124 = arith.addi %mul3A_122, %add3A_123 : i32
    %dma_start3A_125 = arith.constant 128 : i32
    %dma_start3A_126 = arith.constant 0 : i32
    %dma_start3A_127 = tpu.memref_slice %arg8[%dma_start3A_125, %dma_start3A_126] : memref<5120x16xf32, #tpu.memory_space<vmem>> -> memref<128x16xf32, #tpu.memory_space<vmem>>
    %dma_start3A_128 = arith.constant 0 : i32
    %dma_start3A_129 = tpu.memref_slice %arg10[%add3A_124, %dma_start3A_128] : memref<10240x16xf32, #tpu.memory_space<vmem_shared>> -> memref<128x16xf32, #tpu.memory_space<vmem_shared>>
    %dma_start3A_130 = arith.constant 128 : i32
    %dma_start3A_131 = arith.constant 0 : i32
    %dma_start3A_132 = tpu.memref_slice %arg8[%dma_start3A_130, %dma_start3A_131] : memref<5120x16xf32, #tpu.memory_space<vmem>> -> memref<128x16xf32, #tpu.memory_space<vmem>>
    %dma_start3A_133 = arith.constant 0 : i32
    %dma_start3A_134 = tpu.memref_slice %arg10[%add3A_124, %dma_start3A_133] : memref<10240x16xf32, #tpu.memory_space<vmem_shared>> -> memref<128x16xf32, #tpu.memory_space<vmem_shared>>
    tpu.enqueue_dma source(%dma_start3A_134 : memref<128x16xf32, #tpu.memory_space<vmem_shared>>) target(%dma_start3A_132 : memref<128x16xf32, #tpu.memory_space<vmem>>) target_semaphore(%arg11 : memref<!tpu.dma_semaphore, #tpu.memory_space<semaphore_mem>>)
    %mul3A_135 = arith.constant 640 : i32
    %mul3A_136 = arith.muli %arg1, %mul3A_135 : i32
    %add3A_137 = arith.constant 256 : i32
    %add3A_138 = arith.addi %mul3A_136, %add3A_137 : i32
    %dma_start3A_139 = arith.constant 256 : i32
    %dma_start3A_140 = arith.constant 0 : i32
    %dma_start3A_141 = tpu.memref_slice %arg8[%dma_start3A_139, %dma_start3A_140] : memref<5120x16xf32, #tpu.memory_space<vmem>> -> memref<128x16xf32, #tpu.memory_space<vmem>>
    %dma_start3A_142 = arith.constant 0 : i32
    %dma_start3A_143 = tpu.memref_slice %arg10[%add3A_138, %dma_start3A_142] : memref<10240x16xf32, #tpu.memory_space<vmem_shared>> -> memref<128x16xf32, #tpu.memory_space<vmem_shared>>
    %dma_start3A_144 = arith.constant 256 : i32
    %dma_start3A_145 = arith.constant 0 : i32
    %dma_start3A_146 = tpu.memref_slice %arg8[%dma_start3A_144, %dma_start3A_145] : memref<5120x16xf32, #tpu.memory_space<vmem>> -> memref<128x16xf32, #tpu.memory_space<vmem>>
    %dma_start3A_147 = arith.constant 0 : i32
    %dma_start3A_148 = tpu.memref_slice %arg10[%add3A_138, %dma_start3A_147] : memref<10240x16xf32, #tpu.memory_space<vmem_shared>> -> memref<128x16xf32, #tpu.memory_space<vmem_shared>>
    tpu.enqueue_dma source(%dma_start3A_148 : memref<128x16xf32, #tpu.memory_space<vmem_shared>>) target(%dma_start3A_146 : memref<128x16xf32, #tpu.memory_space<vmem>>) target_semaphore(%arg11 : memref<!tpu.dma_semaphore, #tpu.memory_space<semaphore_mem>>)
    %mul3A_149 = arith.constant 640 : i32
    %mul3A_150 = arith.muli %arg1, %mul3A_149 : i32
    %add3A_151 = arith.constant 384 : i32
    %add3A_152 = arith.addi %mul3A_150, %add3A_151 : i32
    %dma_start3A_153 = arith.constant 384 : i32
    %dma_start3A_154 = arith.constant 0 : i32
    %dma_start3A_155 = tpu.memref_slice %arg8[%dma_start3A_153, %dma_start3A_154] : memref<5120x16xf32, #tpu.memory_space<vmem>> -> memref<128x16xf32, #tpu.memory_space<vmem>>
    %dma_start3A_156 = arith.constant 0 : i32
    %dma_start3A_157 = tpu.memref_slice %arg10[%add3A_152, %dma_start3A_156] : memref<10240x16xf32, #tpu.memory_space<vmem_shared>> -> memref<128x16xf32, #tpu.memory_space<vmem_shared>>
    %dma_start3A_158 = arith.constant 384 : i32
    %dma_start3A_159 = arith.constant 0 : i32
    %dma_start3A_160 = tpu.memref_slice %arg8[%dma_start3A_158, %dma_start3A_159] : memref<5120x16xf32, #tpu.memory_space<vmem>> -> memref<128x16xf32, #tpu.memory_space<vmem>>
    %dma_start3A_161 = arith.constant 0 : i32
    %dma_start3A_162 = tpu.memref_slice %arg10[%add3A_152, %dma_start3A_161] : memref<10240x16xf32, #tpu.memory_space<vmem_shared>> -> memref<128x16xf32, #tpu.memory_space<vmem_shared>>
    tpu.enqueue_dma source(%dma_start3A_162 : memref<128x16xf32, #tpu.memory_space<vmem_shared>>) target(%dma_start3A_160 : memref<128x16xf32, #tpu.memory_space<vmem>>) target_semaphore(%arg11 : memref<!tpu.dma_semaphore, #tpu.memory_space<semaphore_mem>>)
    %mul3A_163 = arith.constant 640 : i32
    %mul3A_164 = arith.muli %arg1, %mul3A_163 : i32
    %add3A_165 = arith.constant 512 : i32
    %add3A_166 = arith.addi %mul3A_164, %add3A_165 : i32
    %dma_start3A_167 = arith.constant 512 : i32
    %dma_start3A_168 = arith.constant 0 : i32
    %dma_start3A_169 = tpu.memref_slice %arg8[%dma_start3A_167, %dma_start3A_168] : memref<5120x16xf32, #tpu.memory_space<vmem>> -> memref<128x16xf32, #tpu.memory_space<vmem>>
    %dma_start3A_170 = arith.constant 0 : i32
    %dma_start3A_171 = tpu.memref_slice %arg10[%add3A_166, %dma_start3A_170] : memref<10240x16xf32, #tpu.memory_space<vmem_shared>> -> memref<128x16xf32, #tpu.memory_space<vmem_shared>>
    %dma_start3A_172 = arith.constant 512 : i32
    %dma_start3A_173 = arith.constant 0 : i32
    %dma_start3A_174 = tpu.memref_slice %arg8[%dma_start3A_172, %dma_start3A_173] : memref<5120x16xf32, #tpu.memory_space<vmem>> -> memref<128x16xf32, #tpu.memory_space<vmem>>
    %dma_start3A_175 = arith.constant 0 : i32
    %dma_start3A_176 = tpu.memref_slice %arg10[%add3A_166, %dma_start3A_175] : memref<10240x16xf32, #tpu.memory_space<vmem_shared>> -> memref<128x16xf32, #tpu.memory_space<vmem_shared>>
    tpu.enqueue_dma source(%dma_start3A_176 : memref<128x16xf32, #tpu.memory_space<vmem_shared>>) target(%dma_start3A_174 : memref<128x16xf32, #tpu.memory_space<vmem>>) target_semaphore(%arg11 : memref<!tpu.dma_semaphore, #tpu.memory_space<semaphore_mem>>)
    %dma_wait3A_177 = arith.constant 0 : i32
    %dma_wait3A_178 = arith.constant 0 : i32
    %dma_wait3A_179 = tpu.memref_slice %arg8[%dma_wait3A_177, %dma_wait3A_178] : memref<5120x16xf32, #tpu.memory_space<vmem>> -> memref<640x16xf32, #tpu.memory_space<vmem>>
    %dma_wait3A_180 = arith.constant 0 : i32
    %dma_wait3A_181 = arith.constant 0 : i32
    %dma_wait3A_182 = tpu.memref_slice %arg5[%arg0, %dma_wait3A_180, %dma_wait3A_181] : memref<2x10240x16xf32, #tpu.memory_space<hbm>> -> memref<1x640x16xf32, #tpu.memory_space<hbm>>
    %dma_wait3A_183 = tpu.memref_squeeze %dma_wait3A_182 : memref<1x640x16xf32, #tpu.memory_space<hbm>> -> memref<640x16xf32, #tpu.memory_space<hbm>>
    %dma_wait3A_184 = arith.constant 0 : i32
    %dma_wait3A_185 = arith.constant 0 : i32
    %dma_wait3A_186 = tpu.memref_slice %arg8[%dma_wait3A_184, %dma_wait3A_185] : memref<5120x16xf32, #tpu.memory_space<vmem>> -> memref<640x16xf32, #tpu.memory_space<vmem>>
    %dma_wait3A_187 = arith.constant 0 : i32
    %dma_wait3A_188 = arith.constant 0 : i32
    %dma_wait3A_189 = tpu.memref_slice %arg5[%arg0, %dma_wait3A_187, %dma_wait3A_188] : memref<2x10240x16xf32, #tpu.memory_space<hbm>> -> memref<1x640x16xf32, #tpu.memory_space<hbm>>
    %dma_wait3A_190 = tpu.memref_squeeze %dma_wait3A_189 : memref<1x640x16xf32, #tpu.memory_space<hbm>> -> memref<640x16xf32, #tpu.memory_space<hbm>>
    tpu.wait_dma2 semaphore(%arg11 : memref<!tpu.dma_semaphore, #tpu.memory_space<semaphore_mem>>) src(%dma_wait3A_190 : memref<640x16xf32, #tpu.memory_space<hbm>>) dst(%dma_wait3A_186 : memref<640x16xf32, #tpu.memory_space<vmem>>)
    %mul3A_191 = arith.constant 640 : i32
    %mul3A_192 = arith.muli %arg1, %mul3A_191 : i32
    %add3A_193 = arith.constant 0 : i32
    %add3A_194 = arith.addi %mul3A_192, %add3A_193 : i32
    %dma_start3A_195 = arith.constant 0 : i32
    %dma_start3A_196 = arith.constant 0 : i32
    %dma_start3A_197 = tpu.memref_slice %arg8[%dma_start3A_195, %dma_start3A_196] : memref<5120x16xf32, #tpu.memory_space<vmem>> -> memref<128x16xf32, #tpu.memory_space<vmem>>
    %dma_start3A_198 = arith.constant 0 : i32
    %dma_start3A_199 = tpu.memref_slice %arg5[%arg0, %add3A_194, %dma_start3A_198] : memref<2x10240x16xf32, #tpu.memory_space<hbm>> -> memref<1x128x16xf32, #tpu.memory_space<hbm>>
    %dma_start3A_200 = tpu.memref_squeeze %dma_start3A_199 : memref<1x128x16xf32, #tpu.memory_space<hbm>> -> memref<128x16xf32, #tpu.memory_space<hbm>>
    %dma_start3A_201 = arith.constant 0 : i32
    %dma_start3A_202 = tpu.memref_slice %arg5[%arg0, %add3A_194, %dma_start3A_201] : memref<2x10240x16xf32, #tpu.memory_space<hbm>> -> memref<1x128x16xf32, #tpu.memory_space<hbm>>
    %dma_start3A_203 = tpu.memref_squeeze %dma_start3A_202 : memref<1x128x16xf32, #tpu.memory_space<hbm>> -> memref<128x16xf32, #tpu.memory_space<hbm>>
    %dma_start3A_204 = arith.constant 0 : i32
    %dma_start3A_205 = arith.constant 0 : i32
    %dma_start3A_206 = tpu.memref_slice %arg8[%dma_start3A_204, %dma_start3A_205] : memref<5120x16xf32, #tpu.memory_space<vmem>> -> memref<128x16xf32, #tpu.memory_space<vmem>>
    tpu.enqueue_dma source(%dma_start3A_206 : memref<128x16xf32, #tpu.memory_space<vmem>>) target(%dma_start3A_203 : memref<128x16xf32, #tpu.memory_space<hbm>>) target_semaphore(%arg12 : memref<!tpu.dma_semaphore, #tpu.memory_space<semaphore_mem>>)
    %mul3A_207 = arith.constant 640 : i32
    %mul3A_208 = arith.muli %arg1, %mul3A_207 : i32
    %add3A_209 = arith.constant 128 : i32
    %add3A_210 = arith.addi %mul3A_208, %add3A_209 : i32
    %dma_start3A_211 = arith.constant 128 : i32
    %dma_start3A_212 = arith.constant 0 : i32
    %dma_start3A_213 = tpu.memref_slice %arg8[%dma_start3A_211, %dma_start3A_212] : memref<5120x16xf32, #tpu.memory_space<vmem>> -> memref<128x16xf32, #tpu.memory_space<vmem>>
    %dma_start3A_214 = arith.constant 0 : i32
    %dma_start3A_215 = tpu.memref_slice %arg5[%arg0, %add3A_210, %dma_start3A_214] : memref<2x10240x16xf32, #tpu.memory_space<hbm>> -> memref<1x128x16xf32, #tpu.memory_space<hbm>>
    %dma_start3A_216 = tpu.memref_squeeze %dma_start3A_215 : memref<1x128x16xf32, #tpu.memory_space<hbm>> -> memref<128x16xf32, #tpu.memory_space<hbm>>
    %dma_start3A_217 = arith.constant 0 : i32
    %dma_start3A_218 = tpu.memref_slice %arg5[%arg0, %add3A_210, %dma_start3A_217] : memref<2x10240x16xf32, #tpu.memory_space<hbm>> -> memref<1x128x16xf32, #tpu.memory_space<hbm>>
    %dma_start3A_219 = tpu.memref_squeeze %dma_start3A_218 : memref<1x128x16xf32, #tpu.memory_space<hbm>> -> memref<128x16xf32, #tpu.memory_space<hbm>>
    %dma_start3A_220 = arith.constant 128 : i32
    %dma_start3A_221 = arith.constant 0 : i32
    %dma_start3A_222 = tpu.memref_slice %arg8[%dma_start3A_220, %dma_start3A_221] : memref<5120x16xf32, #tpu.memory_space<vmem>> -> memref<128x16xf32, #tpu.memory_space<vmem>>
    tpu.enqueue_dma source(%dma_start3A_222 : memref<128x16xf32, #tpu.memory_space<vmem>>) target(%dma_start3A_219 : memref<128x16xf32, #tpu.memory_space<hbm>>) target_semaphore(%arg12 : memref<!tpu.dma_semaphore, #tpu.memory_space<semaphore_mem>>)
    %mul3A_223 = arith.constant 640 : i32
    %mul3A_224 = arith.muli %arg1, %mul3A_223 : i32
    %add3A_225 = arith.constant 256 : i32
    %add3A_226 = arith.addi %mul3A_224, %add3A_225 : i32
    %dma_start3A_227 = arith.constant 256 : i32
    %dma_start3A_228 = arith.constant 0 : i32
    %dma_start3A_229 = tpu.memref_slice %arg8[%dma_start3A_227, %dma_start3A_228] : memref<5120x16xf32, #tpu.memory_space<vmem>> -> memref<128x16xf32, #tpu.memory_space<vmem>>
    %dma_start3A_230 = arith.constant 0 : i32
    %dma_start3A_231 = tpu.memref_slice %arg5[%arg0, %add3A_226, %dma_start3A_230] : memref<2x10240x16xf32, #tpu.memory_space<hbm>> -> memref<1x128x16xf32, #tpu.memory_space<hbm>>
    %dma_start3A_232 = tpu.memref_squeeze %dma_start3A_231 : memref<1x128x16xf32, #tpu.memory_space<hbm>> -> memref<128x16xf32, #tpu.memory_space<hbm>>
    %dma_start3A_233 = arith.constant 0 : i32
    %dma_start3A_234 = tpu.memref_slice %arg5[%arg0, %add3A_226, %dma_start3A_233] : memref<2x10240x16xf32, #tpu.memory_space<hbm>> -> memref<1x128x16xf32, #tpu.memory_space<hbm>>
    %dma_start3A_235 = tpu.memref_squeeze %dma_start3A_234 : memref<1x128x16xf32, #tpu.memory_space<hbm>> -> memref<128x16xf32, #tpu.memory_space<hbm>>
    %dma_start3A_236 = arith.constant 256 : i32
    %dma_start3A_237 = arith.constant 0 : i32
    %dma_start3A_238 = tpu.memref_slice %arg8[%dma_start3A_236, %dma_start3A_237] : memref<5120x16xf32, #tpu.memory_space<vmem>> -> memref<128x16xf32, #tpu.memory_space<vmem>>
    tpu.enqueue_dma source(%dma_start3A_238 : memref<128x16xf32, #tpu.memory_space<vmem>>) target(%dma_start3A_235 : memref<128x16xf32, #tpu.memory_space<hbm>>) target_semaphore(%arg12 : memref<!tpu.dma_semaphore, #tpu.memory_space<semaphore_mem>>)
    %mul3A_239 = arith.constant 640 : i32
    %mul3A_240 = arith.muli %arg1, %mul3A_239 : i32
    %add3A_241 = arith.constant 384 : i32
    %add3A_242 = arith.addi %mul3A_240, %add3A_241 : i32
    %dma_start3A_243 = arith.constant 384 : i32
    %dma_start3A_244 = arith.constant 0 : i32
    %dma_start3A_245 = tpu.memref_slice %arg8[%dma_start3A_243, %dma_start3A_244] : memref<5120x16xf32, #tpu.memory_space<vmem>> -> memref<128x16xf32, #tpu.memory_space<vmem>>
    %dma_start3A_246 = arith.constant 0 : i32
    %dma_start3A_247 = tpu.memref_slice %arg5[%arg0, %add3A_242, %dma_start3A_246] : memref<2x10240x16xf32, #tpu.memory_space<hbm>> -> memref<1x128x16xf32, #tpu.memory_space<hbm>>
    %dma_start3A_248 = tpu.memref_squeeze %dma_start3A_247 : memref<1x128x16xf32, #tpu.memory_space<hbm>> -> memref<128x16xf32, #tpu.memory_space<hbm>>
    %dma_start3A_249 = arith.constant 0 : i32
    %dma_start3A_250 = tpu.memref_slice %arg5[%arg0, %add3A_242, %dma_start3A_249] : memref<2x10240x16xf32, #tpu.memory_space<hbm>> -> memref<1x128x16xf32, #tpu.memory_space<hbm>>
    %dma_start3A_251 = tpu.memref_squeeze %dma_start3A_250 : memref<1x128x16xf32, #tpu.memory_space<hbm>> -> memref<128x16xf32, #tpu.memory_space<hbm>>
    %dma_start3A_252 = arith.constant 384 : i32
    %dma_start3A_253 = arith.constant 0 : i32
    %dma_start3A_254 = tpu.memref_slice %arg8[%dma_start3A_252, %dma_start3A_253] : memref<5120x16xf32, #tpu.memory_space<vmem>> -> memref<128x16xf32, #tpu.memory_space<vmem>>
    tpu.enqueue_dma source(%dma_start3A_254 : memref<128x16xf32, #tpu.memory_space<vmem>>) target(%dma_start3A_251 : memref<128x16xf32, #tpu.memory_space<hbm>>) target_semaphore(%arg12 : memref<!tpu.dma_semaphore, #tpu.memory_space<semaphore_mem>>)
    %mul3A_255 = arith.constant 640 : i32
    %mul3A_256 = arith.muli %arg1, %mul3A_255 : i32
    %add3A_257 = arith.constant 512 : i32
    %add3A_258 = arith.addi %mul3A_256, %add3A_257 : i32
    %dma_start3A_259 = arith.constant 512 : i32
    %dma_start3A_260 = arith.constant 0 : i32
    %dma_start3A_261 = tpu.memref_slice %arg8[%dma_start3A_259, %dma_start3A_260] : memref<5120x16xf32, #tpu.memory_space<vmem>> -> memref<128x16xf32, #tpu.memory_space<vmem>>
    %dma_start3A_262 = arith.constant 0 : i32
    %dma_start3A_263 = tpu.memref_slice %arg5[%arg0, %add3A_258, %dma_start3A_262] : memref<2x10240x16xf32, #tpu.memory_space<hbm>> -> memref<1x128x16xf32, #tpu.memory_space<hbm>>
    %dma_start3A_264 = tpu.memref_squeeze %dma_start3A_263 : memref<1x128x16xf32, #tpu.memory_space<hbm>> -> memref<128x16xf32, #tpu.memory_space<hbm>>
    %dma_start3A_265 = arith.constant 0 : i32
    %dma_start3A_266 = tpu.memref_slice %arg5[%arg0, %add3A_258, %dma_start3A_265] : memref<2x10240x16xf32, #tpu.memory_space<hbm>> -> memref<1x128x16xf32, #tpu.memory_space<hbm>>
    %dma_start3A_267 = tpu.memref_squeeze %dma_start3A_266 : memref<1x128x16xf32, #tpu.memory_space<hbm>> -> memref<128x16xf32, #tpu.memory_space<hbm>>
    %dma_start3A_268 = arith.constant 512 : i32
    %dma_start3A_269 = arith.constant 0 : i32
    %dma_start3A_270 = tpu.memref_slice %arg8[%dma_start3A_268, %dma_start3A_269] : memref<5120x16xf32, #tpu.memory_space<vmem>> -> memref<128x16xf32, #tpu.memory_space<vmem>>
    tpu.enqueue_dma source(%dma_start3A_270 : memref<128x16xf32, #tpu.memory_space<vmem>>) target(%dma_start3A_267 : memref<128x16xf32, #tpu.memory_space<hbm>>) target_semaphore(%arg12 : memref<!tpu.dma_semaphore, #tpu.memory_space<semaphore_mem>>)
    %dma_wait3A_271 = arith.constant 0 : i32
    %dma_wait3A_272 = arith.constant 0 : i32
    %dma_wait3A_273 = tpu.memref_slice %arg8[%dma_wait3A_271, %dma_wait3A_272] : memref<5120x16xf32, #tpu.memory_space<vmem>> -> memref<640x16xf32, #tpu.memory_space<vmem>>
    %dma_wait3A_274 = arith.constant 0 : i32
    %dma_wait3A_275 = arith.constant 0 : i32
    %dma_wait3A_276 = tpu.memref_slice %arg5[%arg0, %dma_wait3A_274, %dma_wait3A_275] : memref<2x10240x16xf32, #tpu.memory_space<hbm>> -> memref<1x640x16xf32, #tpu.memory_space<hbm>>
    %dma_wait3A_277 = tpu.memref_squeeze %dma_wait3A_276 : memref<1x640x16xf32, #tpu.memory_space<hbm>> -> memref<640x16xf32, #tpu.memory_space<hbm>>
    %dma_wait3A_278 = arith.constant 0 : i32
    %dma_wait3A_279 = arith.constant 0 : i32
    %dma_wait3A_280 = tpu.memref_slice %arg8[%dma_wait3A_278, %dma_wait3A_279] : memref<5120x16xf32, #tpu.memory_space<vmem>> -> memref<640x16xf32, #tpu.memory_space<vmem>>
    %dma_wait3A_281 = arith.constant 0 : i32
    %dma_wait3A_282 = arith.constant 0 : i32
    %dma_wait3A_283 = tpu.memref_slice %arg5[%arg0, %dma_wait3A_281, %dma_wait3A_282] : memref<2x10240x16xf32, #tpu.memory_space<hbm>> -> memref<1x640x16xf32, #tpu.memory_space<hbm>>
    %dma_wait3A_284 = tpu.memref_squeeze %dma_wait3A_283 : memref<1x640x16xf32, #tpu.memory_space<hbm>> -> memref<640x16xf32, #tpu.memory_space<hbm>>
    tpu.wait_dma2 semaphore(%arg12 : memref<!tpu.dma_semaphore, #tpu.memory_space<semaphore_mem>>) src(%dma_wait3A_284 : memref<640x16xf32, #tpu.memory_space<hbm>>) dst(%dma_wait3A_280 : memref<640x16xf32, #tpu.memory_space<vmem>>)
    return
  }
}

#map = affine_map<(d0, d1) -> (0, 0)>
#map1 = affine_map<(d0, d1) -> (0, 0, 0)>
module attributes {stable_mosaic.version = 14 : i64} {
  func.func @k(%arg0: i32, %arg1: i32, %arg2: memref<10000x16xf32, #tpu.memory_space<hbm>>, %arg3: memref<1280x128xi32, #tpu.memory_space<hbm>>, %arg4: memref<1280x128xi32, #tpu.memory_space<hbm>>, %arg5: memref<2x10240x16xf32, #tpu.memory_space<hbm>>, %arg6: memref<40x128xi32, #tpu.memory_space<vmem>>, %arg7: memref<40x128xi32, #tpu.memory_space<vmem>>, %arg8: memref<5120x16xf32, #tpu.memory_space<vmem>>, %arg9: memref<128x16xf32, #tpu.memory_space<vmem>>, %arg10: memref<10240x16xf32, #tpu.memory_space<vmem_shared>>, %arg11: memref<!tpu.dma_semaphore, #tpu.memory_space<semaphore_mem>>, %arg12: memref<!tpu.dma_semaphore, #tpu.memory_space<semaphore_mem>>) attributes {dimension_semantics = [#tpu.dimension_semantics<core_parallel>, #tpu.dimension_semantics<subcore_parallel>], iteration_bounds = array<i64: 2, 16>, scalar_prefetch = 0 : i64, scratch_operands = 7 : i64, tpu.core_type = #tpu.core_type<sc_vector_subcore>, window_params = [{transform_indices = #map}, {transform_indices = #map}, {transform_indices = #map}, {transform_indices = #map1}]} {
    %mul3A = arith.constant 16 : i32
    %mul3A_0 = arith.muli %arg0, %mul3A : i32
    %add3A = arith.addi %mul3A_0, %arg1 : i32
    %mul3A_1 = arith.constant 40 : i32
    %mul3A_2 = arith.muli %add3A, %mul3A_1 : i32
    %dma_start3A = arith.constant 0 : i32
    %dma_start3A_3 = tpu.memref_slice %arg3[%mul3A_2, %dma_start3A] : memref<1280x128xi32, #tpu.memory_space<hbm>> -> memref<40x128xi32, #tpu.memory_space<hbm>>
    %dma_start3A_4 = arith.constant 0 : i32
    %dma_start3A_5 = tpu.memref_slice %arg3[%mul3A_2, %dma_start3A_4] : memref<1280x128xi32, #tpu.memory_space<hbm>> -> memref<40x128xi32, #tpu.memory_space<hbm>>
    tpu.enqueue_dma source(%dma_start3A_5 : memref<40x128xi32, #tpu.memory_space<hbm>>) target(%arg6 : memref<40x128xi32, #tpu.memory_space<vmem>>) target_semaphore(%arg11 : memref<!tpu.dma_semaphore, #tpu.memory_space<semaphore_mem>>)
    %mul3A_6 = arith.constant 40 : i32
    %mul3A_7 = arith.muli %add3A, %mul3A_6 : i32
    %dma_start3A_8 = arith.constant 0 : i32
    %dma_start3A_9 = tpu.memref_slice %arg4[%mul3A_7, %dma_start3A_8] : memref<1280x128xi32, #tpu.memory_space<hbm>> -> memref<40x128xi32, #tpu.memory_space<hbm>>
    %dma_start3A_10 = arith.constant 0 : i32
    %dma_start3A_11 = tpu.memref_slice %arg4[%mul3A_7, %dma_start3A_10] : memref<1280x128xi32, #tpu.memory_space<hbm>> -> memref<40x128xi32, #tpu.memory_space<hbm>>
    tpu.enqueue_dma source(%dma_start3A_11 : memref<40x128xi32, #tpu.memory_space<hbm>>) target(%arg7 : memref<40x128xi32, #tpu.memory_space<vmem>>) target_semaphore(%arg12 : memref<!tpu.dma_semaphore, #tpu.memory_space<semaphore_mem>>)
    %dma_wait3A = arith.constant 0 : i32
    %dma_wait3A_12 = tpu.memref_slice %arg3[%mul3A_2, %dma_wait3A] : memref<1280x128xi32, #tpu.memory_space<hbm>> -> memref<40x128xi32, #tpu.memory_space<hbm>>
    %dma_wait3A_13 = arith.constant 0 : i32
    %dma_wait3A_14 = tpu.memref_slice %arg3[%mul3A_2, %dma_wait3A_13] : memref<1280x128xi32, #tpu.memory_space<hbm>> -> memref<40x128xi32, #tpu.memory_space<hbm>>
    tpu.wait_dma2 semaphore(%arg11 : memref<!tpu.dma_semaphore, #tpu.memory_space<semaphore_mem>>) src(%dma_wait3A_14 : memref<40x128xi32, #tpu.memory_space<hbm>>) dst(%arg6 : memref<40x128xi32, #tpu.memory_space<vmem>>)
    %scan3A = arith.constant 0 : i32
    %scan3A_15 = arith.constant 0 : i32
    %scan3A_16 = arith.constant 40 : i32
    %scan3A_17 = arith.addi %scan3A_15, %scan3A_16 : i32
    %scan3A_18 = arith.constant 1 : i32
    scf.for %scan3A_285 = %scan3A_15 to %scan3A_17 step %scan3A_18  : i32 {
      %mul3A_286 = arith.constant 128 : i32
      %mul3A_287 = arith.muli %scan3A_285, %mul3A_286 : i32
      %dma_start3A_288 = arith.constant 0 : i32
      %dma_start3A_289 = tpu.memref_slice %arg8[%mul3A_287, %dma_start3A_288] : memref<5120x16xf32, #tpu.memory_space<vmem>> -> memref<128x16xf32, #tpu.memory_space<vmem>>
      %dma_start3A_290 = arith.constant 0 : i32
      %dma_start3A_291 = tpu.memref_slice %arg6[%scan3A_285, %dma_start3A_290] : memref<40x128xi32, #tpu.memory_space<vmem>> -> memref<1x128xi32, #tpu.memory_space<vmem>>
      %dma_start3A_292 = tpu.memref_squeeze %dma_start3A_291 : memref<1x128xi32, #tpu.memory_space<vmem>> -> memref<128xi32, #tpu.memory_space<vmem>>
      %dma_start3A_293 = arith.constant 0 : i32
      %dma_start3A_294 = arith.constant 0 : i32
      %dma_start3A_295 = tpu.memref_slice %arg2[%dma_start3A_293, %dma_start3A_294] : memref<10000x16xf32, #tpu.memory_space<hbm>> -> memref<10000x16xf32, #tpu.memory_space<hbm>>
      tpu.enqueue_indirect_dma source(%dma_start3A_295 : memref<10000x16xf32, #tpu.memory_space<hbm>>) target(%dma_start3A_289 : memref<128x16xf32, #tpu.memory_space<vmem>>) offsets(%dma_start3A_292 : memref<128xi32, #tpu.memory_space<vmem>>) semaphore(%arg11 : memref<!tpu.dma_semaphore, #tpu.memory_space<semaphore_mem>>)
    }
    %scan3A_19 = arith.constant 40 : i32
    %scan3A_20 = arith.constant 0 : i32
    %scan3A_21 = arith.constant 0 : i32
    %scan3A_22 = arith.constant 128 : i32
    %scan3A_23 = arith.addi %scan3A_21, %scan3A_22 : i32
    %scan3A_24 = arith.constant 1 : i32
    scf.for %scan3A_285 = %scan3A_21 to %scan3A_23 step %scan3A_24  : i32 {
      %broadcast_in_dim3A = arith.constant 0.000000e+00 : f32
      %broadcast_in_dim3A_286 = vector.broadcast %broadcast_in_dim3A : f32 to vector<16xf32>
      %swap3A = arith.index_cast %scan3A_285 : i32 to index
      %swap3A_287 = arith.constant 0 : index
      %swap3A_288 = tpu.vector_load %arg9[%swap3A, %swap3A_287] {strides = array<i32>} : memref<128x16xf32, #tpu.memory_space<vmem>>, vector<1x16xf32>,
      %swap3A_289 = vector.shape_cast %swap3A_288 : vector<1x16xf32> to vector<16xf32>
      %swap3A_290 = vector.shape_cast %broadcast_in_dim3A_286 : vector<16xf32> to vector<1x16xf32>
      tpu.vector_store %arg9[%swap3A, %swap3A_287], %swap3A_290 {strides = array<i32>} : memref<128x16xf32, #tpu.memory_space<vmem>>, vector<1x16xf32>,
    }
    %scan3A_25 = arith.constant 128 : i32
    %mul3A_26 = arith.constant 640 : i32
    %mul3A_27 = arith.muli %arg1, %mul3A_26 : i32
    %add3A_28 = arith.constant 0 : i32
    %add3A_29 = arith.addi %mul3A_27, %add3A_28 : i32
    %dma_start3A_30 = arith.constant 0 : i32
    %dma_start3A_31 = tpu.memref_slice %arg10[%add3A_29, %dma_start3A_30] : memref<10240x16xf32, #tpu.memory_space<vmem_shared>> -> memref<128x16xf32, #tpu.memory_space<vmem_shared>>
    %dma_start3A_32 = arith.constant 0 : i32
    %dma_start3A_33 = tpu.memref_slice %arg10[%add3A_29, %dma_start3A_32] : memref<10240x16xf32, #tpu.memory_space<vmem_shared>> -> memref<128x16xf32, #tpu.memory_space<vmem_shared>>
    tpu.enqueue_dma source(%arg9 : memref<128x16xf32, #tpu.memory_space<vmem>>) target(%dma_start3A_33 : memref<128x16xf32, #tpu.memory_space<vmem_shared>>) target_semaphore(%arg12 : memref<!tpu.dma_semaphore, #tpu.memory_space<semaphore_mem>>)
    %mul3A_34 = arith.constant 640 : i32
    %mul3A_35 = arith.muli %arg1, %mul3A_34 : i32
    %add3A_36 = arith.constant 128 : i32
    %add3A_37 = arith.addi %mul3A_35, %add3A_36 : i32
    %dma_start3A_38 = arith.constant 0 : i32
    %dma_start3A_39 = tpu.memref_slice %arg10[%add3A_37, %dma_start3A_38] : memref<10240x16xf32, #tpu.memory_space<vmem_shared>> -> memref<128x16xf32, #tpu.memory_space<vmem_shared>>
    %dma_start3A_40 = arith.constant 0 : i32
    %dma_start3A_41 = tpu.memref_slice %arg10[%add3A_37, %dma_start3A_40] : memref<10240x16xf32, #tpu.memory_space<vmem_shared>> -> memref<128x16xf32, #tpu.memory_space<vmem_shared>>
    tpu.enqueue_dma source(%arg9 : memref<128x16xf32, #tpu.memory_space<vmem>>) target(%dma_start3A_41 : memref<128x16xf32, #tpu.memory_space<vmem_shared>>) target_semaphore(%arg12 : memref<!tpu.dma_semaphore, #tpu.memory_space<semaphore_mem>>)
    %mul3A_42 = arith.constant 640 : i32
    %mul3A_43 = arith.muli %arg1, %mul3A_42 : i32
    %add3A_44 = arith.constant 256 : i32
    %add3A_45 = arith.addi %mul3A_43, %add3A_44 : i32
    %dma_start3A_46 = arith.constant 0 : i32
    %dma_start3A_47 = tpu.memref_slice %arg10[%add3A_45, %dma_start3A_46] : memref<10240x16xf32, #tpu.memory_space<vmem_shared>> -> memref<128x16xf32, #tpu.memory_space<vmem_shared>>
    %dma_start3A_48 = arith.constant 0 : i32
    %dma_start3A_49 = tpu.memref_slice %arg10[%add3A_45, %dma_start3A_48] : memref<10240x16xf32, #tpu.memory_space<vmem_shared>> -> memref<128x16xf32, #tpu.memory_space<vmem_shared>>
    tpu.enqueue_dma source(%arg9 : memref<128x16xf32, #tpu.memory_space<vmem>>) target(%dma_start3A_49 : memref<128x16xf32, #tpu.memory_space<vmem_shared>>) target_semaphore(%arg12 : memref<!tpu.dma_semaphore, #tpu.memory_space<semaphore_mem>>)
    %mul3A_50 = arith.constant 640 : i32
    %mul3A_51 = arith.muli %arg1, %mul3A_50 : i32
    %add3A_52 = arith.constant 384 : i32
    %add3A_53 = arith.addi %mul3A_51, %add3A_52 : i32
    %dma_start3A_54 = arith.constant 0 : i32
    %dma_start3A_55 = tpu.memref_slice %arg10[%add3A_53, %dma_start3A_54] : memref<10240x16xf32, #tpu.memory_space<vmem_shared>> -> memref<128x16xf32, #tpu.memory_space<vmem_shared>>
    %dma_start3A_56 = arith.constant 0 : i32
    %dma_start3A_57 = tpu.memref_slice %arg10[%add3A_53, %dma_start3A_56] : memref<10240x16xf32, #tpu.memory_space<vmem_shared>> -> memref<128x16xf32, #tpu.memory_space<vmem_shared>>
    tpu.enqueue_dma source(%arg9 : memref<128x16xf32, #tpu.memory_space<vmem>>) target(%dma_start3A_57 : memref<128x16xf32, #tpu.memory_space<vmem_shared>>) target_semaphore(%arg12 : memref<!tpu.dma_semaphore, #tpu.memory_space<semaphore_mem>>)
    %mul3A_58 = arith.constant 640 : i32
    %mul3A_59 = arith.muli %arg1, %mul3A_58 : i32
    %add3A_60 = arith.constant 512 : i32
    %add3A_61 = arith.addi %mul3A_59, %add3A_60 : i32
    %dma_start3A_62 = arith.constant 0 : i32
    %dma_start3A_63 = tpu.memref_slice %arg10[%add3A_61, %dma_start3A_62] : memref<10240x16xf32, #tpu.memory_space<vmem_shared>> -> memref<128x16xf32, #tpu.memory_space<vmem_shared>>
    %dma_start3A_64 = arith.constant 0 : i32
    %dma_start3A_65 = tpu.memref_slice %arg10[%add3A_61, %dma_start3A_64] : memref<10240x16xf32, #tpu.memory_space<vmem_shared>> -> memref<128x16xf32, #tpu.memory_space<vmem_shared>>
    tpu.enqueue_dma source(%arg9 : memref<128x16xf32, #tpu.memory_space<vmem>>) target(%dma_start3A_65 : memref<128x16xf32, #tpu.memory_space<vmem_shared>>) target_semaphore(%arg12 : memref<!tpu.dma_semaphore, #tpu.memory_space<semaphore_mem>>)
    %dma_wait3A_66 = arith.constant 0 : i32
    %dma_wait3A_67 = tpu.memref_slice %arg4[%mul3A_7, %dma_wait3A_66] : memref<1280x128xi32, #tpu.memory_space<hbm>> -> memref<40x128xi32, #tpu.memory_space<hbm>>
    %dma_wait3A_68 = arith.constant 0 : i32
    %dma_wait3A_69 = tpu.memref_slice %arg4[%mul3A_7, %dma_wait3A_68] : memref<1280x128xi32, #tpu.memory_space<hbm>> -> memref<40x128xi32, #tpu.memory_space<hbm>>
    tpu.wait_dma2 semaphore(%arg12 : memref<!tpu.dma_semaphore, #tpu.memory_space<semaphore_mem>>) src(%dma_wait3A_69 : memref<40x128xi32, #tpu.memory_space<hbm>>) dst(%arg7 : memref<40x128xi32, #tpu.memory_space<vmem>>)
    %dma_wait3A_70 = arith.constant 0 : i32
    %dma_wait3A_71 = arith.constant 0 : i32
    %dma_wait3A_72 = tpu.memref_slice %arg8[%dma_wait3A_70, %dma_wait3A_71] : memref<5120x16xf32, #tpu.memory_space<vmem>> -> memref<640x16xf32, #tpu.memory_space<vmem>>
    %dma_wait3A_73 = arith.constant 0 : i32
    %dma_wait3A_74 = arith.constant 0 : i32
    %dma_wait3A_75 = tpu.memref_slice %arg5[%arg0, %dma_wait3A_73, %dma_wait3A_74] : memref<2x10240x16xf32, #tpu.memory_space<hbm>> -> memref<1x640x16xf32, #tpu.memory_space<hbm>>
    %dma_wait3A_76 = tpu.memref_squeeze %dma_wait3A_75 : memref<1x640x16xf32, #tpu.memory_space<hbm>> -> memref<640x16xf32, #tpu.memory_space<hbm>>
    %dma_wait3A_77 = arith.constant 0 : i32
    %dma_wait3A_78 = arith.constant 0 : i32
    %dma_wait3A_79 = tpu.memref_slice %arg8[%dma_wait3A_77, %dma_wait3A_78] : memref<5120x16xf32, #tpu.memory_space<vmem>> -> memref<640x16xf32, #tpu.memory_space<vmem>>
    %dma_wait3A_80 = arith.constant 0 : i32
    %dma_wait3A_81 = arith.constant 0 : i32
    %dma_wait3A_82 = tpu.memref_slice %arg5[%arg0, %dma_wait3A_80, %dma_wait3A_81] : memref<2x10240x16xf32, #tpu.memory_space<hbm>> -> memref<1x640x16xf32, #tpu.memory_space<hbm>>
    %dma_wait3A_83 = tpu.memref_squeeze %dma_wait3A_82 : memref<1x640x16xf32, #tpu.memory_space<hbm>> -> memref<640x16xf32, #tpu.memory_space<hbm>>
    tpu.wait_dma2 semaphore(%arg12 : memref<!tpu.dma_semaphore, #tpu.memory_space<semaphore_mem>>) src(%dma_wait3A_83 : memref<640x16xf32, #tpu.memory_space<hbm>>) dst(%dma_wait3A_79 : memref<640x16xf32, #tpu.memory_space<vmem>>)
    %barrier3A = arith.constant 0 : index
    tpu.barrier barrier_id(%barrier3A)
    %dma_wait3A_84 = arith.constant 0 : i32
    %dma_wait3A_85 = arith.constant 0 : i32
    %dma_wait3A_86 = tpu.memref_slice %arg5[%arg0, %dma_wait3A_84, %dma_wait3A_85] : memref<2x10240x16xf32, #tpu.memory_space<hbm>> -> memref<1x5120x16xf32, #tpu.memory_space<hbm>>
    %dma_wait3A_87 = tpu.memref_squeeze %dma_wait3A_86 : memref<1x5120x16xf32, #tpu.memory_space<hbm>> -> memref<5120x16xf32, #tpu.memory_space<hbm>>
    %dma_wait3A_88 = arith.constant 0 : i32
    %dma_wait3A_89 = arith.constant 0 : i32
    %dma_wait3A_90 = tpu.memref_slice %arg5[%arg0, %dma_wait3A_88, %dma_wait3A_89] : memref<2x10240x16xf32, #tpu.memory_space<hbm>> -> memref<1x5120x16xf32, #tpu.memory_space<hbm>>
    %dma_wait3A_91 = tpu.memref_squeeze %dma_wait3A_90 : memref<1x5120x16xf32, #tpu.memory_space<hbm>> -> memref<5120x16xf32, #tpu.memory_space<hbm>>
    tpu.wait_dma2 semaphore(%arg11 : memref<!tpu.dma_semaphore, #tpu.memory_space<semaphore_mem>>) src(%dma_wait3A_91 : memref<5120x16xf32, #tpu.memory_space<hbm>>) dst(%arg8 : memref<5120x16xf32, #tpu.memory_space<vmem>>)
    %scan3A_92 = arith.constant 0 : i32
    %scan3A_93 = arith.constant 0 : i32
    %scan3A_94 = arith.constant 40 : i32
    %scan3A_95 = arith.addi %scan3A_93, %scan3A_94 : i32
    %scan3A_96 = arith.constant 1 : i32
    scf.for %scan3A_285 = %scan3A_93 to %scan3A_95 step %scan3A_96  : i32 {
      %mul3A_286 = arith.constant 128 : i32
      %mul3A_287 = arith.muli %scan3A_285, %mul3A_286 : i32
      %dma_start3A_288 = arith.constant 0 : i32
      %dma_start3A_289 = tpu.memref_slice %arg8[%mul3A_287, %dma_start3A_288] : memref<5120x16xf32, #tpu.memory_space<vmem>> -> memref<128x16xf32, #tpu.memory_space<vmem>>
      %dma_start3A_290 = arith.constant 0 : i32
      %dma_start3A_291 = tpu.memref_slice %arg7[%scan3A_285, %dma_start3A_290] : memref<40x128xi32, #tpu.memory_space<vmem>> -> memref<1x128xi32, #tpu.memory_space<vmem>>
      %dma_start3A_292 = tpu.memref_squeeze %dma_start3A_291 : memref<1x128xi32, #tpu.memory_space<vmem>> -> memref<128xi32, #tpu.memory_space<vmem>>
      %dma_start3A_293 = arith.constant 0 : i32
      %dma_start3A_294 = arith.constant 0 : i32
      %dma_start3A_295 = tpu.memref_slice %arg10[%dma_start3A_293, %dma_start3A_294] : memref<10240x16xf32, #tpu.memory_space<vmem_shared>> -> memref<10240x16xf32, #tpu.memory_space<vmem_shared>>
      tpu.enqueue_indirect_dma source(%dma_start3A_289 : memref<128x16xf32, #tpu.memory_space<vmem>>) target(%dma_start3A_295 : memref<10240x16xf32, #tpu.memory_space<vmem_shared>>) offsets(%dma_start3A_292 : memref<128xi32, #tpu.memory_space<vmem>>) semaphore(%arg12 : memref<!tpu.dma_semaphore, #tpu.memory_space<semaphore_mem>>) {add = true}
    }
    %scan3A_97 = arith.constant 40 : i32
    %dma_wait3A_98 = arith.constant 0 : i32
    %dma_wait3A_99 = arith.constant 0 : i32
    %dma_wait3A_100 = tpu.memref_slice %arg5[%arg0, %dma_wait3A_98, %dma_wait3A_99] : memref<2x10240x16xf32, #tpu.memory_space<hbm>> -> memref<1x5120x16xf32, #tpu.memory_space<hbm>>
    %dma_wait3A_101 = tpu.memref_squeeze %dma_wait3A_100 : memref<1x5120x16xf32, #tpu.memory_space<hbm>> -> memref<5120x16xf32, #tpu.memory_space<hbm>>
    %dma_wait3A_102 = arith.constant 0 : i32
    %dma_wait3A_103 = arith.constant 0 : i32
    %dma_wait3A_104 = tpu.memref_slice %arg5[%arg0, %dma_wait3A_102, %dma_wait3A_103] : memref<2x10240x16xf32, #tpu.memory_space<hbm>> -> memref<1x5120x16xf32, #tpu.memory_space<hbm>>
    %dma_wait3A_105 = tpu.memref_squeeze %dma_wait3A_104 : memref<1x5120x16xf32, #tpu.memory_space<hbm>> -> memref<5120x16xf32, #tpu.memory_space<hbm>>
    tpu.wait_dma2 semaphore(%arg12 : memref<!tpu.dma_semaphore, #tpu.memory_space<semaphore_mem>>) src(%dma_wait3A_105 : memref<5120x16xf32, #tpu.memory_space<hbm>>) dst(%arg8 : memref<5120x16xf32, #tpu.memory_space<vmem>>)
    %barrier3A_106 = arith.constant 0 : index
    tpu.barrier barrier_id(%barrier3A_106)
    %mul3A_107 = arith.constant 640 : i32
    %mul3A_108 = arith.muli %arg1, %mul3A_107 : i32
    %add3A_109 = arith.constant 0 : i32
    %add3A_110 = arith.addi %mul3A_108, %add3A_109 : i32
    %dma_start3A_111 = arith.constant 0 : i32
    %dma_start3A_112 = arith.constant 0 : i32
    %dma_start3A_113 = tpu.memref_slice %arg8[%dma_start3A_111, %dma_start3A_112] : memref<5120x16xf32, #tpu.memory_space<vmem>> -> memref<128x16xf32, #tpu.memory_space<vmem>>
    %dma_start3A_114 = arith.constant 0 : i32
    %dma_start3A_115 = tpu.memref_slice %arg10[%add3A_110, %dma_start3A_114] : memref<10240x16xf32, #tpu.memory_space<vmem_shared>> -> memref<128x16xf32, #tpu.memory_space<vmem_shared>>
    %dma_start3A_116 = arith.constant 0 : i32
    %dma_start3A_117 = arith.constant 0 : i32
    %dma_start3A_118 = tpu.memref_slice %arg8[%dma_start3A_116, %dma_start3A_117] : memref<5120x16xf32, #tpu.memory_space<vmem>> -> memref<128x16xf32, #tpu.memory_space<vmem>>
    %dma_start3A_119 = arith.constant 0 : i32
    %dma_start3A_120 = tpu.memref_slice %arg10[%add3A_110, %dma_start3A_119] : memref<10240x16xf32, #tpu.memory_space<vmem_shared>> -> memref<128x16xf32, #tpu.memory_space<vmem_shared>>
    tpu.enqueue_dma source(%dma_start3A_120 : memref<128x16xf32, #tpu.memory_space<vmem_shared>>) target(%dma_start3A_118 : memref<128x16xf32, #tpu.memory_space<vmem>>) target_semaphore(%arg11 : memref<!tpu.dma_semaphore, #tpu.memory_space<semaphore_mem>>)
    %mul3A_121 = arith.constant 640 : i32
    %mul3A_122 = arith.muli %arg1, %mul3A_121 : i32
    %add3A_123 = arith.constant 128 : i32
    %add3A_124 = arith.addi %mul3A_122, %add3A_123 : i32
    %dma_start3A_125 = arith.constant 128 : i32
    %dma_start3A_126 = arith.constant 0 : i32
    %dma_start3A_127 = tpu.memref_slice %arg8[%dma_start3A_125, %dma_start3A_126] : memref<5120x16xf32, #tpu.memory_space<vmem>> -> memref<128x16xf32, #tpu.memory_space<vmem>>
    %dma_start3A_128 = arith.constant 0 : i32
    %dma_start3A_129 = tpu.memref_slice %arg10[%add3A_124, %dma_start3A_128] : memref<10240x16xf32, #tpu.memory_space<vmem_shared>> -> memref<128x16xf32, #tpu.memory_space<vmem_shared>>
    %dma_start3A_130 = arith.constant 128 : i32
    %dma_start3A_131 = arith.constant 0 : i32
    %dma_start3A_132 = tpu.memref_slice %arg8[%dma_start3A_130, %dma_start3A_131] : memref<5120x16xf32, #tpu.memory_space<vmem>> -> memref<128x16xf32, #tpu.memory_space<vmem>>
    %dma_start3A_133 = arith.constant 0 : i32
    %dma_start3A_134 = tpu.memref_slice %arg10[%add3A_124, %dma_start3A_133] : memref<10240x16xf32, #tpu.memory_space<vmem_shared>> -> memref<128x16xf32, #tpu.memory_space<vmem_shared>>
    tpu.enqueue_dma source(%dma_start3A_134 : memref<128x16xf32, #tpu.memory_space<vmem_shared>>) target(%dma_start3A_132 : memref<128x16xf32, #tpu.memory_space<vmem>>) target_semaphore(%arg11 : memref<!tpu.dma_semaphore, #tpu.memory_space<semaphore_mem>>)
    %mul3A_135 = arith.constant 640 : i32
    %mul3A_136 = arith.muli %arg1, %mul3A_135 : i32
    %add3A_137 = arith.constant 256 : i32
    %add3A_138 = arith.addi %mul3A_136, %add3A_137 : i32
    %dma_start3A_139 = arith.constant 256 : i32
    %dma_start3A_140 = arith.constant 0 : i32
    %dma_start3A_141 = tpu.memref_slice %arg8[%dma_start3A_139, %dma_start3A_140] : memref<5120x16xf32, #tpu.memory_space<vmem>> -> memref<128x16xf32, #tpu.memory_space<vmem>>
    %dma_start3A_142 = arith.constant 0 : i32
    %dma_start3A_143 = tpu.memref_slice %arg10[%add3A_138, %dma_start3A_142] : memref<10240x16xf32, #tpu.memory_space<vmem_shared>> -> memref<128x16xf32, #tpu.memory_space<vmem_shared>>
    %dma_start3A_144 = arith.constant 256 : i32
    %dma_start3A_145 = arith.constant 0 : i32
    %dma_start3A_146 = tpu.memref_slice %arg8[%dma_start3A_144, %dma_start3A_145] : memref<5120x16xf32, #tpu.memory_space<vmem>> -> memref<128x16xf32, #tpu.memory_space<vmem>>
    %dma_start3A_147 = arith.constant 0 : i32
    %dma_start3A_148 = tpu.memref_slice %arg10[%add3A_138, %dma_start3A_147] : memref<10240x16xf32, #tpu.memory_space<vmem_shared>> -> memref<128x16xf32, #tpu.memory_space<vmem_shared>>
    tpu.enqueue_dma source(%dma_start3A_148 : memref<128x16xf32, #tpu.memory_space<vmem_shared>>) target(%dma_start3A_146 : memref<128x16xf32, #tpu.memory_space<vmem>>) target_semaphore(%arg11 : memref<!tpu.dma_semaphore, #tpu.memory_space<semaphore_mem>>)
    %mul3A_149 = arith.constant 640 : i32
    %mul3A_150 = arith.muli %arg1, %mul3A_149 : i32
    %add3A_151 = arith.constant 384 : i32
    %add3A_152 = arith.addi %mul3A_150, %add3A_151 : i32
    %dma_start3A_153 = arith.constant 384 : i32
    %dma_start3A_154 = arith.constant 0 : i32
    %dma_start3A_155 = tpu.memref_slice %arg8[%dma_start3A_153, %dma_start3A_154] : memref<5120x16xf32, #tpu.memory_space<vmem>> -> memref<128x16xf32, #tpu.memory_space<vmem>>
    %dma_start3A_156 = arith.constant 0 : i32
    %dma_start3A_157 = tpu.memref_slice %arg10[%add3A_152, %dma_start3A_156] : memref<10240x16xf32, #tpu.memory_space<vmem_shared>> -> memref<128x16xf32, #tpu.memory_space<vmem_shared>>
    %dma_start3A_158 = arith.constant 384 : i32
    %dma_start3A_159 = arith.constant 0 : i32
    %dma_start3A_160 = tpu.memref_slice %arg8[%dma_start3A_158, %dma_start3A_159] : memref<5120x16xf32, #tpu.memory_space<vmem>> -> memref<128x16xf32, #tpu.memory_space<vmem>>
    %dma_start3A_161 = arith.constant 0 : i32
    %dma_start3A_162 = tpu.memref_slice %arg10[%add3A_152, %dma_start3A_161] : memref<10240x16xf32, #tpu.memory_space<vmem_shared>> -> memref<128x16xf32, #tpu.memory_space<vmem_shared>>
    tpu.enqueue_dma source(%dma_start3A_162 : memref<128x16xf32, #tpu.memory_space<vmem_shared>>) target(%dma_start3A_160 : memref<128x16xf32, #tpu.memory_space<vmem>>) target_semaphore(%arg11 : memref<!tpu.dma_semaphore, #tpu.memory_space<semaphore_mem>>)
    %mul3A_163 = arith.constant 640 : i32
    %mul3A_164 = arith.muli %arg1, %mul3A_163 : i32
    %add3A_165 = arith.constant 512 : i32
    %add3A_166 = arith.addi %mul3A_164, %add3A_165 : i32
    %dma_start3A_167 = arith.constant 512 : i32
    %dma_start3A_168 = arith.constant 0 : i32
    %dma_start3A_169 = tpu.memref_slice %arg8[%dma_start3A_167, %dma_start3A_168] : memref<5120x16xf32, #tpu.memory_space<vmem>> -> memref<128x16xf32, #tpu.memory_space<vmem>>
    %dma_start3A_170 = arith.constant 0 : i32
    %dma_start3A_171 = tpu.memref_slice %arg10[%add3A_166, %dma_start3A_170] : memref<10240x16xf32, #tpu.memory_space<vmem_shared>> -> memref<128x16xf32, #tpu.memory_space<vmem_shared>>
    %dma_start3A_172 = arith.constant 512 : i32
    %dma_start3A_173 = arith.constant 0 : i32
    %dma_start3A_174 = tpu.memref_slice %arg8[%dma_start3A_172, %dma_start3A_173] : memref<5120x16xf32, #tpu.memory_space<vmem>> -> memref<128x16xf32, #tpu.memory_space<vmem>>
    %dma_start3A_175 = arith.constant 0 : i32
    %dma_start3A_176 = tpu.memref_slice %arg10[%add3A_166, %dma_start3A_175] : memref<10240x16xf32, #tpu.memory_space<vmem_shared>> -> memref<128x16xf32, #tpu.memory_space<vmem_shared>>
    tpu.enqueue_dma source(%dma_start3A_176 : memref<128x16xf32, #tpu.memory_space<vmem_shared>>) target(%dma_start3A_174 : memref<128x16xf32, #tpu.memory_space<vmem>>) target_semaphore(%arg11 : memref<!tpu.dma_semaphore, #tpu.memory_space<semaphore_mem>>)
    %dma_wait3A_177 = arith.constant 0 : i32
    %dma_wait3A_178 = arith.constant 0 : i32
    %dma_wait3A_179 = tpu.memref_slice %arg8[%dma_wait3A_177, %dma_wait3A_178] : memref<5120x16xf32, #tpu.memory_space<vmem>> -> memref<640x16xf32, #tpu.memory_space<vmem>>
    %dma_wait3A_180 = arith.constant 0 : i32
    %dma_wait3A_181 = arith.constant 0 : i32
    %dma_wait3A_182 = tpu.memref_slice %arg5[%arg0, %dma_wait3A_180, %dma_wait3A_181] : memref<2x10240x16xf32, #tpu.memory_space<hbm>> -> memref<1x640x16xf32, #tpu.memory_space<hbm>>
    %dma_wait3A_183 = tpu.memref_squeeze %dma_wait3A_182 : memref<1x640x16xf32, #tpu.memory_space<hbm>> -> memref<640x16xf32, #tpu.memory_space<hbm>>
    %dma_wait3A_184 = arith.constant 0 : i32
    %dma_wait3A_185 = arith.constant 0 : i32
    %dma_wait3A_186 = tpu.memref_slice %arg8[%dma_wait3A_184, %dma_wait3A_185] : memref<5120x16xf32, #tpu.memory_space<vmem>> -> memref<640x16xf32, #tpu.memory_space<vmem>>
    %dma_wait3A_187 = arith.constant 0 : i32
    %dma_wait3A_188 = arith.constant 0 : i32
    %dma_wait3A_189 = tpu.memref_slice %arg5[%arg0, %dma_wait3A_187, %dma_wait3A_188] : memref<2x10240x16xf32, #tpu.memory_space<hbm>> -> memref<1x640x16xf32, #tpu.memory_space<hbm>>
    %dma_wait3A_190 = tpu.memref_squeeze %dma_wait3A_189 : memref<1x640x16xf32, #tpu.memory_space<hbm>> -> memref<640x16xf32, #tpu.memory_space<hbm>>
    tpu.wait_dma2 semaphore(%arg11 : memref<!tpu.dma_semaphore, #tpu.memory_space<semaphore_mem>>) src(%dma_wait3A_190 : memref<640x16xf32, #tpu.memory_space<hbm>>) dst(%dma_wait3A_186 : memref<640x16xf32, #tpu.memory_space<vmem>>)
    %mul3A_191 = arith.constant 640 : i32
    %mul3A_192 = arith.muli %arg1, %mul3A_191 : i32
    %add3A_193 = arith.constant 0 : i32
    %add3A_194 = arith.addi %mul3A_192, %add3A_193 : i32
    %dma_start3A_195 = arith.constant 0 : i32
    %dma_start3A_196 = arith.constant 0 : i32
    %dma_start3A_197 = tpu.memref_slice %arg8[%dma_start3A_195, %dma_start3A_196] : memref<5120x16xf32, #tpu.memory_space<vmem>> -> memref<128x16xf32, #tpu.memory_space<vmem>>
    %dma_start3A_198 = arith.constant 0 : i32
    %dma_start3A_199 = tpu.memref_slice %arg5[%arg0, %add3A_194, %dma_start3A_198] : memref<2x10240x16xf32, #tpu.memory_space<hbm>> -> memref<1x128x16xf32, #tpu.memory_space<hbm>>
    %dma_start3A_200 = tpu.memref_squeeze %dma_start3A_199 : memref<1x128x16xf32, #tpu.memory_space<hbm>> -> memref<128x16xf32, #tpu.memory_space<hbm>>
    %dma_start3A_201 = arith.constant 0 : i32
    %dma_start3A_202 = tpu.memref_slice %arg5[%arg0, %add3A_194, %dma_start3A_201] : memref<2x10240x16xf32, #tpu.memory_space<hbm>> -> memref<1x128x16xf32, #tpu.memory_space<hbm>>
    %dma_start3A_203 = tpu.memref_squeeze %dma_start3A_202 : memref<1x128x16xf32, #tpu.memory_space<hbm>> -> memref<128x16xf32, #tpu.memory_space<hbm>>
    %dma_start3A_204 = arith.constant 0 : i32
    %dma_start3A_205 = arith.constant 0 : i32
    %dma_start3A_206 = tpu.memref_slice %arg8[%dma_start3A_204, %dma_start3A_205] : memref<5120x16xf32, #tpu.memory_space<vmem>> -> memref<128x16xf32, #tpu.memory_space<vmem>>
    tpu.enqueue_dma source(%dma_start3A_206 : memref<128x16xf32, #tpu.memory_space<vmem>>) target(%dma_start3A_203 : memref<128x16xf32, #tpu.memory_space<hbm>>) target_semaphore(%arg12 : memref<!tpu.dma_semaphore, #tpu.memory_space<semaphore_mem>>)
    %mul3A_207 = arith.constant 640 : i32
    %mul3A_208 = arith.muli %arg1, %mul3A_207 : i32
    %add3A_209 = arith.constant 128 : i32
    %add3A_210 = arith.addi %mul3A_208, %add3A_209 : i32
    %dma_start3A_211 = arith.constant 128 : i32
    %dma_start3A_212 = arith.constant 0 : i32
    %dma_start3A_213 = tpu.memref_slice %arg8[%dma_start3A_211, %dma_start3A_212] : memref<5120x16xf32, #tpu.memory_space<vmem>> -> memref<128x16xf32, #tpu.memory_space<vmem>>
    %dma_start3A_214 = arith.constant 0 : i32
    %dma_start3A_215 = tpu.memref_slice %arg5[%arg0, %add3A_210, %dma_start3A_214] : memref<2x10240x16xf32, #tpu.memory_space<hbm>> -> memref<1x128x16xf32, #tpu.memory_space<hbm>>
    %dma_start3A_216 = tpu.memref_squeeze %dma_start3A_215 : memref<1x128x16xf32, #tpu.memory_space<hbm>> -> memref<128x16xf32, #tpu.memory_space<hbm>>
    %dma_start3A_217 = arith.constant 0 : i32
    %dma_start3A_218 = tpu.memref_slice %arg5[%arg0, %add3A_210, %dma_start3A_217] : memref<2x10240x16xf32, #tpu.memory_space<hbm>> -> memref<1x128x16xf32, #tpu.memory_space<hbm>>
    %dma_start3A_219 = tpu.memref_squeeze %dma_start3A_218 : memref<1x128x16xf32, #tpu.memory_space<hbm>> -> memref<128x16xf32, #tpu.memory_space<hbm>>
    %dma_start3A_220 = arith.constant 128 : i32
    %dma_start3A_221 = arith.constant 0 : i32
    %dma_start3A_222 = tpu.memref_slice %arg8[%dma_start3A_220, %dma_start3A_221] : memref<5120x16xf32, #tpu.memory_space<vmem>> -> memref<128x16xf32, #tpu.memory_space<vmem>>
    tpu.enqueue_dma source(%dma_start3A_222 : memref<128x16xf32, #tpu.memory_space<vmem>>) target(%dma_start3A_219 : memref<128x16xf32, #tpu.memory_space<hbm>>) target_semaphore(%arg12 : memref<!tpu.dma_semaphore, #tpu.memory_space<semaphore_mem>>)
    %mul3A_223 = arith.constant 640 : i32
    %mul3A_224 = arith.muli %arg1, %mul3A_223 : i32
    %add3A_225 = arith.constant 256 : i32
    %add3A_226 = arith.addi %mul3A_224, %add3A_225 : i32
    %dma_start3A_227 = arith.constant 256 : i32
    %dma_start3A_228 = arith.constant 0 : i32
    %dma_start3A_229 = tpu.memref_slice %arg8[%dma_start3A_227, %dma_start3A_228] : memref<5120x16xf32, #tpu.memory_space<vmem>> -> memref<128x16xf32, #tpu.memory_space<vmem>>
    %dma_start3A_230 = arith.constant 0 : i32
    %dma_start3A_231 = tpu.memref_slice %arg5[%arg0, %add3A_226, %dma_start3A_230] : memref<2x10240x16xf32, #tpu.memory_space<hbm>> -> memref<1x128x16xf32, #tpu.memory_space<hbm>>
    %dma_start3A_232 = tpu.memref_squeeze %dma_start3A_231 : memref<1x128x16xf32, #tpu.memory_space<hbm>> -> memref<128x16xf32, #tpu.memory_space<hbm>>
    %dma_start3A_233 = arith.constant 0 : i32
    %dma_start3A_234 = tpu.memref_slice %arg5[%arg0, %add3A_226, %dma_start3A_233] : memref<2x10240x16xf32, #tpu.memory_space<hbm>> -> memref<1x128x16xf32, #tpu.memory_space<hbm>>
    %dma_start3A_235 = tpu.memref_squeeze %dma_start3A_234 : memref<1x128x16xf32, #tpu.memory_space<hbm>> -> memref<128x16xf32, #tpu.memory_space<hbm>>
    %dma_start3A_236 = arith.constant 256 : i32
    %dma_start3A_237 = arith.constant 0 : i32
    %dma_start3A_238 = tpu.memref_slice %arg8[%dma_start3A_236, %dma_start3A_237] : memref<5120x16xf32, #tpu.memory_space<vmem>> -> memref<128x16xf32, #tpu.memory_space<vmem>>
    tpu.enqueue_dma source(%dma_start3A_238 : memref<128x16xf32, #tpu.memory_space<vmem>>) target(%dma_start3A_235 : memref<128x16xf32, #tpu.memory_space<hbm>>) target_semaphore(%arg12 : memref<!tpu.dma_semaphore, #tpu.memory_space<semaphore_mem>>)
    %mul3A_239 = arith.constant 640 : i32
    %mul3A_240 = arith.muli %arg1, %mul3A_239 : i32
    %add3A_241 = arith.constant 384 : i32
    %add3A_242 = arith.addi %mul3A_240, %add3A_241 : i32
    %dma_start3A_243 = arith.constant 384 : i32
    %dma_start3A_244 = arith.constant 0 : i32
    %dma_start3A_245 = tpu.memref_slice %arg8[%dma_start3A_243, %dma_start3A_244] : memref<5120x16xf32, #tpu.memory_space<vmem>> -> memref<128x16xf32, #tpu.memory_space<vmem>>
    %dma_start3A_246 = arith.constant 0 : i32
    %dma_start3A_247 = tpu.memref_slice %arg5[%arg0, %add3A_242, %dma_start3A_246] : memref<2x10240x16xf32, #tpu.memory_space<hbm>> -> memref<1x128x16xf32, #tpu.memory_space<hbm>>
    %dma_start3A_248 = tpu.memref_squeeze %dma_start3A_247 : memref<1x128x16xf32, #tpu.memory_space<hbm>> -> memref<128x16xf32, #tpu.memory_space<hbm>>
    %dma_start3A_249 = arith.constant 0 : i32
    %dma_start3A_250 = tpu.memref_slice %arg5[%arg0, %add3A_242, %dma_start3A_249] : memref<2x10240x16xf32, #tpu.memory_space<hbm>> -> memref<1x128x16xf32, #tpu.memory_space<hbm>>
    %dma_start3A_251 = tpu.memref_squeeze %dma_start3A_250 : memref<1x128x16xf32, #tpu.memory_space<hbm>> -> memref<128x16xf32, #tpu.memory_space<hbm>>
    %dma_start3A_252 = arith.constant 384 : i32
    %dma_start3A_253 = arith.constant 0 : i32
    %dma_start3A_254 = tpu.memref_slice %arg8[%dma_start3A_252, %dma_start3A_253] : memref<5120x16xf32, #tpu.memory_space<vmem>> -> memref<128x16xf32, #tpu.memory_space<vmem>>
    tpu.enqueue_dma source(%dma_start3A_254 : memref<128x16xf32, #tpu.memory_space<vmem>>) target(%dma_start3A_251 : memref<128x16xf32, #tpu.memory_space<hbm>>) target_semaphore(%arg12 : memref<!tpu.dma_semaphore, #tpu.memory_space<semaphore_mem>>)
    %mul3A_255 = arith.constant 640 : i32
    %mul3A_256 = arith.muli %arg1, %mul3A_255 : i32
    %add3A_257 = arith.constant 512 : i32
    %add3A_258 = arith.addi %mul3A_256, %add3A_257 : i32
    %dma_start3A_259 = arith.constant 512 : i32
    %dma_start3A_260 = arith.constant 0 : i32
    %dma_start3A_261 = tpu.memref_slice %arg8[%dma_start3A_259, %dma_start3A_260] : memref<5120x16xf32, #tpu.memory_space<vmem>> -> memref<128x16xf32, #tpu.memory_space<vmem>>
    %dma_start3A_262 = arith.constant 0 : i32
    %dma_start3A_263 = tpu.memref_slice %arg5[%arg0, %add3A_258, %dma_start3A_262] : memref<2x10240x16xf32, #tpu.memory_space<hbm>> -> memref<1x128x16xf32, #tpu.memory_space<hbm>>
    %dma_start3A_264 = tpu.memref_squeeze %dma_start3A_263 : memref<1x128x16xf32, #tpu.memory_space<hbm>> -> memref<128x16xf32, #tpu.memory_space<hbm>>
    %dma_start3A_265 = arith.constant 0 : i32
    %dma_start3A_266 = tpu.memref_slice %arg5[%arg0, %add3A_258, %dma_start3A_265] : memref<2x10240x16xf32, #tpu.memory_space<hbm>> -> memref<1x128x16xf32, #tpu.memory_space<hbm>>
    %dma_start3A_267 = tpu.memref_squeeze %dma_start3A_266 : memref<1x128x16xf32, #tpu.memory_space<hbm>> -> memref<128x16xf32, #tpu.memory_space<hbm>>
    %dma_start3A_268 = arith.constant 512 : i32
    %dma_start3A_269 = arith.constant 0 : i32
    %dma_start3A_270 = tpu.memref_slice %arg8[%dma_start3A_268, %dma_start3A_269] : memref<5120x16xf32, #tpu.memory_space<vmem>> -> memref<128x16xf32, #tpu.memory_space<vmem>>
    tpu.enqueue_dma source(%dma_start3A_270 : memref<128x16xf32, #tpu.memory_space<vmem>>) target(%dma_start3A_267 : memref<128x16xf32, #tpu.memory_space<hbm>>) target_semaphore(%arg12 : memref<!tpu.dma_semaphore, #tpu.memory_space<semaphore_mem>>)
    %dma_wait3A_271 = arith.constant 0 : i32
    %dma_wait3A_272 = arith.constant 0 : i32
    %dma_wait3A_273 = tpu.memref_slice %arg8[%dma_wait3A_271, %dma_wait3A_272] : memref<5120x16xf32, #tpu.memory_space<vmem>> -> memref<640x16xf32, #tpu.memory_space<vmem>>
    %dma_wait3A_274 = arith.constant 0 : i32
    %dma_wait3A_275 = arith.constant 0 : i32
    %dma_wait3A_276 = tpu.memref_slice %arg5[%arg0, %dma_wait3A_274, %dma_wait3A_275] : memref<2x10240x16xf32, #tpu.memory_space<hbm>> -> memref<1x640x16xf32, #tpu.memory_space<hbm>>
    %dma_wait3A_277 = tpu.memref_squeeze %dma_wait3A_276 : memref<1x640x16xf32, #tpu.memory_space<hbm>> -> memref<640x16xf32, #tpu.memory_space<hbm>>
    %dma_wait3A_278 = arith.constant 0 : i32
    %dma_wait3A_279 = arith.constant 0 : i32
    %dma_wait3A_280 = tpu.memref_slice %arg8[%dma_wait3A_278, %dma_wait3A_279] : memref<5120x16xf32, #tpu.memory_space<vmem>> -> memref<640x16xf32, #tpu.memory_space<vmem>>
    %dma_wait3A_281 = arith.constant 0 : i32
    %dma_wait3A_282 = arith.constant 0 : i32
    %dma_wait3A_283 = tpu.memref_slice %arg5[%arg0, %dma_wait3A_281, %dma_wait3A_282] : memref<2x10240x16xf32, #tpu.memory_space<hbm>> -> memref<1x640x16xf32, #tpu.memory_space<hbm>>
    %dma_wait3A_284 = tpu.memref_squeeze %dma_wait3A_283 : memref<1x640x16xf32, #tpu.memory_space<hbm>> -> memref<640x16xf32, #tpu.memory_space<hbm>>
    tpu.wait_dma2 semaphore(%arg12 : memref<!tpu.dma_semaphore, #tpu.memory_space<semaphore_mem>>) src(%dma_wait3A_284 : memref<640x16xf32, #tpu.memory_space<hbm>>) dst(%dma_wait3A_280 : memref<640x16xf32, #tpu.memory_space<vmem>>)
    return
  }
}

#map = affine_map<(d0, d1) -> (0, 0)>
#map1 = affine_map<(d0, d1) -> (0, 0, 0)>
module attributes {stable_mosaic.version = 14 : i64} {
  func.func @k(%arg0: i32, %arg1: i32, %arg2: memref<1280x128xi32, #tpu.memory_space<hbm>>, %arg3: memref<2x10240x16xf32, #tpu.memory_space<hbm>>, %arg4: memref<40x128xi32, #tpu.memory_space<vmem>>, %arg5: memref<128x16xf32, #tpu.memory_space<vmem>>, %arg6: memref<640x16xf32, #tpu.memory_space<vmem>>, %arg7: memref<10240x16xf32, #tpu.memory_space<vmem_shared>>, %arg8: memref<!tpu.dma_semaphore, #tpu.memory_space<semaphore_mem>>, %arg9: memref<!tpu.dma_semaphore, #tpu.memory_space<semaphore_mem>>) attributes {dimension_semantics = [#tpu.dimension_semantics<core_parallel>, #tpu.dimension_semantics<subcore_parallel>], iteration_bounds = array<i64: 2, 16>, scalar_prefetch = 0 : i64, scratch_operands = 6 : i64, tpu.core_type = #tpu.core_type<sc_vector_subcore>, window_params = [{transform_indices = #map}, {transform_indices = #map1}]} {
    %mul3A = arith.constant 16 : i32
    %mul3A_0 = arith.muli %arg0, %mul3A : i32
    %add3A = arith.addi %mul3A_0, %arg1 : i32
    %mul3A_1 = arith.constant 40 : i32
    %mul3A_2 = arith.muli %add3A, %mul3A_1 : i32
    %dma_start3A = arith.constant 0 : i32
    %dma_start3A_3 = tpu.memref_slice %arg2[%mul3A_2, %dma_start3A] : memref<1280x128xi32, #tpu.memory_space<hbm>> -> memref<40x128xi32, #tpu.memory_space<hbm>>
    %dma_start3A_4 = arith.constant 0 : i32
    %dma_start3A_5 = tpu.memref_slice %arg2[%mul3A_2, %dma_start3A_4] : memref<1280x128xi32, #tpu.memory_space<hbm>> -> memref<40x128xi32, #tpu.memory_space<hbm>>
    tpu.enqueue_dma source(%dma_start3A_5 : memref<40x128xi32, #tpu.memory_space<hbm>>) target(%arg4 : memref<40x128xi32, #tpu.memory_space<vmem>>) target_semaphore(%arg8 : memref<!tpu.dma_semaphore, #tpu.memory_space<semaphore_mem>>)
    %scan3A = arith.constant 0 : i32
    %scan3A_6 = arith.constant 0 : i32
    %scan3A_7 = arith.constant 128 : i32
    %scan3A_8 = arith.addi %scan3A_6, %scan3A_7 : i32
    %scan3A_9 = arith.constant 1 : i32
    scf.for %scan3A_1293 = %scan3A_6 to %scan3A_8 step %scan3A_9  : i32 {
      %broadcast_in_dim3A_1294 = arith.constant 1.000000e+00 : f32
      %broadcast_in_dim3A_1295 = vector.broadcast %broadcast_in_dim3A_1294 : f32 to vector<16xf32>
      %swap3A_1296 = arith.index_cast %scan3A_1293 : i32 to index
      %swap3A_1297 = arith.constant 0 : index
      %swap3A_1298 = tpu.vector_load %arg5[%swap3A_1296, %swap3A_1297] {strides = array<i32>} : memref<128x16xf32, #tpu.memory_space<vmem>>, vector<1x16xf32>,
      %swap3A_1299 = vector.shape_cast %swap3A_1298 : vector<1x16xf32> to vector<16xf32>
      %swap3A_1300 = vector.shape_cast %broadcast_in_dim3A_1295 : vector<16xf32> to vector<1x16xf32>
      tpu.vector_store %arg5[%swap3A_1296, %swap3A_1297], %swap3A_1300 {strides = array<i32>} : memref<128x16xf32, #tpu.memory_space<vmem>>, vector<1x16xf32>,
    }
    %scan3A_10 = arith.constant 128 : i32
    %broadcast_in_dim3A = arith.constant 0.000000e+00 : f32
    %broadcast_in_dim3A_11 = vector.broadcast %broadcast_in_dim3A : f32 to vector<16xf32>
    %swap3A = arith.constant 0 : i32
    %swap3A_12 = arith.index_cast %swap3A : i32 to index
    %swap3A_13 = arith.constant 0 : index
    %swap3A_14 = tpu.vector_load %arg6[%swap3A_12, %swap3A_13] {strides = array<i32>} : memref<640x16xf32, #tpu.memory_space<vmem>>, vector<1x16xf32>,
    %swap3A_15 = vector.shape_cast %swap3A_14 : vector<1x16xf32> to vector<16xf32>
    %swap3A_16 = vector.shape_cast %broadcast_in_dim3A_11 : vector<16xf32> to vector<1x16xf32>
    tpu.vector_store %arg6[%swap3A_12, %swap3A_13], %swap3A_16 {strides = array<i32>} : memref<640x16xf32, #tpu.memory_space<vmem>>, vector<1x16xf32>,
    %broadcast_in_dim3A_17 = arith.constant 0.000000e+00 : f32
    %broadcast_in_dim3A_18 = vector.broadcast %broadcast_in_dim3A_17 : f32 to vector<16xf32>
    %swap3A_19 = arith.constant 1 : i32
    %swap3A_20 = arith.index_cast %swap3A_19 : i32 to index
    %swap3A_21 = arith.constant 0 : index
    %swap3A_22 = tpu.vector_load %arg6[%swap3A_20, %swap3A_21] {strides = array<i32>} : memref<640x16xf32, #tpu.memory_space<vmem>>, vector<1x16xf32>,
    %swap3A_23 = vector.shape_cast %swap3A_22 : vector<1x16xf32> to vector<16xf32>
    %swap3A_24 = vector.shape_cast %broadcast_in_dim3A_18 : vector<16xf32> to vector<1x16xf32>
    tpu.vector_store %arg6[%swap3A_20, %swap3A_21], %swap3A_24 {strides = array<i32>} : memref<640x16xf32, #tpu.memory_space<vmem>>, vector<1x16xf32>,
    %broadcast_in_dim3A_25 = arith.constant 0.000000e+00 : f32
    %broadcast_in_dim3A_26 = vector.broadcast %broadcast_in_dim3A_25 : f32 to vector<16xf32>
    %swap3A_27 = arith.constant 2 : i32
    %swap3A_28 = arith.index_cast %swap3A_27 : i32 to index
    %swap3A_29 = arith.constant 0 : index
    %swap3A_30 = tpu.vector_load %arg6[%swap3A_28, %swap3A_29] {strides = array<i32>} : memref<640x16xf32, #tpu.memory_space<vmem>>, vector<1x16xf32>,
    %swap3A_31 = vector.shape_cast %swap3A_30 : vector<1x16xf32> to vector<16xf32>
    %swap3A_32 = vector.shape_cast %broadcast_in_dim3A_26 : vector<16xf32> to vector<1x16xf32>
    tpu.vector_store %arg6[%swap3A_28, %swap3A_29], %swap3A_32 {strides = array<i32>} : memref<640x16xf32, #tpu.memory_space<vmem>>, vector<1x16xf32>,
    %broadcast_in_dim3A_33 = arith.constant 0.000000e+00 : f32
    %broadcast_in_dim3A_34 = vector.broadcast %broadcast_in_dim3A_33 : f32 to vector<16xf32>
    %swap3A_35 = arith.constant 3 : i32
    %swap3A_36 = arith.index_cast %swap3A_35 : i32 to index
    %swap3A_37 = arith.constant 0 : index
    %swap3A_38 = tpu.vector_load %arg6[%swap3A_36, %swap3A_37] {strides = array<i32>} : memref<640x16xf32, #tpu.memory_space<vmem>>, vector<1x16xf32>,
    %swap3A_39 = vector.shape_cast %swap3A_38 : vector<1x16xf32> to vector<16xf32>
    %swap3A_40 = vector.shape_cast %broadcast_in_dim3A_34 : vector<16xf32> to vector<1x16xf32>
    tpu.vector_store %arg6[%swap3A_36, %swap3A_37], %swap3A_40 {strides = array<i32>} : memref<640x16xf32, #tpu.memory_space<vmem>>, vector<1x16xf32>,
    %broadcast_in_dim3A_41 = arith.constant 0.000000e+00 : f32
    %broadcast_in_dim3A_42 = vector.broadcast %broadcast_in_dim3A_41 : f32 to vector<16xf32>
    %swap3A_43 = arith.constant 4 : i32
    %swap3A_44 = arith.index_cast %swap3A_43 : i32 to index
    %swap3A_45 = arith.constant 0 : index
    %swap3A_46 = tpu.vector_load %arg6[%swap3A_44, %swap3A_45] {strides = array<i32>} : memref<640x16xf32, #tpu.memory_space<vmem>>, vector<1x16xf32>,
    %swap3A_47 = vector.shape_cast %swap3A_46 : vector<1x16xf32> to vector<16xf32>
    %swap3A_48 = vector.shape_cast %broadcast_in_dim3A_42 : vector<16xf32> to vector<1x16xf32>
    tpu.vector_store %arg6[%swap3A_44, %swap3A_45], %swap3A_48 {strides = array<i32>} : memref<640x16xf32, #tpu.memory_space<vmem>>, vector<1x16xf32>,
    %broadcast_in_dim3A_49 = arith.constant 0.000000e+00 : f32
    %broadcast_in_dim3A_50 = vector.broadcast %broadcast_in_dim3A_49 : f32 to vector<16xf32>
    %swap3A_51 = arith.constant 5 : i32
    %swap3A_52 = arith.index_cast %swap3A_51 : i32 to index
    %swap3A_53 = arith.constant 0 : index
    %swap3A_54 = tpu.vector_load %arg6[%swap3A_52, %swap3A_53] {strides = array<i32>} : memref<640x16xf32, #tpu.memory_space<vmem>>, vector<1x16xf32>,
    %swap3A_55 = vector.shape_cast %swap3A_54 : vector<1x16xf32> to vector<16xf32>
    %swap3A_56 = vector.shape_cast %broadcast_in_dim3A_50 : vector<16xf32> to vector<1x16xf32>
    tpu.vector_store %arg6[%swap3A_52, %swap3A_53], %swap3A_56 {strides = array<i32>} : memref<640x16xf32, #tpu.memory_space<vmem>>, vector<1x16xf32>,
    %broadcast_in_dim3A_57 = arith.constant 0.000000e+00 : f32
    %broadcast_in_dim3A_58 = vector.broadcast %broadcast_in_dim3A_57 : f32 to vector<16xf32>
    %swap3A_59 = arith.constant 6 : i32
    %swap3A_60 = arith.index_cast %swap3A_59 : i32 to index
    %swap3A_61 = arith.constant 0 : index
    %swap3A_62 = tpu.vector_load %arg6[%swap3A_60, %swap3A_61] {strides = array<i32>} : memref<640x16xf32, #tpu.memory_space<vmem>>, vector<1x16xf32>,
    %swap3A_63 = vector.shape_cast %swap3A_62 : vector<1x16xf32> to vector<16xf32>
    %swap3A_64 = vector.shape_cast %broadcast_in_dim3A_58 : vector<16xf32> to vector<1x16xf32>
    tpu.vector_store %arg6[%swap3A_60, %swap3A_61], %swap3A_64 {strides = array<i32>} : memref<640x16xf32, #tpu.memory_space<vmem>>, vector<1x16xf32>,
    %broadcast_in_dim3A_65 = arith.constant 0.000000e+00 : f32
    %broadcast_in_dim3A_66 = vector.broadcast %broadcast_in_dim3A_65 : f32 to vector<16xf32>
    %swap3A_67 = arith.constant 7 : i32
    %swap3A_68 = arith.index_cast %swap3A_67 : i32 to index
    %swap3A_69 = arith.constant 0 : index
    %swap3A_70 = tpu.vector_load %arg6[%swap3A_68, %swap3A_69] {strides = array<i32>} : memref<640x16xf32, #tpu.memory_space<vmem>>, vector<1x16xf32>,
    %swap3A_71 = vector.shape_cast %swap3A_70 : vector<1x16xf32> to vector<16xf32>
    %swap3A_72 = vector.shape_cast %broadcast_in_dim3A_66 : vector<16xf32> to vector<1x16xf32>
    tpu.vector_store %arg6[%swap3A_68, %swap3A_69], %swap3A_72 {strides = array<i32>} : memref<640x16xf32, #tpu.memory_space<vmem>>, vector<1x16xf32>,
    %broadcast_in_dim3A_73 = arith.constant 0.000000e+00 : f32
    %broadcast_in_dim3A_74 = vector.broadcast %broadcast_in_dim3A_73 : f32 to vector<16xf32>
    %swap3A_75 = arith.constant 8 : i32
    %swap3A_76 = arith.index_cast %swap3A_75 : i32 to index
    %swap3A_77 = arith.constant 0 : index
    %swap3A_78 = tpu.vector_load %arg6[%swap3A_76, %swap3A_77] {strides = array<i32>} : memref<640x16xf32, #tpu.memory_space<vmem>>, vector<1x16xf32>,
    %swap3A_79 = vector.shape_cast %swap3A_78 : vector<1x16xf32> to vector<16xf32>
    %swap3A_80 = vector.shape_cast %broadcast_in_dim3A_74 : vector<16xf32> to vector<1x16xf32>
    tpu.vector_store %arg6[%swap3A_76, %swap3A_77], %swap3A_80 {strides = array<i32>} : memref<640x16xf32, #tpu.memory_space<vmem>>, vector<1x16xf32>,
    %broadcast_in_dim3A_81 = arith.constant 0.000000e+00 : f32
    %broadcast_in_dim3A_82 = vector.broadcast %broadcast_in_dim3A_81 : f32 to vector<16xf32>
    %swap3A_83 = arith.constant 9 : i32
    %swap3A_84 = arith.index_cast %swap3A_83 : i32 to index
    %swap3A_85 = arith.constant 0 : index
    %swap3A_86 = tpu.vector_load %arg6[%swap3A_84, %swap3A_85] {strides = array<i32>} : memref<640x16xf32, #tpu.memory_space<vmem>>, vector<1x16xf32>,
    %swap3A_87 = vector.shape_cast %swap3A_86 : vector<1x16xf32> to vector<16xf32>
    %swap3A_88 = vector.shape_cast %broadcast_in_dim3A_82 : vector<16xf32> to vector<1x16xf32>
    tpu.vector_store %arg6[%swap3A_84, %swap3A_85], %swap3A_88 {strides = array<i32>} : memref<640x16xf32, #tpu.memory_space<vmem>>, vector<1x16xf32>,
    %broadcast_in_dim3A_89 = arith.constant 0.000000e+00 : f32
    %broadcast_in_dim3A_90 = vector.broadcast %broadcast_in_dim3A_89 : f32 to vector<16xf32>
    %swap3A_91 = arith.constant 10 : i32
    %swap3A_92 = arith.index_cast %swap3A_91 : i32 to index
    %swap3A_93 = arith.constant 0 : index
    %swap3A_94 = tpu.vector_load %arg6[%swap3A_92, %swap3A_93] {strides = array<i32>} : memref<640x16xf32, #tpu.memory_space<vmem>>, vector<1x16xf32>,
    %swap3A_95 = vector.shape_cast %swap3A_94 : vector<1x16xf32> to vector<16xf32>
    %swap3A_96 = vector.shape_cast %broadcast_in_dim3A_90 : vector<16xf32> to vector<1x16xf32>
    tpu.vector_store %arg6[%swap3A_92, %swap3A_93], %swap3A_96 {strides = array<i32>} : memref<640x16xf32, #tpu.memory_space<vmem>>, vector<1x16xf32>,
    %broadcast_in_dim3A_97 = arith.constant 0.000000e+00 : f32
    %broadcast_in_dim3A_98 = vector.broadcast %broadcast_in_dim3A_97 : f32 to vector<16xf32>
    %swap3A_99 = arith.constant 11 : i32
    %swap3A_100 = arith.index_cast %swap3A_99 : i32 to index
    %swap3A_101 = arith.constant 0 : index
    %swap3A_102 = tpu.vector_load %arg6[%swap3A_100, %swap3A_101] {strides = array<i32>} : memref<640x16xf32, #tpu.memory_space<vmem>>, vector<1x16xf32>,
    %swap3A_103 = vector.shape_cast %swap3A_102 : vector<1x16xf32> to vector<16xf32>
    %swap3A_104 = vector.shape_cast %broadcast_in_dim3A_98 : vector<16xf32> to vector<1x16xf32>
    tpu.vector_store %arg6[%swap3A_100, %swap3A_101], %swap3A_104 {strides = array<i32>} : memref<640x16xf32, #tpu.memory_space<vmem>>, vector<1x16xf32>,
    %broadcast_in_dim3A_105 = arith.constant 0.000000e+00 : f32
    %broadcast_in_dim3A_106 = vector.broadcast %broadcast_in_dim3A_105 : f32 to vector<16xf32>
    %swap3A_107 = arith.constant 12 : i32
    %swap3A_108 = arith.index_cast %swap3A_107 : i32 to index
    %swap3A_109 = arith.constant 0 : index
    %swap3A_110 = tpu.vector_load %arg6[%swap3A_108, %swap3A_109] {strides = array<i32>} : memref<640x16xf32, #tpu.memory_space<vmem>>, vector<1x16xf32>,
    %swap3A_111 = vector.shape_cast %swap3A_110 : vector<1x16xf32> to vector<16xf32>
    %swap3A_112 = vector.shape_cast %broadcast_in_dim3A_106 : vector<16xf32> to vector<1x16xf32>
    tpu.vector_store %arg6[%swap3A_108, %swap3A_109], %swap3A_112 {strides = array<i32>} : memref<640x16xf32, #tpu.memory_space<vmem>>, vector<1x16xf32>,
    %broadcast_in_dim3A_113 = arith.constant 0.000000e+00 : f32
    %broadcast_in_dim3A_114 = vector.broadcast %broadcast_in_dim3A_113 : f32 to vector<16xf32>
    %swap3A_115 = arith.constant 13 : i32
    %swap3A_116 = arith.index_cast %swap3A_115 : i32 to index
    %swap3A_117 = arith.constant 0 : index
    %swap3A_118 = tpu.vector_load %arg6[%swap3A_116, %swap3A_117] {strides = array<i32>} : memref<640x16xf32, #tpu.memory_space<vmem>>, vector<1x16xf32>,
    %swap3A_119 = vector.shape_cast %swap3A_118 : vector<1x16xf32> to vector<16xf32>
    %swap3A_120 = vector.shape_cast %broadcast_in_dim3A_114 : vector<16xf32> to vector<1x16xf32>
    tpu.vector_store %arg6[%swap3A_116, %swap3A_117], %swap3A_120 {strides = array<i32>} : memref<640x16xf32, #tpu.memory_space<vmem>>, vector<1x16xf32>,
    %broadcast_in_dim3A_121 = arith.constant 0.000000e+00 : f32
    %broadcast_in_dim3A_122 = vector.broadcast %broadcast_in_dim3A_121 : f32 to vector<16xf32>
    %swap3A_123 = arith.constant 14 : i32
    %swap3A_124 = arith.index_cast %swap3A_123 : i32 to index
    %swap3A_125 = arith.constant 0 : index
    %swap3A_126 = tpu.vector_load %arg6[%swap3A_124, %swap3A_125] {strides = array<i32>} : memref<640x16xf32, #tpu.memory_space<vmem>>, vector<1x16xf32>,
    %swap3A_127 = vector.shape_cast %swap3A_126 : vector<1x16xf32> to vector<16xf32>
    %swap3A_128 = vector.shape_cast %broadcast_in_dim3A_122 : vector<16xf32> to vector<1x16xf32>
    tpu.vector_store %arg6[%swap3A_124, %swap3A_125], %swap3A_128 {strides = array<i32>} : memref<640x16xf32, #tpu.memory_space<vmem>>, vector<1x16xf32>,
    %broadcast_in_dim3A_129 = arith.constant 0.000000e+00 : f32
    %broadcast_in_dim3A_130 = vector.broadcast %broadcast_in_dim3A_129 : f32 to vector<16xf32>
    %swap3A_131 = arith.constant 15 : i32
    %swap3A_132 = arith.index_cast %swap3A_131 : i32 to index
    %swap3A_133 = arith.constant 0 : index
    %swap3A_134 = tpu.vector_load %arg6[%swap3A_132, %swap3A_133] {strides = array<i32>} : memref<640x16xf32, #tpu.memory_space<vmem>>, vector<1x16xf32>,
    %swap3A_135 = vector.shape_cast %swap3A_134 : vector<1x16xf32> to vector<16xf32>
    %swap3A_136 = vector.shape_cast %broadcast_in_dim3A_130 : vector<16xf32> to vector<1x16xf32>
    tpu.vector_store %arg6[%swap3A_132, %swap3A_133], %swap3A_136 {strides = array<i32>} : memref<640x16xf32, #tpu.memory_space<vmem>>, vector<1x16xf32>,
    %broadcast_in_dim3A_137 = arith.constant 0.000000e+00 : f32
    %broadcast_in_dim3A_138 = vector.broadcast %broadcast_in_dim3A_137 : f32 to vector<16xf32>
    %swap3A_139 = arith.constant 16 : i32
    %swap3A_140 = arith.index_cast %swap3A_139 : i32 to index
    %swap3A_141 = arith.constant 0 : index
    %swap3A_142 = tpu.vector_load %arg6[%swap3A_140, %swap3A_141] {strides = array<i32>} : memref<640x16xf32, #tpu.memory_space<vmem>>, vector<1x16xf32>,
    %swap3A_143 = vector.shape_cast %swap3A_142 : vector<1x16xf32> to vector<16xf32>
    %swap3A_144 = vector.shape_cast %broadcast_in_dim3A_138 : vector<16xf32> to vector<1x16xf32>
    tpu.vector_store %arg6[%swap3A_140, %swap3A_141], %swap3A_144 {strides = array<i32>} : memref<640x16xf32, #tpu.memory_space<vmem>>, vector<1x16xf32>,
    %broadcast_in_dim3A_145 = arith.constant 0.000000e+00 : f32
    %broadcast_in_dim3A_146 = vector.broadcast %broadcast_in_dim3A_145 : f32 to vector<16xf32>
    %swap3A_147 = arith.constant 17 : i32
    %swap3A_148 = arith.index_cast %swap3A_147 : i32 to index
    %swap3A_149 = arith.constant 0 : index
    %swap3A_150 = tpu.vector_load %arg6[%swap3A_148, %swap3A_149] {strides = array<i32>} : memref<640x16xf32, #tpu.memory_space<vmem>>, vector<1x16xf32>,
    %swap3A_151 = vector.shape_cast %swap3A_150 : vector<1x16xf32> to vector<16xf32>
    %swap3A_152 = vector.shape_cast %broadcast_in_dim3A_146 : vector<16xf32> to vector<1x16xf32>
    tpu.vector_store %arg6[%swap3A_148, %swap3A_149], %swap3A_152 {strides = array<i32>} : memref<640x16xf32, #tpu.memory_space<vmem>>, vector<1x16xf32>,
    %broadcast_in_dim3A_153 = arith.constant 0.000000e+00 : f32
    %broadcast_in_dim3A_154 = vector.broadcast %broadcast_in_dim3A_153 : f32 to vector<16xf32>
    %swap3A_155 = arith.constant 18 : i32
    %swap3A_156 = arith.index_cast %swap3A_155 : i32 to index
    %swap3A_157 = arith.constant 0 : index
    %swap3A_158 = tpu.vector_load %arg6[%swap3A_156, %swap3A_157] {strides = array<i32>} : memref<640x16xf32, #tpu.memory_space<vmem>>, vector<1x16xf32>,
    %swap3A_159 = vector.shape_cast %swap3A_158 : vector<1x16xf32> to vector<16xf32>
    %swap3A_160 = vector.shape_cast %broadcast_in_dim3A_154 : vector<16xf32> to vector<1x16xf32>
    tpu.vector_store %arg6[%swap3A_156, %swap3A_157], %swap3A_160 {strides = array<i32>} : memref<640x16xf32, #tpu.memory_space<vmem>>, vector<1x16xf32>,
    %broadcast_in_dim3A_161 = arith.constant 0.000000e+00 : f32
    %broadcast_in_dim3A_162 = vector.broadcast %broadcast_in_dim3A_161 : f32 to vector<16xf32>
    %swap3A_163 = arith.constant 19 : i32
    %swap3A_164 = arith.index_cast %swap3A_163 : i32 to index
    %swap3A_165 = arith.constant 0 : index
    %swap3A_166 = tpu.vector_load %arg6[%swap3A_164, %swap3A_165] {strides = array<i32>} : memref<640x16xf32, #tpu.memory_space<vmem>>, vector<1x16xf32>,
    %swap3A_167 = vector.shape_cast %swap3A_166 : vector<1x16xf32> to vector<16xf32>
    %swap3A_168 = vector.shape_cast %broadcast_in_dim3A_162 : vector<16xf32> to vector<1x16xf32>
    tpu.vector_store %arg6[%swap3A_164, %swap3A_165], %swap3A_168 {strides = array<i32>} : memref<640x16xf32, #tpu.memory_space<vmem>>, vector<1x16xf32>,
    %broadcast_in_dim3A_169 = arith.constant 0.000000e+00 : f32
    %broadcast_in_dim3A_170 = vector.broadcast %broadcast_in_dim3A_169 : f32 to vector<16xf32>
    %swap3A_171 = arith.constant 20 : i32
    %swap3A_172 = arith.index_cast %swap3A_171 : i32 to index
    %swap3A_173 = arith.constant 0 : index
    %swap3A_174 = tpu.vector_load %arg6[%swap3A_172, %swap3A_173] {strides = array<i32>} : memref<640x16xf32, #tpu.memory_space<vmem>>, vector<1x16xf32>,
    %swap3A_175 = vector.shape_cast %swap3A_174 : vector<1x16xf32> to vector<16xf32>
    %swap3A_176 = vector.shape_cast %broadcast_in_dim3A_170 : vector<16xf32> to vector<1x16xf32>
    tpu.vector_store %arg6[%swap3A_172, %swap3A_173], %swap3A_176 {strides = array<i32>} : memref<640x16xf32, #tpu.memory_space<vmem>>, vector<1x16xf32>,
    %broadcast_in_dim3A_177 = arith.constant 0.000000e+00 : f32
    %broadcast_in_dim3A_178 = vector.broadcast %broadcast_in_dim3A_177 : f32 to vector<16xf32>
    %swap3A_179 = arith.constant 21 : i32
    %swap3A_180 = arith.index_cast %swap3A_179 : i32 to index
    %swap3A_181 = arith.constant 0 : index
    %swap3A_182 = tpu.vector_load %arg6[%swap3A_180, %swap3A_181] {strides = array<i32>} : memref<640x16xf32, #tpu.memory_space<vmem>>, vector<1x16xf32>,
    %swap3A_183 = vector.shape_cast %swap3A_182 : vector<1x16xf32> to vector<16xf32>
    %swap3A_184 = vector.shape_cast %broadcast_in_dim3A_178 : vector<16xf32> to vector<1x16xf32>
    tpu.vector_store %arg6[%swap3A_180, %swap3A_181], %swap3A_184 {strides = array<i32>} : memref<640x16xf32, #tpu.memory_space<vmem>>, vector<1x16xf32>,
    %broadcast_in_dim3A_185 = arith.constant 0.000000e+00 : f32
    %broadcast_in_dim3A_186 = vector.broadcast %broadcast_in_dim3A_185 : f32 to vector<16xf32>
    %swap3A_187 = arith.constant 22 : i32
    %swap3A_188 = arith.index_cast %swap3A_187 : i32 to index
    %swap3A_189 = arith.constant 0 : index
    %swap3A_190 = tpu.vector_load %arg6[%swap3A_188, %swap3A_189] {strides = array<i32>} : memref<640x16xf32, #tpu.memory_space<vmem>>, vector<1x16xf32>,
    %swap3A_191 = vector.shape_cast %swap3A_190 : vector<1x16xf32> to vector<16xf32>
    %swap3A_192 = vector.shape_cast %broadcast_in_dim3A_186 : vector<16xf32> to vector<1x16xf32>
    tpu.vector_store %arg6[%swap3A_188, %swap3A_189], %swap3A_192 {strides = array<i32>} : memref<640x16xf32, #tpu.memory_space<vmem>>, vector<1x16xf32>,
    %broadcast_in_dim3A_193 = arith.constant 0.000000e+00 : f32
    %broadcast_in_dim3A_194 = vector.broadcast %broadcast_in_dim3A_193 : f32 to vector<16xf32>
    %swap3A_195 = arith.constant 23 : i32
    %swap3A_196 = arith.index_cast %swap3A_195 : i32 to index
    %swap3A_197 = arith.constant 0 : index
    %swap3A_198 = tpu.vector_load %arg6[%swap3A_196, %swap3A_197] {strides = array<i32>} : memref<640x16xf32, #tpu.memory_space<vmem>>, vector<1x16xf32>,
    %swap3A_199 = vector.shape_cast %swap3A_198 : vector<1x16xf32> to vector<16xf32>
    %swap3A_200 = vector.shape_cast %broadcast_in_dim3A_194 : vector<16xf32> to vector<1x16xf32>
    tpu.vector_store %arg6[%swap3A_196, %swap3A_197], %swap3A_200 {strides = array<i32>} : memref<640x16xf32, #tpu.memory_space<vmem>>, vector<1x16xf32>,
    %broadcast_in_dim3A_201 = arith.constant 0.000000e+00 : f32
    %broadcast_in_dim3A_202 = vector.broadcast %broadcast_in_dim3A_201 : f32 to vector<16xf32>
    %swap3A_203 = arith.constant 24 : i32
    %swap3A_204 = arith.index_cast %swap3A_203 : i32 to index
    %swap3A_205 = arith.constant 0 : index
    %swap3A_206 = tpu.vector_load %arg6[%swap3A_204, %swap3A_205] {strides = array<i32>} : memref<640x16xf32, #tpu.memory_space<vmem>>, vector<1x16xf32>,
    %swap3A_207 = vector.shape_cast %swap3A_206 : vector<1x16xf32> to vector<16xf32>
    %swap3A_208 = vector.shape_cast %broadcast_in_dim3A_202 : vector<16xf32> to vector<1x16xf32>
    tpu.vector_store %arg6[%swap3A_204, %swap3A_205], %swap3A_208 {strides = array<i32>} : memref<640x16xf32, #tpu.memory_space<vmem>>, vector<1x16xf32>,
    %broadcast_in_dim3A_209 = arith.constant 0.000000e+00 : f32
    %broadcast_in_dim3A_210 = vector.broadcast %broadcast_in_dim3A_209 : f32 to vector<16xf32>
    %swap3A_211 = arith.constant 25 : i32
    %swap3A_212 = arith.index_cast %swap3A_211 : i32 to index
    %swap3A_213 = arith.constant 0 : index
    %swap3A_214 = tpu.vector_load %arg6[%swap3A_212, %swap3A_213] {strides = array<i32>} : memref<640x16xf32, #tpu.memory_space<vmem>>, vector<1x16xf32>,
    %swap3A_215 = vector.shape_cast %swap3A_214 : vector<1x16xf32> to vector<16xf32>
    %swap3A_216 = vector.shape_cast %broadcast_in_dim3A_210 : vector<16xf32> to vector<1x16xf32>
    tpu.vector_store %arg6[%swap3A_212, %swap3A_213], %swap3A_216 {strides = array<i32>} : memref<640x16xf32, #tpu.memory_space<vmem>>, vector<1x16xf32>,
    %broadcast_in_dim3A_217 = arith.constant 0.000000e+00 : f32
    %broadcast_in_dim3A_218 = vector.broadcast %broadcast_in_dim3A_217 : f32 to vector<16xf32>
    %swap3A_219 = arith.constant 26 : i32
    %swap3A_220 = arith.index_cast %swap3A_219 : i32 to index
    %swap3A_221 = arith.constant 0 : index
    %swap3A_222 = tpu.vector_load %arg6[%swap3A_220, %swap3A_221] {strides = array<i32>} : memref<640x16xf32, #tpu.memory_space<vmem>>, vector<1x16xf32>,
    %swap3A_223 = vector.shape_cast %swap3A_222 : vector<1x16xf32> to vector<16xf32>
    %swap3A_224 = vector.shape_cast %broadcast_in_dim3A_218 : vector<16xf32> to vector<1x16xf32>
    tpu.vector_store %arg6[%swap3A_220, %swap3A_221], %swap3A_224 {strides = array<i32>} : memref<640x16xf32, #tpu.memory_space<vmem>>, vector<1x16xf32>,
    %broadcast_in_dim3A_225 = arith.constant 0.000000e+00 : f32
    %broadcast_in_dim3A_226 = vector.broadcast %broadcast_in_dim3A_225 : f32 to vector<16xf32>
    %swap3A_227 = arith.constant 27 : i32
    %swap3A_228 = arith.index_cast %swap3A_227 : i32 to index
    %swap3A_229 = arith.constant 0 : index
    %swap3A_230 = tpu.vector_load %arg6[%swap3A_228, %swap3A_229] {strides = array<i32>} : memref<640x16xf32, #tpu.memory_space<vmem>>, vector<1x16xf32>,
    %swap3A_231 = vector.shape_cast %swap3A_230 : vector<1x16xf32> to vector<16xf32>
    %swap3A_232 = vector.shape_cast %broadcast_in_dim3A_226 : vector<16xf32> to vector<1x16xf32>
    tpu.vector_store %arg6[%swap3A_228, %swap3A_229], %swap3A_232 {strides = array<i32>} : memref<640x16xf32, #tpu.memory_space<vmem>>, vector<1x16xf32>,
    %broadcast_in_dim3A_233 = arith.constant 0.000000e+00 : f32
    %broadcast_in_dim3A_234 = vector.broadcast %broadcast_in_dim3A_233 : f32 to vector<16xf32>
    %swap3A_235 = arith.constant 28 : i32
    %swap3A_236 = arith.index_cast %swap3A_235 : i32 to index
    %swap3A_237 = arith.constant 0 : index
    %swap3A_238 = tpu.vector_load %arg6[%swap3A_236, %swap3A_237] {strides = array<i32>} : memref<640x16xf32, #tpu.memory_space<vmem>>, vector<1x16xf32>,
    %swap3A_239 = vector.shape_cast %swap3A_238 : vector<1x16xf32> to vector<16xf32>
    %swap3A_240 = vector.shape_cast %broadcast_in_dim3A_234 : vector<16xf32> to vector<1x16xf32>
    tpu.vector_store %arg6[%swap3A_236, %swap3A_237], %swap3A_240 {strides = array<i32>} : memref<640x16xf32, #tpu.memory_space<vmem>>, vector<1x16xf32>,
    %broadcast_in_dim3A_241 = arith.constant 0.000000e+00 : f32
    %broadcast_in_dim3A_242 = vector.broadcast %broadcast_in_dim3A_241 : f32 to vector<16xf32>
    %swap3A_243 = arith.constant 29 : i32
    %swap3A_244 = arith.index_cast %swap3A_243 : i32 to index
    %swap3A_245 = arith.constant 0 : index
    %swap3A_246 = tpu.vector_load %arg6[%swap3A_244, %swap3A_245] {strides = array<i32>} : memref<640x16xf32, #tpu.memory_space<vmem>>, vector<1x16xf32>,
    %swap3A_247 = vector.shape_cast %swap3A_246 : vector<1x16xf32> to vector<16xf32>
    %swap3A_248 = vector.shape_cast %broadcast_in_dim3A_242 : vector<16xf32> to vector<1x16xf32>
    tpu.vector_store %arg6[%swap3A_244, %swap3A_245], %swap3A_248 {strides = array<i32>} : memref<640x16xf32, #tpu.memory_space<vmem>>, vector<1x16xf32>,
    %broadcast_in_dim3A_249 = arith.constant 0.000000e+00 : f32
    %broadcast_in_dim3A_250 = vector.broadcast %broadcast_in_dim3A_249 : f32 to vector<16xf32>
    %swap3A_251 = arith.constant 30 : i32
    %swap3A_252 = arith.index_cast %swap3A_251 : i32 to index
    %swap3A_253 = arith.constant 0 : index
    %swap3A_254 = tpu.vector_load %arg6[%swap3A_252, %swap3A_253] {strides = array<i32>} : memref<640x16xf32, #tpu.memory_space<vmem>>, vector<1x16xf32>,
    %swap3A_255 = vector.shape_cast %swap3A_254 : vector<1x16xf32> to vector<16xf32>
    %swap3A_256 = vector.shape_cast %broadcast_in_dim3A_250 : vector<16xf32> to vector<1x16xf32>
    tpu.vector_store %arg6[%swap3A_252, %swap3A_253], %swap3A_256 {strides = array<i32>} : memref<640x16xf32, #tpu.memory_space<vmem>>, vector<1x16xf32>,
    %broadcast_in_dim3A_257 = arith.constant 0.000000e+00 : f32
    %broadcast_in_dim3A_258 = vector.broadcast %broadcast_in_dim3A_257 : f32 to vector<16xf32>
    %swap3A_259 = arith.constant 31 : i32
    %swap3A_260 = arith.index_cast %swap3A_259 : i32 to index
    %swap3A_261 = arith.constant 0 : index
    %swap3A_262 = tpu.vector_load %arg6[%swap3A_260, %swap3A_261] {strides = array<i32>} : memref<640x16xf32, #tpu.memory_space<vmem>>, vector<1x16xf32>,
    %swap3A_263 = vector.shape_cast %swap3A_262 : vector<1x16xf32> to vector<16xf32>
    %swap3A_264 = vector.shape_cast %broadcast_in_dim3A_258 : vector<16xf32> to vector<1x16xf32>
    tpu.vector_store %arg6[%swap3A_260, %swap3A_261], %swap3A_264 {strides = array<i32>} : memref<640x16xf32, #tpu.memory_space<vmem>>, vector<1x16xf32>,
    %broadcast_in_dim3A_265 = arith.constant 0.000000e+00 : f32
    %broadcast_in_dim3A_266 = vector.broadcast %broadcast_in_dim3A_265 : f32 to vector<16xf32>
    %swap3A_267 = arith.constant 32 : i32
    %swap3A_268 = arith.index_cast %swap3A_267 : i32 to index
    %swap3A_269 = arith.constant 0 : index
    %swap3A_270 = tpu.vector_load %arg6[%swap3A_268, %swap3A_269] {strides = array<i32>} : memref<640x16xf32, #tpu.memory_space<vmem>>, vector<1x16xf32>,
    %swap3A_271 = vector.shape_cast %swap3A_270 : vector<1x16xf32> to vector<16xf32>
    %swap3A_272 = vector.shape_cast %broadcast_in_dim3A_266 : vector<16xf32> to vector<1x16xf32>
    tpu.vector_store %arg6[%swap3A_268, %swap3A_269], %swap3A_272 {strides = array<i32>} : memref<640x16xf32, #tpu.memory_space<vmem>>, vector<1x16xf32>,
    %broadcast_in_dim3A_273 = arith.constant 0.000000e+00 : f32
    %broadcast_in_dim3A_274 = vector.broadcast %broadcast_in_dim3A_273 : f32 to vector<16xf32>
    %swap3A_275 = arith.constant 33 : i32
    %swap3A_276 = arith.index_cast %swap3A_275 : i32 to index
    %swap3A_277 = arith.constant 0 : index
    %swap3A_278 = tpu.vector_load %arg6[%swap3A_276, %swap3A_277] {strides = array<i32>} : memref<640x16xf32, #tpu.memory_space<vmem>>, vector<1x16xf32>,
    %swap3A_279 = vector.shape_cast %swap3A_278 : vector<1x16xf32> to vector<16xf32>
    %swap3A_280 = vector.shape_cast %broadcast_in_dim3A_274 : vector<16xf32> to vector<1x16xf32>
    tpu.vector_store %arg6[%swap3A_276, %swap3A_277], %swap3A_280 {strides = array<i32>} : memref<640x16xf32, #tpu.memory_space<vmem>>, vector<1x16xf32>,
    %broadcast_in_dim3A_281 = arith.constant 0.000000e+00 : f32
    %broadcast_in_dim3A_282 = vector.broadcast %broadcast_in_dim3A_281 : f32 to vector<16xf32>
    %swap3A_283 = arith.constant 34 : i32
    %swap3A_284 = arith.index_cast %swap3A_283 : i32 to index
    %swap3A_285 = arith.constant 0 : index
    %swap3A_286 = tpu.vector_load %arg6[%swap3A_284, %swap3A_285] {strides = array<i32>} : memref<640x16xf32, #tpu.memory_space<vmem>>, vector<1x16xf32>,
    %swap3A_287 = vector.shape_cast %swap3A_286 : vector<1x16xf32> to vector<16xf32>
    %swap3A_288 = vector.shape_cast %broadcast_in_dim3A_282 : vector<16xf32> to vector<1x16xf32>
    tpu.vector_store %arg6[%swap3A_284, %swap3A_285], %swap3A_288 {strides = array<i32>} : memref<640x16xf32, #tpu.memory_space<vmem>>, vector<1x16xf32>,
    %broadcast_in_dim3A_289 = arith.constant 0.000000e+00 : f32
    %broadcast_in_dim3A_290 = vector.broadcast %broadcast_in_dim3A_289 : f32 to vector<16xf32>
    %swap3A_291 = arith.constant 35 : i32
    %swap3A_292 = arith.index_cast %swap3A_291 : i32 to index
    %swap3A_293 = arith.constant 0 : index
    %swap3A_294 = tpu.vector_load %arg6[%swap3A_292, %swap3A_293] {strides = array<i32>} : memref<640x16xf32, #tpu.memory_space<vmem>>, vector<1x16xf32>,
    %swap3A_295 = vector.shape_cast %swap3A_294 : vector<1x16xf32> to vector<16xf32>
    %swap3A_296 = vector.shape_cast %broadcast_in_dim3A_290 : vector<16xf32> to vector<1x16xf32>
    tpu.vector_store %arg6[%swap3A_292, %swap3A_293], %swap3A_296 {strides = array<i32>} : memref<640x16xf32, #tpu.memory_space<vmem>>, vector<1x16xf32>,
    %broadcast_in_dim3A_297 = arith.constant 0.000000e+00 : f32
    %broadcast_in_dim3A_298 = vector.broadcast %broadcast_in_dim3A_297 : f32 to vector<16xf32>
    %swap3A_299 = arith.constant 36 : i32
    %swap3A_300 = arith.index_cast %swap3A_299 : i32 to index
    %swap3A_301 = arith.constant 0 : index
    %swap3A_302 = tpu.vector_load %arg6[%swap3A_300, %swap3A_301] {strides = array<i32>} : memref<640x16xf32, #tpu.memory_space<vmem>>, vector<1x16xf32>,
    %swap3A_303 = vector.shape_cast %swap3A_302 : vector<1x16xf32> to vector<16xf32>
    %swap3A_304 = vector.shape_cast %broadcast_in_dim3A_298 : vector<16xf32> to vector<1x16xf32>
    tpu.vector_store %arg6[%swap3A_300, %swap3A_301], %swap3A_304 {strides = array<i32>} : memref<640x16xf32, #tpu.memory_space<vmem>>, vector<1x16xf32>,
    %broadcast_in_dim3A_305 = arith.constant 0.000000e+00 : f32
    %broadcast_in_dim3A_306 = vector.broadcast %broadcast_in_dim3A_305 : f32 to vector<16xf32>
    %swap3A_307 = arith.constant 37 : i32
    %swap3A_308 = arith.index_cast %swap3A_307 : i32 to index
    %swap3A_309 = arith.constant 0 : index
    %swap3A_310 = tpu.vector_load %arg6[%swap3A_308, %swap3A_309] {strides = array<i32>} : memref<640x16xf32, #tpu.memory_space<vmem>>, vector<1x16xf32>,
    %swap3A_311 = vector.shape_cast %swap3A_310 : vector<1x16xf32> to vector<16xf32>
    %swap3A_312 = vector.shape_cast %broadcast_in_dim3A_306 : vector<16xf32> to vector<1x16xf32>
    tpu.vector_store %arg6[%swap3A_308, %swap3A_309], %swap3A_312 {strides = array<i32>} : memref<640x16xf32, #tpu.memory_space<vmem>>, vector<1x16xf32>,
    %broadcast_in_dim3A_313 = arith.constant 0.000000e+00 : f32
    %broadcast_in_dim3A_314 = vector.broadcast %broadcast_in_dim3A_313 : f32 to vector<16xf32>
    %swap3A_315 = arith.constant 38 : i32
    %swap3A_316 = arith.index_cast %swap3A_315 : i32 to index
    %swap3A_317 = arith.constant 0 : index
    %swap3A_318 = tpu.vector_load %arg6[%swap3A_316, %swap3A_317] {strides = array<i32>} : memref<640x16xf32, #tpu.memory_space<vmem>>, vector<1x16xf32>,
    %swap3A_319 = vector.shape_cast %swap3A_318 : vector<1x16xf32> to vector<16xf32>
    %swap3A_320 = vector.shape_cast %broadcast_in_dim3A_314 : vector<16xf32> to vector<1x16xf32>
    tpu.vector_store %arg6[%swap3A_316, %swap3A_317], %swap3A_320 {strides = array<i32>} : memref<640x16xf32, #tpu.memory_space<vmem>>, vector<1x16xf32>,
    %broadcast_in_dim3A_321 = arith.constant 0.000000e+00 : f32
    %broadcast_in_dim3A_322 = vector.broadcast %broadcast_in_dim3A_321 : f32 to vector<16xf32>
    %swap3A_323 = arith.constant 39 : i32
    %swap3A_324 = arith.index_cast %swap3A_323 : i32 to index
    %swap3A_325 = arith.constant 0 : index
    %swap3A_326 = tpu.vector_load %arg6[%swap3A_324, %swap3A_325] {strides = array<i32>} : memref<640x16xf32, #tpu.memory_space<vmem>>, vector<1x16xf32>,
    %swap3A_327 = vector.shape_cast %swap3A_326 : vector<1x16xf32> to vector<16xf32>
    %swap3A_328 = vector.shape_cast %broadcast_in_dim3A_322 : vector<16xf32> to vector<1x16xf32>
    tpu.vector_store %arg6[%swap3A_324, %swap3A_325], %swap3A_328 {strides = array<i32>} : memref<640x16xf32, #tpu.memory_space<vmem>>, vector<1x16xf32>,
    %broadcast_in_dim3A_329 = arith.constant 0.000000e+00 : f32
    %broadcast_in_dim3A_330 = vector.broadcast %broadcast_in_dim3A_329 : f32 to vector<16xf32>
    %swap3A_331 = arith.constant 40 : i32
    %swap3A_332 = arith.index_cast %swap3A_331 : i32 to index
    %swap3A_333 = arith.constant 0 : index
    %swap3A_334 = tpu.vector_load %arg6[%swap3A_332, %swap3A_333] {strides = array<i32>} : memref<640x16xf32, #tpu.memory_space<vmem>>, vector<1x16xf32>,
    %swap3A_335 = vector.shape_cast %swap3A_334 : vector<1x16xf32> to vector<16xf32>
    %swap3A_336 = vector.shape_cast %broadcast_in_dim3A_330 : vector<16xf32> to vector<1x16xf32>
    tpu.vector_store %arg6[%swap3A_332, %swap3A_333], %swap3A_336 {strides = array<i32>} : memref<640x16xf32, #tpu.memory_space<vmem>>, vector<1x16xf32>,
    %broadcast_in_dim3A_337 = arith.constant 0.000000e+00 : f32
    %broadcast_in_dim3A_338 = vector.broadcast %broadcast_in_dim3A_337 : f32 to vector<16xf32>
    %swap3A_339 = arith.constant 41 : i32
    %swap3A_340 = arith.index_cast %swap3A_339 : i32 to index
    %swap3A_341 = arith.constant 0 : index
    %swap3A_342 = tpu.vector_load %arg6[%swap3A_340, %swap3A_341] {strides = array<i32>} : memref<640x16xf32, #tpu.memory_space<vmem>>, vector<1x16xf32>,
    %swap3A_343 = vector.shape_cast %swap3A_342 : vector<1x16xf32> to vector<16xf32>
    %swap3A_344 = vector.shape_cast %broadcast_in_dim3A_338 : vector<16xf32> to vector<1x16xf32>
    tpu.vector_store %arg6[%swap3A_340, %swap3A_341], %swap3A_344 {strides = array<i32>} : memref<640x16xf32, #tpu.memory_space<vmem>>, vector<1x16xf32>,
    %broadcast_in_dim3A_345 = arith.constant 0.000000e+00 : f32
    %broadcast_in_dim3A_346 = vector.broadcast %broadcast_in_dim3A_345 : f32 to vector<16xf32>
    %swap3A_347 = arith.constant 42 : i32
    %swap3A_348 = arith.index_cast %swap3A_347 : i32 to index
    %swap3A_349 = arith.constant 0 : index
    %swap3A_350 = tpu.vector_load %arg6[%swap3A_348, %swap3A_349] {strides = array<i32>} : memref<640x16xf32, #tpu.memory_space<vmem>>, vector<1x16xf32>,
    %swap3A_351 = vector.shape_cast %swap3A_350 : vector<1x16xf32> to vector<16xf32>
    %swap3A_352 = vector.shape_cast %broadcast_in_dim3A_346 : vector<16xf32> to vector<1x16xf32>
    tpu.vector_store %arg6[%swap3A_348, %swap3A_349], %swap3A_352 {strides = array<i32>} : memref<640x16xf32, #tpu.memory_space<vmem>>, vector<1x16xf32>,
    %broadcast_in_dim3A_353 = arith.constant 0.000000e+00 : f32
    %broadcast_in_dim3A_354 = vector.broadcast %broadcast_in_dim3A_353 : f32 to vector<16xf32>
    %swap3A_355 = arith.constant 43 : i32
    %swap3A_356 = arith.index_cast %swap3A_355 : i32 to index
    %swap3A_357 = arith.constant 0 : index
    %swap3A_358 = tpu.vector_load %arg6[%swap3A_356, %swap3A_357] {strides = array<i32>} : memref<640x16xf32, #tpu.memory_space<vmem>>, vector<1x16xf32>,
    %swap3A_359 = vector.shape_cast %swap3A_358 : vector<1x16xf32> to vector<16xf32>
    %swap3A_360 = vector.shape_cast %broadcast_in_dim3A_354 : vector<16xf32> to vector<1x16xf32>
    tpu.vector_store %arg6[%swap3A_356, %swap3A_357], %swap3A_360 {strides = array<i32>} : memref<640x16xf32, #tpu.memory_space<vmem>>, vector<1x16xf32>,
    %broadcast_in_dim3A_361 = arith.constant 0.000000e+00 : f32
    %broadcast_in_dim3A_362 = vector.broadcast %broadcast_in_dim3A_361 : f32 to vector<16xf32>
    %swap3A_363 = arith.constant 44 : i32
    %swap3A_364 = arith.index_cast %swap3A_363 : i32 to index
    %swap3A_365 = arith.constant 0 : index
    %swap3A_366 = tpu.vector_load %arg6[%swap3A_364, %swap3A_365] {strides = array<i32>} : memref<640x16xf32, #tpu.memory_space<vmem>>, vector<1x16xf32>,
    %swap3A_367 = vector.shape_cast %swap3A_366 : vector<1x16xf32> to vector<16xf32>
    %swap3A_368 = vector.shape_cast %broadcast_in_dim3A_362 : vector<16xf32> to vector<1x16xf32>
    tpu.vector_store %arg6[%swap3A_364, %swap3A_365], %swap3A_368 {strides = array<i32>} : memref<640x16xf32, #tpu.memory_space<vmem>>, vector<1x16xf32>,
    %broadcast_in_dim3A_369 = arith.constant 0.000000e+00 : f32
    %broadcast_in_dim3A_370 = vector.broadcast %broadcast_in_dim3A_369 : f32 to vector<16xf32>
    %swap3A_371 = arith.constant 45 : i32
    %swap3A_372 = arith.index_cast %swap3A_371 : i32 to index
    %swap3A_373 = arith.constant 0 : index
    %swap3A_374 = tpu.vector_load %arg6[%swap3A_372, %swap3A_373] {strides = array<i32>} : memref<640x16xf32, #tpu.memory_space<vmem>>, vector<1x16xf32>,
    %swap3A_375 = vector.shape_cast %swap3A_374 : vector<1x16xf32> to vector<16xf32>
    %swap3A_376 = vector.shape_cast %broadcast_in_dim3A_370 : vector<16xf32> to vector<1x16xf32>
    tpu.vector_store %arg6[%swap3A_372, %swap3A_373], %swap3A_376 {strides = array<i32>} : memref<640x16xf32, #tpu.memory_space<vmem>>, vector<1x16xf32>,
    %broadcast_in_dim3A_377 = arith.constant 0.000000e+00 : f32
    %broadcast_in_dim3A_378 = vector.broadcast %broadcast_in_dim3A_377 : f32 to vector<16xf32>
    %swap3A_379 = arith.constant 46 : i32
    %swap3A_380 = arith.index_cast %swap3A_379 : i32 to index
    %swap3A_381 = arith.constant 0 : index
    %swap3A_382 = tpu.vector_load %arg6[%swap3A_380, %swap3A_381] {strides = array<i32>} : memref<640x16xf32, #tpu.memory_space<vmem>>, vector<1x16xf32>,
    %swap3A_383 = vector.shape_cast %swap3A_382 : vector<1x16xf32> to vector<16xf32>
    %swap3A_384 = vector.shape_cast %broadcast_in_dim3A_378 : vector<16xf32> to vector<1x16xf32>
    tpu.vector_store %arg6[%swap3A_380, %swap3A_381], %swap3A_384 {strides = array<i32>} : memref<640x16xf32, #tpu.memory_space<vmem>>, vector<1x16xf32>,
    %broadcast_in_dim3A_385 = arith.constant 0.000000e+00 : f32
    %broadcast_in_dim3A_386 = vector.broadcast %broadcast_in_dim3A_385 : f32 to vector<16xf32>
    %swap3A_387 = arith.constant 47 : i32
    %swap3A_388 = arith.index_cast %swap3A_387 : i32 to index
    %swap3A_389 = arith.constant 0 : index
    %swap3A_390 = tpu.vector_load %arg6[%swap3A_388, %swap3A_389] {strides = array<i32>} : memref<640x16xf32, #tpu.memory_space<vmem>>, vector<1x16xf32>,
    %swap3A_391 = vector.shape_cast %swap3A_390 : vector<1x16xf32> to vector<16xf32>
    %swap3A_392 = vector.shape_cast %broadcast_in_dim3A_386 : vector<16xf32> to vector<1x16xf32>
    tpu.vector_store %arg6[%swap3A_388, %swap3A_389], %swap3A_392 {strides = array<i32>} : memref<640x16xf32, #tpu.memory_space<vmem>>, vector<1x16xf32>,
    %broadcast_in_dim3A_393 = arith.constant 0.000000e+00 : f32
    %broadcast_in_dim3A_394 = vector.broadcast %broadcast_in_dim3A_393 : f32 to vector<16xf32>
    %swap3A_395 = arith.constant 48 : i32
    %swap3A_396 = arith.index_cast %swap3A_395 : i32 to index
    %swap3A_397 = arith.constant 0 : index
    %swap3A_398 = tpu.vector_load %arg6[%swap3A_396, %swap3A_397] {strides = array<i32>} : memref<640x16xf32, #tpu.memory_space<vmem>>, vector<1x16xf32>,
    %swap3A_399 = vector.shape_cast %swap3A_398 : vector<1x16xf32> to vector<16xf32>
    %swap3A_400 = vector.shape_cast %broadcast_in_dim3A_394 : vector<16xf32> to vector<1x16xf32>
    tpu.vector_store %arg6[%swap3A_396, %swap3A_397], %swap3A_400 {strides = array<i32>} : memref<640x16xf32, #tpu.memory_space<vmem>>, vector<1x16xf32>,
    %broadcast_in_dim3A_401 = arith.constant 0.000000e+00 : f32
    %broadcast_in_dim3A_402 = vector.broadcast %broadcast_in_dim3A_401 : f32 to vector<16xf32>
    %swap3A_403 = arith.constant 49 : i32
    %swap3A_404 = arith.index_cast %swap3A_403 : i32 to index
    %swap3A_405 = arith.constant 0 : index
    %swap3A_406 = tpu.vector_load %arg6[%swap3A_404, %swap3A_405] {strides = array<i32>} : memref<640x16xf32, #tpu.memory_space<vmem>>, vector<1x16xf32>,
    %swap3A_407 = vector.shape_cast %swap3A_406 : vector<1x16xf32> to vector<16xf32>
    %swap3A_408 = vector.shape_cast %broadcast_in_dim3A_402 : vector<16xf32> to vector<1x16xf32>
    tpu.vector_store %arg6[%swap3A_404, %swap3A_405], %swap3A_408 {strides = array<i32>} : memref<640x16xf32, #tpu.memory_space<vmem>>, vector<1x16xf32>,
    %broadcast_in_dim3A_409 = arith.constant 0.000000e+00 : f32
    %broadcast_in_dim3A_410 = vector.broadcast %broadcast_in_dim3A_409 : f32 to vector<16xf32>
    %swap3A_411 = arith.constant 50 : i32
    %swap3A_412 = arith.index_cast %swap3A_411 : i32 to index
    %swap3A_413 = arith.constant 0 : index
    %swap3A_414 = tpu.vector_load %arg6[%swap3A_412, %swap3A_413] {strides = array<i32>} : memref<640x16xf32, #tpu.memory_space<vmem>>, vector<1x16xf32>,
    %swap3A_415 = vector.shape_cast %swap3A_414 : vector<1x16xf32> to vector<16xf32>
    %swap3A_416 = vector.shape_cast %broadcast_in_dim3A_410 : vector<16xf32> to vector<1x16xf32>
    tpu.vector_store %arg6[%swap3A_412, %swap3A_413], %swap3A_416 {strides = array<i32>} : memref<640x16xf32, #tpu.memory_space<vmem>>, vector<1x16xf32>,
    %broadcast_in_dim3A_417 = arith.constant 0.000000e+00 : f32
    %broadcast_in_dim3A_418 = vector.broadcast %broadcast_in_dim3A_417 : f32 to vector<16xf32>
    %swap3A_419 = arith.constant 51 : i32
    %swap3A_420 = arith.index_cast %swap3A_419 : i32 to index
    %swap3A_421 = arith.constant 0 : index
    %swap3A_422 = tpu.vector_load %arg6[%swap3A_420, %swap3A_421] {strides = array<i32>} : memref<640x16xf32, #tpu.memory_space<vmem>>, vector<1x16xf32>,
    %swap3A_423 = vector.shape_cast %swap3A_422 : vector<1x16xf32> to vector<16xf32>
    %swap3A_424 = vector.shape_cast %broadcast_in_dim3A_418 : vector<16xf32> to vector<1x16xf32>
    tpu.vector_store %arg6[%swap3A_420, %swap3A_421], %swap3A_424 {strides = array<i32>} : memref<640x16xf32, #tpu.memory_space<vmem>>, vector<1x16xf32>,
    %broadcast_in_dim3A_425 = arith.constant 0.000000e+00 : f32
    %broadcast_in_dim3A_426 = vector.broadcast %broadcast_in_dim3A_425 : f32 to vector<16xf32>
    %swap3A_427 = arith.constant 52 : i32
    %swap3A_428 = arith.index_cast %swap3A_427 : i32 to index
    %swap3A_429 = arith.constant 0 : index
    %swap3A_430 = tpu.vector_load %arg6[%swap3A_428, %swap3A_429] {strides = array<i32>} : memref<640x16xf32, #tpu.memory_space<vmem>>, vector<1x16xf32>,
    %swap3A_431 = vector.shape_cast %swap3A_430 : vector<1x16xf32> to vector<16xf32>
    %swap3A_432 = vector.shape_cast %broadcast_in_dim3A_426 : vector<16xf32> to vector<1x16xf32>
    tpu.vector_store %arg6[%swap3A_428, %swap3A_429], %swap3A_432 {strides = array<i32>} : memref<640x16xf32, #tpu.memory_space<vmem>>, vector<1x16xf32>,
    %broadcast_in_dim3A_433 = arith.constant 0.000000e+00 : f32
    %broadcast_in_dim3A_434 = vector.broadcast %broadcast_in_dim3A_433 : f32 to vector<16xf32>
    %swap3A_435 = arith.constant 53 : i32
    %swap3A_436 = arith.index_cast %swap3A_435 : i32 to index
    %swap3A_437 = arith.constant 0 : index
    %swap3A_438 = tpu.vector_load %arg6[%swap3A_436, %swap3A_437] {strides = array<i32>} : memref<640x16xf32, #tpu.memory_space<vmem>>, vector<1x16xf32>,
    %swap3A_439 = vector.shape_cast %swap3A_438 : vector<1x16xf32> to vector<16xf32>
    %swap3A_440 = vector.shape_cast %broadcast_in_dim3A_434 : vector<16xf32> to vector<1x16xf32>
    tpu.vector_store %arg6[%swap3A_436, %swap3A_437], %swap3A_440 {strides = array<i32>} : memref<640x16xf32, #tpu.memory_space<vmem>>, vector<1x16xf32>,
    %broadcast_in_dim3A_441 = arith.constant 0.000000e+00 : f32
    %broadcast_in_dim3A_442 = vector.broadcast %broadcast_in_dim3A_441 : f32 to vector<16xf32>
    %swap3A_443 = arith.constant 54 : i32
    %swap3A_444 = arith.index_cast %swap3A_443 : i32 to index
    %swap3A_445 = arith.constant 0 : index
    %swap3A_446 = tpu.vector_load %arg6[%swap3A_444, %swap3A_445] {strides = array<i32>} : memref<640x16xf32, #tpu.memory_space<vmem>>, vector<1x16xf32>,
    %swap3A_447 = vector.shape_cast %swap3A_446 : vector<1x16xf32> to vector<16xf32>
    %swap3A_448 = vector.shape_cast %broadcast_in_dim3A_442 : vector<16xf32> to vector<1x16xf32>
    tpu.vector_store %arg6[%swap3A_444, %swap3A_445], %swap3A_448 {strides = array<i32>} : memref<640x16xf32, #tpu.memory_space<vmem>>, vector<1x16xf32>,
    %broadcast_in_dim3A_449 = arith.constant 0.000000e+00 : f32
    %broadcast_in_dim3A_450 = vector.broadcast %broadcast_in_dim3A_449 : f32 to vector<16xf32>
    %swap3A_451 = arith.constant 55 : i32
    %swap3A_452 = arith.index_cast %swap3A_451 : i32 to index
    %swap3A_453 = arith.constant 0 : index
    %swap3A_454 = tpu.vector_load %arg6[%swap3A_452, %swap3A_453] {strides = array<i32>} : memref<640x16xf32, #tpu.memory_space<vmem>>, vector<1x16xf32>,
    %swap3A_455 = vector.shape_cast %swap3A_454 : vector<1x16xf32> to vector<16xf32>
    %swap3A_456 = vector.shape_cast %broadcast_in_dim3A_450 : vector<16xf32> to vector<1x16xf32>
    tpu.vector_store %arg6[%swap3A_452, %swap3A_453], %swap3A_456 {strides = array<i32>} : memref<640x16xf32, #tpu.memory_space<vmem>>, vector<1x16xf32>,
    %broadcast_in_dim3A_457 = arith.constant 0.000000e+00 : f32
    %broadcast_in_dim3A_458 = vector.broadcast %broadcast_in_dim3A_457 : f32 to vector<16xf32>
    %swap3A_459 = arith.constant 56 : i32
    %swap3A_460 = arith.index_cast %swap3A_459 : i32 to index
    %swap3A_461 = arith.constant 0 : index
    %swap3A_462 = tpu.vector_load %arg6[%swap3A_460, %swap3A_461] {strides = array<i32>} : memref<640x16xf32, #tpu.memory_space<vmem>>, vector<1x16xf32>,
    %swap3A_463 = vector.shape_cast %swap3A_462 : vector<1x16xf32> to vector<16xf32>
    %swap3A_464 = vector.shape_cast %broadcast_in_dim3A_458 : vector<16xf32> to vector<1x16xf32>
    tpu.vector_store %arg6[%swap3A_460, %swap3A_461], %swap3A_464 {strides = array<i32>} : memref<640x16xf32, #tpu.memory_space<vmem>>, vector<1x16xf32>,
    %broadcast_in_dim3A_465 = arith.constant 0.000000e+00 : f32
    %broadcast_in_dim3A_466 = vector.broadcast %broadcast_in_dim3A_465 : f32 to vector<16xf32>
    %swap3A_467 = arith.constant 57 : i32
    %swap3A_468 = arith.index_cast %swap3A_467 : i32 to index
    %swap3A_469 = arith.constant 0 : index
    %swap3A_470 = tpu.vector_load %arg6[%swap3A_468, %swap3A_469] {strides = array<i32>} : memref<640x16xf32, #tpu.memory_space<vmem>>, vector<1x16xf32>,
    %swap3A_471 = vector.shape_cast %swap3A_470 : vector<1x16xf32> to vector<16xf32>
    %swap3A_472 = vector.shape_cast %broadcast_in_dim3A_466 : vector<16xf32> to vector<1x16xf32>
    tpu.vector_store %arg6[%swap3A_468, %swap3A_469], %swap3A_472 {strides = array<i32>} : memref<640x16xf32, #tpu.memory_space<vmem>>, vector<1x16xf32>,
    %broadcast_in_dim3A_473 = arith.constant 0.000000e+00 : f32
    %broadcast_in_dim3A_474 = vector.broadcast %broadcast_in_dim3A_473 : f32 to vector<16xf32>
    %swap3A_475 = arith.constant 58 : i32
    %swap3A_476 = arith.index_cast %swap3A_475 : i32 to index
    %swap3A_477 = arith.constant 0 : index
    %swap3A_478 = tpu.vector_load %arg6[%swap3A_476, %swap3A_477] {strides = array<i32>} : memref<640x16xf32, #tpu.memory_space<vmem>>, vector<1x16xf32>,
    %swap3A_479 = vector.shape_cast %swap3A_478 : vector<1x16xf32> to vector<16xf32>
    %swap3A_480 = vector.shape_cast %broadcast_in_dim3A_474 : vector<16xf32> to vector<1x16xf32>
    tpu.vector_store %arg6[%swap3A_476, %swap3A_477], %swap3A_480 {strides = array<i32>} : memref<640x16xf32, #tpu.memory_space<vmem>>, vector<1x16xf32>,
    %broadcast_in_dim3A_481 = arith.constant 0.000000e+00 : f32
    %broadcast_in_dim3A_482 = vector.broadcast %broadcast_in_dim3A_481 : f32 to vector<16xf32>
    %swap3A_483 = arith.constant 59 : i32
    %swap3A_484 = arith.index_cast %swap3A_483 : i32 to index
    %swap3A_485 = arith.constant 0 : index
    %swap3A_486 = tpu.vector_load %arg6[%swap3A_484, %swap3A_485] {strides = array<i32>} : memref<640x16xf32, #tpu.memory_space<vmem>>, vector<1x16xf32>,
    %swap3A_487 = vector.shape_cast %swap3A_486 : vector<1x16xf32> to vector<16xf32>
    %swap3A_488 = vector.shape_cast %broadcast_in_dim3A_482 : vector<16xf32> to vector<1x16xf32>
    tpu.vector_store %arg6[%swap3A_484, %swap3A_485], %swap3A_488 {strides = array<i32>} : memref<640x16xf32, #tpu.memory_space<vmem>>, vector<1x16xf32>,
    %broadcast_in_dim3A_489 = arith.constant 0.000000e+00 : f32
    %broadcast_in_dim3A_490 = vector.broadcast %broadcast_in_dim3A_489 : f32 to vector<16xf32>
    %swap3A_491 = arith.constant 60 : i32
    %swap3A_492 = arith.index_cast %swap3A_491 : i32 to index
    %swap3A_493 = arith.constant 0 : index
    %swap3A_494 = tpu.vector_load %arg6[%swap3A_492, %swap3A_493] {strides = array<i32>} : memref<640x16xf32, #tpu.memory_space<vmem>>, vector<1x16xf32>,
    %swap3A_495 = vector.shape_cast %swap3A_494 : vector<1x16xf32> to vector<16xf32>
    %swap3A_496 = vector.shape_cast %broadcast_in_dim3A_490 : vector<16xf32> to vector<1x16xf32>
    tpu.vector_store %arg6[%swap3A_492, %swap3A_493], %swap3A_496 {strides = array<i32>} : memref<640x16xf32, #tpu.memory_space<vmem>>, vector<1x16xf32>,
    %broadcast_in_dim3A_497 = arith.constant 0.000000e+00 : f32
    %broadcast_in_dim3A_498 = vector.broadcast %broadcast_in_dim3A_497 : f32 to vector<16xf32>
    %swap3A_499 = arith.constant 61 : i32
    %swap3A_500 = arith.index_cast %swap3A_499 : i32 to index
    %swap3A_501 = arith.constant 0 : index
    %swap3A_502 = tpu.vector_load %arg6[%swap3A_500, %swap3A_501] {strides = array<i32>} : memref<640x16xf32, #tpu.memory_space<vmem>>, vector<1x16xf32>,
    %swap3A_503 = vector.shape_cast %swap3A_502 : vector<1x16xf32> to vector<16xf32>
    %swap3A_504 = vector.shape_cast %broadcast_in_dim3A_498 : vector<16xf32> to vector<1x16xf32>
    tpu.vector_store %arg6[%swap3A_500, %swap3A_501], %swap3A_504 {strides = array<i32>} : memref<640x16xf32, #tpu.memory_space<vmem>>, vector<1x16xf32>,
    %broadcast_in_dim3A_505 = arith.constant 0.000000e+00 : f32
    %broadcast_in_dim3A_506 = vector.broadcast %broadcast_in_dim3A_505 : f32 to vector<16xf32>
    %swap3A_507 = arith.constant 62 : i32
    %swap3A_508 = arith.index_cast %swap3A_507 : i32 to index
    %swap3A_509 = arith.constant 0 : index
    %swap3A_510 = tpu.vector_load %arg6[%swap3A_508, %swap3A_509] {strides = array<i32>} : memref<640x16xf32, #tpu.memory_space<vmem>>, vector<1x16xf32>,
    %swap3A_511 = vector.shape_cast %swap3A_510 : vector<1x16xf32> to vector<16xf32>
    %swap3A_512 = vector.shape_cast %broadcast_in_dim3A_506 : vector<16xf32> to vector<1x16xf32>
    tpu.vector_store %arg6[%swap3A_508, %swap3A_509], %swap3A_512 {strides = array<i32>} : memref<640x16xf32, #tpu.memory_space<vmem>>, vector<1x16xf32>,
    %broadcast_in_dim3A_513 = arith.constant 0.000000e+00 : f32
    %broadcast_in_dim3A_514 = vector.broadcast %broadcast_in_dim3A_513 : f32 to vector<16xf32>
    %swap3A_515 = arith.constant 63 : i32
    %swap3A_516 = arith.index_cast %swap3A_515 : i32 to index
    %swap3A_517 = arith.constant 0 : index
    %swap3A_518 = tpu.vector_load %arg6[%swap3A_516, %swap3A_517] {strides = array<i32>} : memref<640x16xf32, #tpu.memory_space<vmem>>, vector<1x16xf32>,
    %swap3A_519 = vector.shape_cast %swap3A_518 : vector<1x16xf32> to vector<16xf32>
    %swap3A_520 = vector.shape_cast %broadcast_in_dim3A_514 : vector<16xf32> to vector<1x16xf32>
    tpu.vector_store %arg6[%swap3A_516, %swap3A_517], %swap3A_520 {strides = array<i32>} : memref<640x16xf32, #tpu.memory_space<vmem>>, vector<1x16xf32>,
    %broadcast_in_dim3A_521 = arith.constant 0.000000e+00 : f32
    %broadcast_in_dim3A_522 = vector.broadcast %broadcast_in_dim3A_521 : f32 to vector<16xf32>
    %swap3A_523 = arith.constant 64 : i32
    %swap3A_524 = arith.index_cast %swap3A_523 : i32 to index
    %swap3A_525 = arith.constant 0 : index
    %swap3A_526 = tpu.vector_load %arg6[%swap3A_524, %swap3A_525] {strides = array<i32>} : memref<640x16xf32, #tpu.memory_space<vmem>>, vector<1x16xf32>,
    %swap3A_527 = vector.shape_cast %swap3A_526 : vector<1x16xf32> to vector<16xf32>
    %swap3A_528 = vector.shape_cast %broadcast_in_dim3A_522 : vector<16xf32> to vector<1x16xf32>
    tpu.vector_store %arg6[%swap3A_524, %swap3A_525], %swap3A_528 {strides = array<i32>} : memref<640x16xf32, #tpu.memory_space<vmem>>, vector<1x16xf32>,
    %broadcast_in_dim3A_529 = arith.constant 0.000000e+00 : f32
    %broadcast_in_dim3A_530 = vector.broadcast %broadcast_in_dim3A_529 : f32 to vector<16xf32>
    %swap3A_531 = arith.constant 65 : i32
    %swap3A_532 = arith.index_cast %swap3A_531 : i32 to index
    %swap3A_533 = arith.constant 0 : index
    %swap3A_534 = tpu.vector_load %arg6[%swap3A_532, %swap3A_533] {strides = array<i32>} : memref<640x16xf32, #tpu.memory_space<vmem>>, vector<1x16xf32>,
    %swap3A_535 = vector.shape_cast %swap3A_534 : vector<1x16xf32> to vector<16xf32>
    %swap3A_536 = vector.shape_cast %broadcast_in_dim3A_530 : vector<16xf32> to vector<1x16xf32>
    tpu.vector_store %arg6[%swap3A_532, %swap3A_533], %swap3A_536 {strides = array<i32>} : memref<640x16xf32, #tpu.memory_space<vmem>>, vector<1x16xf32>,
    %broadcast_in_dim3A_537 = arith.constant 0.000000e+00 : f32
    %broadcast_in_dim3A_538 = vector.broadcast %broadcast_in_dim3A_537 : f32 to vector<16xf32>
    %swap3A_539 = arith.constant 66 : i32
    %swap3A_540 = arith.index_cast %swap3A_539 : i32 to index
    %swap3A_541 = arith.constant 0 : index
    %swap3A_542 = tpu.vector_load %arg6[%swap3A_540, %swap3A_541] {strides = array<i32>} : memref<640x16xf32, #tpu.memory_space<vmem>>, vector<1x16xf32>,
    %swap3A_543 = vector.shape_cast %swap3A_542 : vector<1x16xf32> to vector<16xf32>
    %swap3A_544 = vector.shape_cast %broadcast_in_dim3A_538 : vector<16xf32> to vector<1x16xf32>
    tpu.vector_store %arg6[%swap3A_540, %swap3A_541], %swap3A_544 {strides = array<i32>} : memref<640x16xf32, #tpu.memory_space<vmem>>, vector<1x16xf32>,
    %broadcast_in_dim3A_545 = arith.constant 0.000000e+00 : f32
    %broadcast_in_dim3A_546 = vector.broadcast %broadcast_in_dim3A_545 : f32 to vector<16xf32>
    %swap3A_547 = arith.constant 67 : i32
    %swap3A_548 = arith.index_cast %swap3A_547 : i32 to index
    %swap3A_549 = arith.constant 0 : index
    %swap3A_550 = tpu.vector_load %arg6[%swap3A_548, %swap3A_549] {strides = array<i32>} : memref<640x16xf32, #tpu.memory_space<vmem>>, vector<1x16xf32>,
    %swap3A_551 = vector.shape_cast %swap3A_550 : vector<1x16xf32> to vector<16xf32>
    %swap3A_552 = vector.shape_cast %broadcast_in_dim3A_546 : vector<16xf32> to vector<1x16xf32>
    tpu.vector_store %arg6[%swap3A_548, %swap3A_549], %swap3A_552 {strides = array<i32>} : memref<640x16xf32, #tpu.memory_space<vmem>>, vector<1x16xf32>,
    %broadcast_in_dim3A_553 = arith.constant 0.000000e+00 : f32
    %broadcast_in_dim3A_554 = vector.broadcast %broadcast_in_dim3A_553 : f32 to vector<16xf32>
    %swap3A_555 = arith.constant 68 : i32
    %swap3A_556 = arith.index_cast %swap3A_555 : i32 to index
    %swap3A_557 = arith.constant 0 : index
    %swap3A_558 = tpu.vector_load %arg6[%swap3A_556, %swap3A_557] {strides = array<i32>} : memref<640x16xf32, #tpu.memory_space<vmem>>, vector<1x16xf32>,
    %swap3A_559 = vector.shape_cast %swap3A_558 : vector<1x16xf32> to vector<16xf32>
    %swap3A_560 = vector.shape_cast %broadcast_in_dim3A_554 : vector<16xf32> to vector<1x16xf32>
    tpu.vector_store %arg6[%swap3A_556, %swap3A_557], %swap3A_560 {strides = array<i32>} : memref<640x16xf32, #tpu.memory_space<vmem>>, vector<1x16xf32>,
    %broadcast_in_dim3A_561 = arith.constant 0.000000e+00 : f32
    %broadcast_in_dim3A_562 = vector.broadcast %broadcast_in_dim3A_561 : f32 to vector<16xf32>
    %swap3A_563 = arith.constant 69 : i32
    %swap3A_564 = arith.index_cast %swap3A_563 : i32 to index
    %swap3A_565 = arith.constant 0 : index
    %swap3A_566 = tpu.vector_load %arg6[%swap3A_564, %swap3A_565] {strides = array<i32>} : memref<640x16xf32, #tpu.memory_space<vmem>>, vector<1x16xf32>,
    %swap3A_567 = vector.shape_cast %swap3A_566 : vector<1x16xf32> to vector<16xf32>
    %swap3A_568 = vector.shape_cast %broadcast_in_dim3A_562 : vector<16xf32> to vector<1x16xf32>
    tpu.vector_store %arg6[%swap3A_564, %swap3A_565], %swap3A_568 {strides = array<i32>} : memref<640x16xf32, #tpu.memory_space<vmem>>, vector<1x16xf32>,
    %broadcast_in_dim3A_569 = arith.constant 0.000000e+00 : f32
    %broadcast_in_dim3A_570 = vector.broadcast %broadcast_in_dim3A_569 : f32 to vector<16xf32>
    %swap3A_571 = arith.constant 70 : i32
    %swap3A_572 = arith.index_cast %swap3A_571 : i32 to index
    %swap3A_573 = arith.constant 0 : index
    %swap3A_574 = tpu.vector_load %arg6[%swap3A_572, %swap3A_573] {strides = array<i32>} : memref<640x16xf32, #tpu.memory_space<vmem>>, vector<1x16xf32>,
    %swap3A_575 = vector.shape_cast %swap3A_574 : vector<1x16xf32> to vector<16xf32>
    %swap3A_576 = vector.shape_cast %broadcast_in_dim3A_570 : vector<16xf32> to vector<1x16xf32>
    tpu.vector_store %arg6[%swap3A_572, %swap3A_573], %swap3A_576 {strides = array<i32>} : memref<640x16xf32, #tpu.memory_space<vmem>>, vector<1x16xf32>,
    %broadcast_in_dim3A_577 = arith.constant 0.000000e+00 : f32
    %broadcast_in_dim3A_578 = vector.broadcast %broadcast_in_dim3A_577 : f32 to vector<16xf32>
    %swap3A_579 = arith.constant 71 : i32
    %swap3A_580 = arith.index_cast %swap3A_579 : i32 to index
    %swap3A_581 = arith.constant 0 : index
    %swap3A_582 = tpu.vector_load %arg6[%swap3A_580, %swap3A_581] {strides = array<i32>} : memref<640x16xf32, #tpu.memory_space<vmem>>, vector<1x16xf32>,
    %swap3A_583 = vector.shape_cast %swap3A_582 : vector<1x16xf32> to vector<16xf32>
    %swap3A_584 = vector.shape_cast %broadcast_in_dim3A_578 : vector<16xf32> to vector<1x16xf32>
    tpu.vector_store %arg6[%swap3A_580, %swap3A_581], %swap3A_584 {strides = array<i32>} : memref<640x16xf32, #tpu.memory_space<vmem>>, vector<1x16xf32>,
    %broadcast_in_dim3A_585 = arith.constant 0.000000e+00 : f32
    %broadcast_in_dim3A_586 = vector.broadcast %broadcast_in_dim3A_585 : f32 to vector<16xf32>
    %swap3A_587 = arith.constant 72 : i32
    %swap3A_588 = arith.index_cast %swap3A_587 : i32 to index
    %swap3A_589 = arith.constant 0 : index
    %swap3A_590 = tpu.vector_load %arg6[%swap3A_588, %swap3A_589] {strides = array<i32>} : memref<640x16xf32, #tpu.memory_space<vmem>>, vector<1x16xf32>,
    %swap3A_591 = vector.shape_cast %swap3A_590 : vector<1x16xf32> to vector<16xf32>
    %swap3A_592 = vector.shape_cast %broadcast_in_dim3A_586 : vector<16xf32> to vector<1x16xf32>
    tpu.vector_store %arg6[%swap3A_588, %swap3A_589], %swap3A_592 {strides = array<i32>} : memref<640x16xf32, #tpu.memory_space<vmem>>, vector<1x16xf32>,
    %broadcast_in_dim3A_593 = arith.constant 0.000000e+00 : f32
    %broadcast_in_dim3A_594 = vector.broadcast %broadcast_in_dim3A_593 : f32 to vector<16xf32>
    %swap3A_595 = arith.constant 73 : i32
    %swap3A_596 = arith.index_cast %swap3A_595 : i32 to index
    %swap3A_597 = arith.constant 0 : index
    %swap3A_598 = tpu.vector_load %arg6[%swap3A_596, %swap3A_597] {strides = array<i32>} : memref<640x16xf32, #tpu.memory_space<vmem>>, vector<1x16xf32>,
    %swap3A_599 = vector.shape_cast %swap3A_598 : vector<1x16xf32> to vector<16xf32>
    %swap3A_600 = vector.shape_cast %broadcast_in_dim3A_594 : vector<16xf32> to vector<1x16xf32>
    tpu.vector_store %arg6[%swap3A_596, %swap3A_597], %swap3A_600 {strides = array<i32>} : memref<640x16xf32, #tpu.memory_space<vmem>>, vector<1x16xf32>,
    %broadcast_in_dim3A_601 = arith.constant 0.000000e+00 : f32
    %broadcast_in_dim3A_602 = vector.broadcast %broadcast_in_dim3A_601 : f32 to vector<16xf32>
    %swap3A_603 = arith.constant 74 : i32
    %swap3A_604 = arith.index_cast %swap3A_603 : i32 to index
    %swap3A_605 = arith.constant 0 : index
    %swap3A_606 = tpu.vector_load %arg6[%swap3A_604, %swap3A_605] {strides = array<i32>} : memref<640x16xf32, #tpu.memory_space<vmem>>, vector<1x16xf32>,
    %swap3A_607 = vector.shape_cast %swap3A_606 : vector<1x16xf32> to vector<16xf32>
    %swap3A_608 = vector.shape_cast %broadcast_in_dim3A_602 : vector<16xf32> to vector<1x16xf32>
    tpu.vector_store %arg6[%swap3A_604, %swap3A_605], %swap3A_608 {strides = array<i32>} : memref<640x16xf32, #tpu.memory_space<vmem>>, vector<1x16xf32>,
    %broadcast_in_dim3A_609 = arith.constant 0.000000e+00 : f32
    %broadcast_in_dim3A_610 = vector.broadcast %broadcast_in_dim3A_609 : f32 to vector<16xf32>
    %swap3A_611 = arith.constant 75 : i32
    %swap3A_612 = arith.index_cast %swap3A_611 : i32 to index
    %swap3A_613 = arith.constant 0 : index
    %swap3A_614 = tpu.vector_load %arg6[%swap3A_612, %swap3A_613] {strides = array<i32>} : memref<640x16xf32, #tpu.memory_space<vmem>>, vector<1x16xf32>,
    %swap3A_615 = vector.shape_cast %swap3A_614 : vector<1x16xf32> to vector<16xf32>
    %swap3A_616 = vector.shape_cast %broadcast_in_dim3A_610 : vector<16xf32> to vector<1x16xf32>
    tpu.vector_store %arg6[%swap3A_612, %swap3A_613], %swap3A_616 {strides = array<i32>} : memref<640x16xf32, #tpu.memory_space<vmem>>, vector<1x16xf32>,
    %broadcast_in_dim3A_617 = arith.constant 0.000000e+00 : f32
    %broadcast_in_dim3A_618 = vector.broadcast %broadcast_in_dim3A_617 : f32 to vector<16xf32>
    %swap3A_619 = arith.constant 76 : i32
    %swap3A_620 = arith.index_cast %swap3A_619 : i32 to index
    %swap3A_621 = arith.constant 0 : index
    %swap3A_622 = tpu.vector_load %arg6[%swap3A_620, %swap3A_621] {strides = array<i32>} : memref<640x16xf32, #tpu.memory_space<vmem>>, vector<1x16xf32>,
    %swap3A_623 = vector.shape_cast %swap3A_622 : vector<1x16xf32> to vector<16xf32>
    %swap3A_624 = vector.shape_cast %broadcast_in_dim3A_618 : vector<16xf32> to vector<1x16xf32>
    tpu.vector_store %arg6[%swap3A_620, %swap3A_621], %swap3A_624 {strides = array<i32>} : memref<640x16xf32, #tpu.memory_space<vmem>>, vector<1x16xf32>,
    %broadcast_in_dim3A_625 = arith.constant 0.000000e+00 : f32
    %broadcast_in_dim3A_626 = vector.broadcast %broadcast_in_dim3A_625 : f32 to vector<16xf32>
    %swap3A_627 = arith.constant 77 : i32
    %swap3A_628 = arith.index_cast %swap3A_627 : i32 to index
    %swap3A_629 = arith.constant 0 : index
    %swap3A_630 = tpu.vector_load %arg6[%swap3A_628, %swap3A_629] {strides = array<i32>} : memref<640x16xf32, #tpu.memory_space<vmem>>, vector<1x16xf32>,
    %swap3A_631 = vector.shape_cast %swap3A_630 : vector<1x16xf32> to vector<16xf32>
    %swap3A_632 = vector.shape_cast %broadcast_in_dim3A_626 : vector<16xf32> to vector<1x16xf32>
    tpu.vector_store %arg6[%swap3A_628, %swap3A_629], %swap3A_632 {strides = array<i32>} : memref<640x16xf32, #tpu.memory_space<vmem>>, vector<1x16xf32>,
    %broadcast_in_dim3A_633 = arith.constant 0.000000e+00 : f32
    %broadcast_in_dim3A_634 = vector.broadcast %broadcast_in_dim3A_633 : f32 to vector<16xf32>
    %swap3A_635 = arith.constant 78 : i32
    %swap3A_636 = arith.index_cast %swap3A_635 : i32 to index
    %swap3A_637 = arith.constant 0 : index
    %swap3A_638 = tpu.vector_load %arg6[%swap3A_636, %swap3A_637] {strides = array<i32>} : memref<640x16xf32, #tpu.memory_space<vmem>>, vector<1x16xf32>,
    %swap3A_639 = vector.shape_cast %swap3A_638 : vector<1x16xf32> to vector<16xf32>
    %swap3A_640 = vector.shape_cast %broadcast_in_dim3A_634 : vector<16xf32> to vector<1x16xf32>
    tpu.vector_store %arg6[%swap3A_636, %swap3A_637], %swap3A_640 {strides = array<i32>} : memref<640x16xf32, #tpu.memory_space<vmem>>, vector<1x16xf32>,
    %broadcast_in_dim3A_641 = arith.constant 0.000000e+00 : f32
    %broadcast_in_dim3A_642 = vector.broadcast %broadcast_in_dim3A_641 : f32 to vector<16xf32>
    %swap3A_643 = arith.constant 79 : i32
    %swap3A_644 = arith.index_cast %swap3A_643 : i32 to index
    %swap3A_645 = arith.constant 0 : index
    %swap3A_646 = tpu.vector_load %arg6[%swap3A_644, %swap3A_645] {strides = array<i32>} : memref<640x16xf32, #tpu.memory_space<vmem>>, vector<1x16xf32>,
    %swap3A_647 = vector.shape_cast %swap3A_646 : vector<1x16xf32> to vector<16xf32>
    %swap3A_648 = vector.shape_cast %broadcast_in_dim3A_642 : vector<16xf32> to vector<1x16xf32>
    tpu.vector_store %arg6[%swap3A_644, %swap3A_645], %swap3A_648 {strides = array<i32>} : memref<640x16xf32, #tpu.memory_space<vmem>>, vector<1x16xf32>,
    %broadcast_in_dim3A_649 = arith.constant 0.000000e+00 : f32
    %broadcast_in_dim3A_650 = vector.broadcast %broadcast_in_dim3A_649 : f32 to vector<16xf32>
    %swap3A_651 = arith.constant 80 : i32
    %swap3A_652 = arith.index_cast %swap3A_651 : i32 to index
    %swap3A_653 = arith.constant 0 : index
    %swap3A_654 = tpu.vector_load %arg6[%swap3A_652, %swap3A_653] {strides = array<i32>} : memref<640x16xf32, #tpu.memory_space<vmem>>, vector<1x16xf32>,
    %swap3A_655 = vector.shape_cast %swap3A_654 : vector<1x16xf32> to vector<16xf32>
    %swap3A_656 = vector.shape_cast %broadcast_in_dim3A_650 : vector<16xf32> to vector<1x16xf32>
    tpu.vector_store %arg6[%swap3A_652, %swap3A_653], %swap3A_656 {strides = array<i32>} : memref<640x16xf32, #tpu.memory_space<vmem>>, vector<1x16xf32>,
    %broadcast_in_dim3A_657 = arith.constant 0.000000e+00 : f32
    %broadcast_in_dim3A_658 = vector.broadcast %broadcast_in_dim3A_657 : f32 to vector<16xf32>
    %swap3A_659 = arith.constant 81 : i32
    %swap3A_660 = arith.index_cast %swap3A_659 : i32 to index
    %swap3A_661 = arith.constant 0 : index
    %swap3A_662 = tpu.vector_load %arg6[%swap3A_660, %swap3A_661] {strides = array<i32>} : memref<640x16xf32, #tpu.memory_space<vmem>>, vector<1x16xf32>,
    %swap3A_663 = vector.shape_cast %swap3A_662 : vector<1x16xf32> to vector<16xf32>
    %swap3A_664 = vector.shape_cast %broadcast_in_dim3A_658 : vector<16xf32> to vector<1x16xf32>
    tpu.vector_store %arg6[%swap3A_660, %swap3A_661], %swap3A_664 {strides = array<i32>} : memref<640x16xf32, #tpu.memory_space<vmem>>, vector<1x16xf32>,
    %broadcast_in_dim3A_665 = arith.constant 0.000000e+00 : f32
    %broadcast_in_dim3A_666 = vector.broadcast %broadcast_in_dim3A_665 : f32 to vector<16xf32>
    %swap3A_667 = arith.constant 82 : i32
    %swap3A_668 = arith.index_cast %swap3A_667 : i32 to index
    %swap3A_669 = arith.constant 0 : index
    %swap3A_670 = tpu.vector_load %arg6[%swap3A_668, %swap3A_669] {strides = array<i32>} : memref<640x16xf32, #tpu.memory_space<vmem>>, vector<1x16xf32>,
    %swap3A_671 = vector.shape_cast %swap3A_670 : vector<1x16xf32> to vector<16xf32>
    %swap3A_672 = vector.shape_cast %broadcast_in_dim3A_666 : vector<16xf32> to vector<1x16xf32>
    tpu.vector_store %arg6[%swap3A_668, %swap3A_669], %swap3A_672 {strides = array<i32>} : memref<640x16xf32, #tpu.memory_space<vmem>>, vector<1x16xf32>,
    %broadcast_in_dim3A_673 = arith.constant 0.000000e+00 : f32
    %broadcast_in_dim3A_674 = vector.broadcast %broadcast_in_dim3A_673 : f32 to vector<16xf32>
    %swap3A_675 = arith.constant 83 : i32
    %swap3A_676 = arith.index_cast %swap3A_675 : i32 to index
    %swap3A_677 = arith.constant 0 : index
    %swap3A_678 = tpu.vector_load %arg6[%swap3A_676, %swap3A_677] {strides = array<i32>} : memref<640x16xf32, #tpu.memory_space<vmem>>, vector<1x16xf32>,
    %swap3A_679 = vector.shape_cast %swap3A_678 : vector<1x16xf32> to vector<16xf32>
    %swap3A_680 = vector.shape_cast %broadcast_in_dim3A_674 : vector<16xf32> to vector<1x16xf32>
    tpu.vector_store %arg6[%swap3A_676, %swap3A_677], %swap3A_680 {strides = array<i32>} : memref<640x16xf32, #tpu.memory_space<vmem>>, vector<1x16xf32>,
    %broadcast_in_dim3A_681 = arith.constant 0.000000e+00 : f32
    %broadcast_in_dim3A_682 = vector.broadcast %broadcast_in_dim3A_681 : f32 to vector<16xf32>
    %swap3A_683 = arith.constant 84 : i32
    %swap3A_684 = arith.index_cast %swap3A_683 : i32 to index
    %swap3A_685 = arith.constant 0 : index
    %swap3A_686 = tpu.vector_load %arg6[%swap3A_684, %swap3A_685] {strides = array<i32>} : memref<640x16xf32, #tpu.memory_space<vmem>>, vector<1x16xf32>,
    %swap3A_687 = vector.shape_cast %swap3A_686 : vector<1x16xf32> to vector<16xf32>
    %swap3A_688 = vector.shape_cast %broadcast_in_dim3A_682 : vector<16xf32> to vector<1x16xf32>
    tpu.vector_store %arg6[%swap3A_684, %swap3A_685], %swap3A_688 {strides = array<i32>} : memref<640x16xf32, #tpu.memory_space<vmem>>, vector<1x16xf32>,
    %broadcast_in_dim3A_689 = arith.constant 0.000000e+00 : f32
    %broadcast_in_dim3A_690 = vector.broadcast %broadcast_in_dim3A_689 : f32 to vector<16xf32>
    %swap3A_691 = arith.constant 85 : i32
    %swap3A_692 = arith.index_cast %swap3A_691 : i32 to index
    %swap3A_693 = arith.constant 0 : index
    %swap3A_694 = tpu.vector_load %arg6[%swap3A_692, %swap3A_693] {strides = array<i32>} : memref<640x16xf32, #tpu.memory_space<vmem>>, vector<1x16xf32>,
    %swap3A_695 = vector.shape_cast %swap3A_694 : vector<1x16xf32> to vector<16xf32>
    %swap3A_696 = vector.shape_cast %broadcast_in_dim3A_690 : vector<16xf32> to vector<1x16xf32>
    tpu.vector_store %arg6[%swap3A_692, %swap3A_693], %swap3A_696 {strides = array<i32>} : memref<640x16xf32, #tpu.memory_space<vmem>>, vector<1x16xf32>,
    %broadcast_in_dim3A_697 = arith.constant 0.000000e+00 : f32
    %broadcast_in_dim3A_698 = vector.broadcast %broadcast_in_dim3A_697 : f32 to vector<16xf32>
    %swap3A_699 = arith.constant 86 : i32
    %swap3A_700 = arith.index_cast %swap3A_699 : i32 to index
    %swap3A_701 = arith.constant 0 : index
    %swap3A_702 = tpu.vector_load %arg6[%swap3A_700, %swap3A_701] {strides = array<i32>} : memref<640x16xf32, #tpu.memory_space<vmem>>, vector<1x16xf32>,
    %swap3A_703 = vector.shape_cast %swap3A_702 : vector<1x16xf32> to vector<16xf32>
    %swap3A_704 = vector.shape_cast %broadcast_in_dim3A_698 : vector<16xf32> to vector<1x16xf32>
    tpu.vector_store %arg6[%swap3A_700, %swap3A_701], %swap3A_704 {strides = array<i32>} : memref<640x16xf32, #tpu.memory_space<vmem>>, vector<1x16xf32>,
    %broadcast_in_dim3A_705 = arith.constant 0.000000e+00 : f32
    %broadcast_in_dim3A_706 = vector.broadcast %broadcast_in_dim3A_705 : f32 to vector<16xf32>
    %swap3A_707 = arith.constant 87 : i32
    %swap3A_708 = arith.index_cast %swap3A_707 : i32 to index
    %swap3A_709 = arith.constant 0 : index
    %swap3A_710 = tpu.vector_load %arg6[%swap3A_708, %swap3A_709] {strides = array<i32>} : memref<640x16xf32, #tpu.memory_space<vmem>>, vector<1x16xf32>,
    %swap3A_711 = vector.shape_cast %swap3A_710 : vector<1x16xf32> to vector<16xf32>
    %swap3A_712 = vector.shape_cast %broadcast_in_dim3A_706 : vector<16xf32> to vector<1x16xf32>
    tpu.vector_store %arg6[%swap3A_708, %swap3A_709], %swap3A_712 {strides = array<i32>} : memref<640x16xf32, #tpu.memory_space<vmem>>, vector<1x16xf32>,
    %broadcast_in_dim3A_713 = arith.constant 0.000000e+00 : f32
    %broadcast_in_dim3A_714 = vector.broadcast %broadcast_in_dim3A_713 : f32 to vector<16xf32>
    %swap3A_715 = arith.constant 88 : i32
    %swap3A_716 = arith.index_cast %swap3A_715 : i32 to index
    %swap3A_717 = arith.constant 0 : index
    %swap3A_718 = tpu.vector_load %arg6[%swap3A_716, %swap3A_717] {strides = array<i32>} : memref<640x16xf32, #tpu.memory_space<vmem>>, vector<1x16xf32>,
    %swap3A_719 = vector.shape_cast %swap3A_718 : vector<1x16xf32> to vector<16xf32>
    %swap3A_720 = vector.shape_cast %broadcast_in_dim3A_714 : vector<16xf32> to vector<1x16xf32>
    tpu.vector_store %arg6[%swap3A_716, %swap3A_717], %swap3A_720 {strides = array<i32>} : memref<640x16xf32, #tpu.memory_space<vmem>>, vector<1x16xf32>,
    %broadcast_in_dim3A_721 = arith.constant 0.000000e+00 : f32
    %broadcast_in_dim3A_722 = vector.broadcast %broadcast_in_dim3A_721 : f32 to vector<16xf32>
    %swap3A_723 = arith.constant 89 : i32
    %swap3A_724 = arith.index_cast %swap3A_723 : i32 to index
    %swap3A_725 = arith.constant 0 : index
    %swap3A_726 = tpu.vector_load %arg6[%swap3A_724, %swap3A_725] {strides = array<i32>} : memref<640x16xf32, #tpu.memory_space<vmem>>, vector<1x16xf32>,
    %swap3A_727 = vector.shape_cast %swap3A_726 : vector<1x16xf32> to vector<16xf32>
    %swap3A_728 = vector.shape_cast %broadcast_in_dim3A_722 : vector<16xf32> to vector<1x16xf32>
    tpu.vector_store %arg6[%swap3A_724, %swap3A_725], %swap3A_728 {strides = array<i32>} : memref<640x16xf32, #tpu.memory_space<vmem>>, vector<1x16xf32>,
    %broadcast_in_dim3A_729 = arith.constant 0.000000e+00 : f32
    %broadcast_in_dim3A_730 = vector.broadcast %broadcast_in_dim3A_729 : f32 to vector<16xf32>
    %swap3A_731 = arith.constant 90 : i32
    %swap3A_732 = arith.index_cast %swap3A_731 : i32 to index
    %swap3A_733 = arith.constant 0 : index
    %swap3A_734 = tpu.vector_load %arg6[%swap3A_732, %swap3A_733] {strides = array<i32>} : memref<640x16xf32, #tpu.memory_space<vmem>>, vector<1x16xf32>,
    %swap3A_735 = vector.shape_cast %swap3A_734 : vector<1x16xf32> to vector<16xf32>
    %swap3A_736 = vector.shape_cast %broadcast_in_dim3A_730 : vector<16xf32> to vector<1x16xf32>
    tpu.vector_store %arg6[%swap3A_732, %swap3A_733], %swap3A_736 {strides = array<i32>} : memref<640x16xf32, #tpu.memory_space<vmem>>, vector<1x16xf32>,
    %broadcast_in_dim3A_737 = arith.constant 0.000000e+00 : f32
    %broadcast_in_dim3A_738 = vector.broadcast %broadcast_in_dim3A_737 : f32 to vector<16xf32>
    %swap3A_739 = arith.constant 91 : i32
    %swap3A_740 = arith.index_cast %swap3A_739 : i32 to index
    %swap3A_741 = arith.constant 0 : index
    %swap3A_742 = tpu.vector_load %arg6[%swap3A_740, %swap3A_741] {strides = array<i32>} : memref<640x16xf32, #tpu.memory_space<vmem>>, vector<1x16xf32>,
    %swap3A_743 = vector.shape_cast %swap3A_742 : vector<1x16xf32> to vector<16xf32>
    %swap3A_744 = vector.shape_cast %broadcast_in_dim3A_738 : vector<16xf32> to vector<1x16xf32>
    tpu.vector_store %arg6[%swap3A_740, %swap3A_741], %swap3A_744 {strides = array<i32>} : memref<640x16xf32, #tpu.memory_space<vmem>>, vector<1x16xf32>,
    %broadcast_in_dim3A_745 = arith.constant 0.000000e+00 : f32
    %broadcast_in_dim3A_746 = vector.broadcast %broadcast_in_dim3A_745 : f32 to vector<16xf32>
    %swap3A_747 = arith.constant 92 : i32
    %swap3A_748 = arith.index_cast %swap3A_747 : i32 to index
    %swap3A_749 = arith.constant 0 : index
    %swap3A_750 = tpu.vector_load %arg6[%swap3A_748, %swap3A_749] {strides = array<i32>} : memref<640x16xf32, #tpu.memory_space<vmem>>, vector<1x16xf32>,
    %swap3A_751 = vector.shape_cast %swap3A_750 : vector<1x16xf32> to vector<16xf32>
    %swap3A_752 = vector.shape_cast %broadcast_in_dim3A_746 : vector<16xf32> to vector<1x16xf32>
    tpu.vector_store %arg6[%swap3A_748, %swap3A_749], %swap3A_752 {strides = array<i32>} : memref<640x16xf32, #tpu.memory_space<vmem>>, vector<1x16xf32>,
    %broadcast_in_dim3A_753 = arith.constant 0.000000e+00 : f32
    %broadcast_in_dim3A_754 = vector.broadcast %broadcast_in_dim3A_753 : f32 to vector<16xf32>
    %swap3A_755 = arith.constant 93 : i32
    %swap3A_756 = arith.index_cast %swap3A_755 : i32 to index
    %swap3A_757 = arith.constant 0 : index
    %swap3A_758 = tpu.vector_load %arg6[%swap3A_756, %swap3A_757] {strides = array<i32>} : memref<640x16xf32, #tpu.memory_space<vmem>>, vector<1x16xf32>,
    %swap3A_759 = vector.shape_cast %swap3A_758 : vector<1x16xf32> to vector<16xf32>
    %swap3A_760 = vector.shape_cast %broadcast_in_dim3A_754 : vector<16xf32> to vector<1x16xf32>
    tpu.vector_store %arg6[%swap3A_756, %swap3A_757], %swap3A_760 {strides = array<i32>} : memref<640x16xf32, #tpu.memory_space<vmem>>, vector<1x16xf32>,
    %broadcast_in_dim3A_761 = arith.constant 0.000000e+00 : f32
    %broadcast_in_dim3A_762 = vector.broadcast %broadcast_in_dim3A_761 : f32 to vector<16xf32>
    %swap3A_763 = arith.constant 94 : i32
    %swap3A_764 = arith.index_cast %swap3A_763 : i32 to index
    %swap3A_765 = arith.constant 0 : index
    %swap3A_766 = tpu.vector_load %arg6[%swap3A_764, %swap3A_765] {strides = array<i32>} : memref<640x16xf32, #tpu.memory_space<vmem>>, vector<1x16xf32>,
    %swap3A_767 = vector.shape_cast %swap3A_766 : vector<1x16xf32> to vector<16xf32>
    %swap3A_768 = vector.shape_cast %broadcast_in_dim3A_762 : vector<16xf32> to vector<1x16xf32>
    tpu.vector_store %arg6[%swap3A_764, %swap3A_765], %swap3A_768 {strides = array<i32>} : memref<640x16xf32, #tpu.memory_space<vmem>>, vector<1x16xf32>,
    %broadcast_in_dim3A_769 = arith.constant 0.000000e+00 : f32
    %broadcast_in_dim3A_770 = vector.broadcast %broadcast_in_dim3A_769 : f32 to vector<16xf32>
    %swap3A_771 = arith.constant 95 : i32
    %swap3A_772 = arith.index_cast %swap3A_771 : i32 to index
    %swap3A_773 = arith.constant 0 : index
    %swap3A_774 = tpu.vector_load %arg6[%swap3A_772, %swap3A_773] {strides = array<i32>} : memref<640x16xf32, #tpu.memory_space<vmem>>, vector<1x16xf32>,
    %swap3A_775 = vector.shape_cast %swap3A_774 : vector<1x16xf32> to vector<16xf32>
    %swap3A_776 = vector.shape_cast %broadcast_in_dim3A_770 : vector<16xf32> to vector<1x16xf32>
    tpu.vector_store %arg6[%swap3A_772, %swap3A_773], %swap3A_776 {strides = array<i32>} : memref<640x16xf32, #tpu.memory_space<vmem>>, vector<1x16xf32>,
    %broadcast_in_dim3A_777 = arith.constant 0.000000e+00 : f32
    %broadcast_in_dim3A_778 = vector.broadcast %broadcast_in_dim3A_777 : f32 to vector<16xf32>
    %swap3A_779 = arith.constant 96 : i32
    %swap3A_780 = arith.index_cast %swap3A_779 : i32 to index
    %swap3A_781 = arith.constant 0 : index
    %swap3A_782 = tpu.vector_load %arg6[%swap3A_780, %swap3A_781] {strides = array<i32>} : memref<640x16xf32, #tpu.memory_space<vmem>>, vector<1x16xf32>,
    %swap3A_783 = vector.shape_cast %swap3A_782 : vector<1x16xf32> to vector<16xf32>
    %swap3A_784 = vector.shape_cast %broadcast_in_dim3A_778 : vector<16xf32> to vector<1x16xf32>
    tpu.vector_store %arg6[%swap3A_780, %swap3A_781], %swap3A_784 {strides = array<i32>} : memref<640x16xf32, #tpu.memory_space<vmem>>, vector<1x16xf32>,
    %broadcast_in_dim3A_785 = arith.constant 0.000000e+00 : f32
    %broadcast_in_dim3A_786 = vector.broadcast %broadcast_in_dim3A_785 : f32 to vector<16xf32>
    %swap3A_787 = arith.constant 97 : i32
    %swap3A_788 = arith.index_cast %swap3A_787 : i32 to index
    %swap3A_789 = arith.constant 0 : index
    %swap3A_790 = tpu.vector_load %arg6[%swap3A_788, %swap3A_789] {strides = array<i32>} : memref<640x16xf32, #tpu.memory_space<vmem>>, vector<1x16xf32>,
    %swap3A_791 = vector.shape_cast %swap3A_790 : vector<1x16xf32> to vector<16xf32>
    %swap3A_792 = vector.shape_cast %broadcast_in_dim3A_786 : vector<16xf32> to vector<1x16xf32>
    tpu.vector_store %arg6[%swap3A_788, %swap3A_789], %swap3A_792 {strides = array<i32>} : memref<640x16xf32, #tpu.memory_space<vmem>>, vector<1x16xf32>,
    %broadcast_in_dim3A_793 = arith.constant 0.000000e+00 : f32
    %broadcast_in_dim3A_794 = vector.broadcast %broadcast_in_dim3A_793 : f32 to vector<16xf32>
    %swap3A_795 = arith.constant 98 : i32
    %swap3A_796 = arith.index_cast %swap3A_795 : i32 to index
    %swap3A_797 = arith.constant 0 : index
    %swap3A_798 = tpu.vector_load %arg6[%swap3A_796, %swap3A_797] {strides = array<i32>} : memref<640x16xf32, #tpu.memory_space<vmem>>, vector<1x16xf32>,
    %swap3A_799 = vector.shape_cast %swap3A_798 : vector<1x16xf32> to vector<16xf32>
    %swap3A_800 = vector.shape_cast %broadcast_in_dim3A_794 : vector<16xf32> to vector<1x16xf32>
    tpu.vector_store %arg6[%swap3A_796, %swap3A_797], %swap3A_800 {strides = array<i32>} : memref<640x16xf32, #tpu.memory_space<vmem>>, vector<1x16xf32>,
    %broadcast_in_dim3A_801 = arith.constant 0.000000e+00 : f32
    %broadcast_in_dim3A_802 = vector.broadcast %broadcast_in_dim3A_801 : f32 to vector<16xf32>
    %swap3A_803 = arith.constant 99 : i32
    %swap3A_804 = arith.index_cast %swap3A_803 : i32 to index
    %swap3A_805 = arith.constant 0 : index
    %swap3A_806 = tpu.vector_load %arg6[%swap3A_804, %swap3A_805] {strides = array<i32>} : memref<640x16xf32, #tpu.memory_space<vmem>>, vector<1x16xf32>,
    %swap3A_807 = vector.shape_cast %swap3A_806 : vector<1x16xf32> to vector<16xf32>
    %swap3A_808 = vector.shape_cast %broadcast_in_dim3A_802 : vector<16xf32> to vector<1x16xf32>
    tpu.vector_store %arg6[%swap3A_804, %swap3A_805], %swap3A_808 {strides = array<i32>} : memref<640x16xf32, #tpu.memory_space<vmem>>, vector<1x16xf32>,
    %broadcast_in_dim3A_809 = arith.constant 0.000000e+00 : f32
    %broadcast_in_dim3A_810 = vector.broadcast %broadcast_in_dim3A_809 : f32 to vector<16xf32>
    %swap3A_811 = arith.constant 100 : i32
    %swap3A_812 = arith.index_cast %swap3A_811 : i32 to index
    %swap3A_813 = arith.constant 0 : index
    %swap3A_814 = tpu.vector_load %arg6[%swap3A_812, %swap3A_813] {strides = array<i32>} : memref<640x16xf32, #tpu.memory_space<vmem>>, vector<1x16xf32>,
    %swap3A_815 = vector.shape_cast %swap3A_814 : vector<1x16xf32> to vector<16xf32>
    %swap3A_816 = vector.shape_cast %broadcast_in_dim3A_810 : vector<16xf32> to vector<1x16xf32>
    tpu.vector_store %arg6[%swap3A_812, %swap3A_813], %swap3A_816 {strides = array<i32>} : memref<640x16xf32, #tpu.memory_space<vmem>>, vector<1x16xf32>,
    %broadcast_in_dim3A_817 = arith.constant 0.000000e+00 : f32
    %broadcast_in_dim3A_818 = vector.broadcast %broadcast_in_dim3A_817 : f32 to vector<16xf32>
    %swap3A_819 = arith.constant 101 : i32
    %swap3A_820 = arith.index_cast %swap3A_819 : i32 to index
    %swap3A_821 = arith.constant 0 : index
    %swap3A_822 = tpu.vector_load %arg6[%swap3A_820, %swap3A_821] {strides = array<i32>} : memref<640x16xf32, #tpu.memory_space<vmem>>, vector<1x16xf32>,
    %swap3A_823 = vector.shape_cast %swap3A_822 : vector<1x16xf32> to vector<16xf32>
    %swap3A_824 = vector.shape_cast %broadcast_in_dim3A_818 : vector<16xf32> to vector<1x16xf32>
    tpu.vector_store %arg6[%swap3A_820, %swap3A_821], %swap3A_824 {strides = array<i32>} : memref<640x16xf32, #tpu.memory_space<vmem>>, vector<1x16xf32>,
    %broadcast_in_dim3A_825 = arith.constant 0.000000e+00 : f32
    %broadcast_in_dim3A_826 = vector.broadcast %broadcast_in_dim3A_825 : f32 to vector<16xf32>
    %swap3A_827 = arith.constant 102 : i32
    %swap3A_828 = arith.index_cast %swap3A_827 : i32 to index
    %swap3A_829 = arith.constant 0 : index
    %swap3A_830 = tpu.vector_load %arg6[%swap3A_828, %swap3A_829] {strides = array<i32>} : memref<640x16xf32, #tpu.memory_space<vmem>>, vector<1x16xf32>,
    %swap3A_831 = vector.shape_cast %swap3A_830 : vector<1x16xf32> to vector<16xf32>
    %swap3A_832 = vector.shape_cast %broadcast_in_dim3A_826 : vector<16xf32> to vector<1x16xf32>
    tpu.vector_store %arg6[%swap3A_828, %swap3A_829], %swap3A_832 {strides = array<i32>} : memref<640x16xf32, #tpu.memory_space<vmem>>, vector<1x16xf32>,
    %broadcast_in_dim3A_833 = arith.constant 0.000000e+00 : f32
    %broadcast_in_dim3A_834 = vector.broadcast %broadcast_in_dim3A_833 : f32 to vector<16xf32>
    %swap3A_835 = arith.constant 103 : i32
    %swap3A_836 = arith.index_cast %swap3A_835 : i32 to index
    %swap3A_837 = arith.constant 0 : index
    %swap3A_838 = tpu.vector_load %arg6[%swap3A_836, %swap3A_837] {strides = array<i32>} : memref<640x16xf32, #tpu.memory_space<vmem>>, vector<1x16xf32>,
    %swap3A_839 = vector.shape_cast %swap3A_838 : vector<1x16xf32> to vector<16xf32>
    %swap3A_840 = vector.shape_cast %broadcast_in_dim3A_834 : vector<16xf32> to vector<1x16xf32>
    tpu.vector_store %arg6[%swap3A_836, %swap3A_837], %swap3A_840 {strides = array<i32>} : memref<640x16xf32, #tpu.memory_space<vmem>>, vector<1x16xf32>,
    %broadcast_in_dim3A_841 = arith.constant 0.000000e+00 : f32
    %broadcast_in_dim3A_842 = vector.broadcast %broadcast_in_dim3A_841 : f32 to vector<16xf32>
    %swap3A_843 = arith.constant 104 : i32
    %swap3A_844 = arith.index_cast %swap3A_843 : i32 to index
    %swap3A_845 = arith.constant 0 : index
    %swap3A_846 = tpu.vector_load %arg6[%swap3A_844, %swap3A_845] {strides = array<i32>} : memref<640x16xf32, #tpu.memory_space<vmem>>, vector<1x16xf32>,
    %swap3A_847 = vector.shape_cast %swap3A_846 : vector<1x16xf32> to vector<16xf32>
    %swap3A_848 = vector.shape_cast %broadcast_in_dim3A_842 : vector<16xf32> to vector<1x16xf32>
    tpu.vector_store %arg6[%swap3A_844, %swap3A_845], %swap3A_848 {strides = array<i32>} : memref<640x16xf32, #tpu.memory_space<vmem>>, vector<1x16xf32>,
    %broadcast_in_dim3A_849 = arith.constant 0.000000e+00 : f32
    %broadcast_in_dim3A_850 = vector.broadcast %broadcast_in_dim3A_849 : f32 to vector<16xf32>
    %swap3A_851 = arith.constant 105 : i32
    %swap3A_852 = arith.index_cast %swap3A_851 : i32 to index
    %swap3A_853 = arith.constant 0 : index
    %swap3A_854 = tpu.vector_load %arg6[%swap3A_852, %swap3A_853] {strides = array<i32>} : memref<640x16xf32, #tpu.memory_space<vmem>>, vector<1x16xf32>,
    %swap3A_855 = vector.shape_cast %swap3A_854 : vector<1x16xf32> to vector<16xf32>
    %swap3A_856 = vector.shape_cast %broadcast_in_dim3A_850 : vector<16xf32> to vector<1x16xf32>
    tpu.vector_store %arg6[%swap3A_852, %swap3A_853], %swap3A_856 {strides = array<i32>} : memref<640x16xf32, #tpu.memory_space<vmem>>, vector<1x16xf32>,
    %broadcast_in_dim3A_857 = arith.constant 0.000000e+00 : f32
    %broadcast_in_dim3A_858 = vector.broadcast %broadcast_in_dim3A_857 : f32 to vector<16xf32>
    %swap3A_859 = arith.constant 106 : i32
    %swap3A_860 = arith.index_cast %swap3A_859 : i32 to index
    %swap3A_861 = arith.constant 0 : index
    %swap3A_862 = tpu.vector_load %arg6[%swap3A_860, %swap3A_861] {strides = array<i32>} : memref<640x16xf32, #tpu.memory_space<vmem>>, vector<1x16xf32>,
    %swap3A_863 = vector.shape_cast %swap3A_862 : vector<1x16xf32> to vector<16xf32>
    %swap3A_864 = vector.shape_cast %broadcast_in_dim3A_858 : vector<16xf32> to vector<1x16xf32>
    tpu.vector_store %arg6[%swap3A_860, %swap3A_861], %swap3A_864 {strides = array<i32>} : memref<640x16xf32, #tpu.memory_space<vmem>>, vector<1x16xf32>,
    %broadcast_in_dim3A_865 = arith.constant 0.000000e+00 : f32
    %broadcast_in_dim3A_866 = vector.broadcast %broadcast_in_dim3A_865 : f32 to vector<16xf32>
    %swap3A_867 = arith.constant 107 : i32
    %swap3A_868 = arith.index_cast %swap3A_867 : i32 to index
    %swap3A_869 = arith.constant 0 : index
    %swap3A_870 = tpu.vector_load %arg6[%swap3A_868, %swap3A_869] {strides = array<i32>} : memref<640x16xf32, #tpu.memory_space<vmem>>, vector<1x16xf32>,
    %swap3A_871 = vector.shape_cast %swap3A_870 : vector<1x16xf32> to vector<16xf32>
    %swap3A_872 = vector.shape_cast %broadcast_in_dim3A_866 : vector<16xf32> to vector<1x16xf32>
    tpu.vector_store %arg6[%swap3A_868, %swap3A_869], %swap3A_872 {strides = array<i32>} : memref<640x16xf32, #tpu.memory_space<vmem>>, vector<1x16xf32>,
    %broadcast_in_dim3A_873 = arith.constant 0.000000e+00 : f32
    %broadcast_in_dim3A_874 = vector.broadcast %broadcast_in_dim3A_873 : f32 to vector<16xf32>
    %swap3A_875 = arith.constant 108 : i32
    %swap3A_876 = arith.index_cast %swap3A_875 : i32 to index
    %swap3A_877 = arith.constant 0 : index
    %swap3A_878 = tpu.vector_load %arg6[%swap3A_876, %swap3A_877] {strides = array<i32>} : memref<640x16xf32, #tpu.memory_space<vmem>>, vector<1x16xf32>,
    %swap3A_879 = vector.shape_cast %swap3A_878 : vector<1x16xf32> to vector<16xf32>
    %swap3A_880 = vector.shape_cast %broadcast_in_dim3A_874 : vector<16xf32> to vector<1x16xf32>
    tpu.vector_store %arg6[%swap3A_876, %swap3A_877], %swap3A_880 {strides = array<i32>} : memref<640x16xf32, #tpu.memory_space<vmem>>, vector<1x16xf32>,
    %broadcast_in_dim3A_881 = arith.constant 0.000000e+00 : f32
    %broadcast_in_dim3A_882 = vector.broadcast %broadcast_in_dim3A_881 : f32 to vector<16xf32>
    %swap3A_883 = arith.constant 109 : i32
    %swap3A_884 = arith.index_cast %swap3A_883 : i32 to index
    %swap3A_885 = arith.constant 0 : index
    %swap3A_886 = tpu.vector_load %arg6[%swap3A_884, %swap3A_885] {strides = array<i32>} : memref<640x16xf32, #tpu.memory_space<vmem>>, vector<1x16xf32>,
    %swap3A_887 = vector.shape_cast %swap3A_886 : vector<1x16xf32> to vector<16xf32>
    %swap3A_888 = vector.shape_cast %broadcast_in_dim3A_882 : vector<16xf32> to vector<1x16xf32>
    tpu.vector_store %arg6[%swap3A_884, %swap3A_885], %swap3A_888 {strides = array<i32>} : memref<640x16xf32, #tpu.memory_space<vmem>>, vector<1x16xf32>,
    %broadcast_in_dim3A_889 = arith.constant 0.000000e+00 : f32
    %broadcast_in_dim3A_890 = vector.broadcast %broadcast_in_dim3A_889 : f32 to vector<16xf32>
    %swap3A_891 = arith.constant 110 : i32
    %swap3A_892 = arith.index_cast %swap3A_891 : i32 to index
    %swap3A_893 = arith.constant 0 : index
    %swap3A_894 = tpu.vector_load %arg6[%swap3A_892, %swap3A_893] {strides = array<i32>} : memref<640x16xf32, #tpu.memory_space<vmem>>, vector<1x16xf32>,
    %swap3A_895 = vector.shape_cast %swap3A_894 : vector<1x16xf32> to vector<16xf32>
    %swap3A_896 = vector.shape_cast %broadcast_in_dim3A_890 : vector<16xf32> to vector<1x16xf32>
    tpu.vector_store %arg6[%swap3A_892, %swap3A_893], %swap3A_896 {strides = array<i32>} : memref<640x16xf32, #tpu.memory_space<vmem>>, vector<1x16xf32>,
    %broadcast_in_dim3A_897 = arith.constant 0.000000e+00 : f32
    %broadcast_in_dim3A_898 = vector.broadcast %broadcast_in_dim3A_897 : f32 to vector<16xf32>
    %swap3A_899 = arith.constant 111 : i32
    %swap3A_900 = arith.index_cast %swap3A_899 : i32 to index
    %swap3A_901 = arith.constant 0 : index
    %swap3A_902 = tpu.vector_load %arg6[%swap3A_900, %swap3A_901] {strides = array<i32>} : memref<640x16xf32, #tpu.memory_space<vmem>>, vector<1x16xf32>,
    %swap3A_903 = vector.shape_cast %swap3A_902 : vector<1x16xf32> to vector<16xf32>
    %swap3A_904 = vector.shape_cast %broadcast_in_dim3A_898 : vector<16xf32> to vector<1x16xf32>
    tpu.vector_store %arg6[%swap3A_900, %swap3A_901], %swap3A_904 {strides = array<i32>} : memref<640x16xf32, #tpu.memory_space<vmem>>, vector<1x16xf32>,
    %broadcast_in_dim3A_905 = arith.constant 0.000000e+00 : f32
    %broadcast_in_dim3A_906 = vector.broadcast %broadcast_in_dim3A_905 : f32 to vector<16xf32>
    %swap3A_907 = arith.constant 112 : i32
    %swap3A_908 = arith.index_cast %swap3A_907 : i32 to index
    %swap3A_909 = arith.constant 0 : index
    %swap3A_910 = tpu.vector_load %arg6[%swap3A_908, %swap3A_909] {strides = array<i32>} : memref<640x16xf32, #tpu.memory_space<vmem>>, vector<1x16xf32>,
    %swap3A_911 = vector.shape_cast %swap3A_910 : vector<1x16xf32> to vector<16xf32>
    %swap3A_912 = vector.shape_cast %broadcast_in_dim3A_906 : vector<16xf32> to vector<1x16xf32>
    tpu.vector_store %arg6[%swap3A_908, %swap3A_909], %swap3A_912 {strides = array<i32>} : memref<640x16xf32, #tpu.memory_space<vmem>>, vector<1x16xf32>,
    %broadcast_in_dim3A_913 = arith.constant 0.000000e+00 : f32
    %broadcast_in_dim3A_914 = vector.broadcast %broadcast_in_dim3A_913 : f32 to vector<16xf32>
    %swap3A_915 = arith.constant 113 : i32
    %swap3A_916 = arith.index_cast %swap3A_915 : i32 to index
    %swap3A_917 = arith.constant 0 : index
    %swap3A_918 = tpu.vector_load %arg6[%swap3A_916, %swap3A_917] {strides = array<i32>} : memref<640x16xf32, #tpu.memory_space<vmem>>, vector<1x16xf32>,
    %swap3A_919 = vector.shape_cast %swap3A_918 : vector<1x16xf32> to vector<16xf32>
    %swap3A_920 = vector.shape_cast %broadcast_in_dim3A_914 : vector<16xf32> to vector<1x16xf32>
    tpu.vector_store %arg6[%swap3A_916, %swap3A_917], %swap3A_920 {strides = array<i32>} : memref<640x16xf32, #tpu.memory_space<vmem>>, vector<1x16xf32>,
    %broadcast_in_dim3A_921 = arith.constant 0.000000e+00 : f32
    %broadcast_in_dim3A_922 = vector.broadcast %broadcast_in_dim3A_921 : f32 to vector<16xf32>
    %swap3A_923 = arith.constant 114 : i32
    %swap3A_924 = arith.index_cast %swap3A_923 : i32 to index
    %swap3A_925 = arith.constant 0 : index
    %swap3A_926 = tpu.vector_load %arg6[%swap3A_924, %swap3A_925] {strides = array<i32>} : memref<640x16xf32, #tpu.memory_space<vmem>>, vector<1x16xf32>,
    %swap3A_927 = vector.shape_cast %swap3A_926 : vector<1x16xf32> to vector<16xf32>
    %swap3A_928 = vector.shape_cast %broadcast_in_dim3A_922 : vector<16xf32> to vector<1x16xf32>
    tpu.vector_store %arg6[%swap3A_924, %swap3A_925], %swap3A_928 {strides = array<i32>} : memref<640x16xf32, #tpu.memory_space<vmem>>, vector<1x16xf32>,
    %broadcast_in_dim3A_929 = arith.constant 0.000000e+00 : f32
    %broadcast_in_dim3A_930 = vector.broadcast %broadcast_in_dim3A_929 : f32 to vector<16xf32>
    %swap3A_931 = arith.constant 115 : i32
    %swap3A_932 = arith.index_cast %swap3A_931 : i32 to index
    %swap3A_933 = arith.constant 0 : index
    %swap3A_934 = tpu.vector_load %arg6[%swap3A_932, %swap3A_933] {strides = array<i32>} : memref<640x16xf32, #tpu.memory_space<vmem>>, vector<1x16xf32>,
    %swap3A_935 = vector.shape_cast %swap3A_934 : vector<1x16xf32> to vector<16xf32>
    %swap3A_936 = vector.shape_cast %broadcast_in_dim3A_930 : vector<16xf32> to vector<1x16xf32>
    tpu.vector_store %arg6[%swap3A_932, %swap3A_933], %swap3A_936 {strides = array<i32>} : memref<640x16xf32, #tpu.memory_space<vmem>>, vector<1x16xf32>,
    %broadcast_in_dim3A_937 = arith.constant 0.000000e+00 : f32
    %broadcast_in_dim3A_938 = vector.broadcast %broadcast_in_dim3A_937 : f32 to vector<16xf32>
    %swap3A_939 = arith.constant 116 : i32
    %swap3A_940 = arith.index_cast %swap3A_939 : i32 to index
    %swap3A_941 = arith.constant 0 : index
    %swap3A_942 = tpu.vector_load %arg6[%swap3A_940, %swap3A_941] {strides = array<i32>} : memref<640x16xf32, #tpu.memory_space<vmem>>, vector<1x16xf32>,
    %swap3A_943 = vector.shape_cast %swap3A_942 : vector<1x16xf32> to vector<16xf32>
    %swap3A_944 = vector.shape_cast %broadcast_in_dim3A_938 : vector<16xf32> to vector<1x16xf32>
    tpu.vector_store %arg6[%swap3A_940, %swap3A_941], %swap3A_944 {strides = array<i32>} : memref<640x16xf32, #tpu.memory_space<vmem>>, vector<1x16xf32>,
    %broadcast_in_dim3A_945 = arith.constant 0.000000e+00 : f32
    %broadcast_in_dim3A_946 = vector.broadcast %broadcast_in_dim3A_945 : f32 to vector<16xf32>
    %swap3A_947 = arith.constant 117 : i32
    %swap3A_948 = arith.index_cast %swap3A_947 : i32 to index
    %swap3A_949 = arith.constant 0 : index
    %swap3A_950 = tpu.vector_load %arg6[%swap3A_948, %swap3A_949] {strides = array<i32>} : memref<640x16xf32, #tpu.memory_space<vmem>>, vector<1x16xf32>,
    %swap3A_951 = vector.shape_cast %swap3A_950 : vector<1x16xf32> to vector<16xf32>
    %swap3A_952 = vector.shape_cast %broadcast_in_dim3A_946 : vector<16xf32> to vector<1x16xf32>
    tpu.vector_store %arg6[%swap3A_948, %swap3A_949], %swap3A_952 {strides = array<i32>} : memref<640x16xf32, #tpu.memory_space<vmem>>, vector<1x16xf32>,
    %broadcast_in_dim3A_953 = arith.constant 0.000000e+00 : f32
    %broadcast_in_dim3A_954 = vector.broadcast %broadcast_in_dim3A_953 : f32 to vector<16xf32>
    %swap3A_955 = arith.constant 118 : i32
    %swap3A_956 = arith.index_cast %swap3A_955 : i32 to index
    %swap3A_957 = arith.constant 0 : index
    %swap3A_958 = tpu.vector_load %arg6[%swap3A_956, %swap3A_957] {strides = array<i32>} : memref<640x16xf32, #tpu.memory_space<vmem>>, vector<1x16xf32>,
    %swap3A_959 = vector.shape_cast %swap3A_958 : vector<1x16xf32> to vector<16xf32>
    %swap3A_960 = vector.shape_cast %broadcast_in_dim3A_954 : vector<16xf32> to vector<1x16xf32>
    tpu.vector_store %arg6[%swap3A_956, %swap3A_957], %swap3A_960 {strides = array<i32>} : memref<640x16xf32, #tpu.memory_space<vmem>>, vector<1x16xf32>,
    %broadcast_in_dim3A_961 = arith.constant 0.000000e+00 : f32
    %broadcast_in_dim3A_962 = vector.broadcast %broadcast_in_dim3A_961 : f32 to vector<16xf32>
    %swap3A_963 = arith.constant 119 : i32
    %swap3A_964 = arith.index_cast %swap3A_963 : i32 to index
    %swap3A_965 = arith.constant 0 : index
    %swap3A_966 = tpu.vector_load %arg6[%swap3A_964, %swap3A_965] {strides = array<i32>} : memref<640x16xf32, #tpu.memory_space<vmem>>, vector<1x16xf32>,
    %swap3A_967 = vector.shape_cast %swap3A_966 : vector<1x16xf32> to vector<16xf32>
    %swap3A_968 = vector.shape_cast %broadcast_in_dim3A_962 : vector<16xf32> to vector<1x16xf32>
    tpu.vector_store %arg6[%swap3A_964, %swap3A_965], %swap3A_968 {strides = array<i32>} : memref<640x16xf32, #tpu.memory_space<vmem>>, vector<1x16xf32>,
    %broadcast_in_dim3A_969 = arith.constant 0.000000e+00 : f32
    %broadcast_in_dim3A_970 = vector.broadcast %broadcast_in_dim3A_969 : f32 to vector<16xf32>
    %swap3A_971 = arith.constant 120 : i32
    %swap3A_972 = arith.index_cast %swap3A_971 : i32 to index
    %swap3A_973 = arith.constant 0 : index
    %swap3A_974 = tpu.vector_load %arg6[%swap3A_972, %swap3A_973] {strides = array<i32>} : memref<640x16xf32, #tpu.memory_space<vmem>>, vector<1x16xf32>,
    %swap3A_975 = vector.shape_cast %swap3A_974 : vector<1x16xf32> to vector<16xf32>
    %swap3A_976 = vector.shape_cast %broadcast_in_dim3A_970 : vector<16xf32> to vector<1x16xf32>
    tpu.vector_store %arg6[%swap3A_972, %swap3A_973], %swap3A_976 {strides = array<i32>} : memref<640x16xf32, #tpu.memory_space<vmem>>, vector<1x16xf32>,
    %broadcast_in_dim3A_977 = arith.constant 0.000000e+00 : f32
    %broadcast_in_dim3A_978 = vector.broadcast %broadcast_in_dim3A_977 : f32 to vector<16xf32>
    %swap3A_979 = arith.constant 121 : i32
    %swap3A_980 = arith.index_cast %swap3A_979 : i32 to index
    %swap3A_981 = arith.constant 0 : index
    %swap3A_982 = tpu.vector_load %arg6[%swap3A_980, %swap3A_981] {strides = array<i32>} : memref<640x16xf32, #tpu.memory_space<vmem>>, vector<1x16xf32>,
    %swap3A_983 = vector.shape_cast %swap3A_982 : vector<1x16xf32> to vector<16xf32>
    %swap3A_984 = vector.shape_cast %broadcast_in_dim3A_978 : vector<16xf32> to vector<1x16xf32>
    tpu.vector_store %arg6[%swap3A_980, %swap3A_981], %swap3A_984 {strides = array<i32>} : memref<640x16xf32, #tpu.memory_space<vmem>>, vector<1x16xf32>,
    %broadcast_in_dim3A_985 = arith.constant 0.000000e+00 : f32
    %broadcast_in_dim3A_986 = vector.broadcast %broadcast_in_dim3A_985 : f32 to vector<16xf32>
    %swap3A_987 = arith.constant 122 : i32
    %swap3A_988 = arith.index_cast %swap3A_987 : i32 to index
    %swap3A_989 = arith.constant 0 : index
    %swap3A_990 = tpu.vector_load %arg6[%swap3A_988, %swap3A_989] {strides = array<i32>} : memref<640x16xf32, #tpu.memory_space<vmem>>, vector<1x16xf32>,
    %swap3A_991 = vector.shape_cast %swap3A_990 : vector<1x16xf32> to vector<16xf32>
    %swap3A_992 = vector.shape_cast %broadcast_in_dim3A_986 : vector<16xf32> to vector<1x16xf32>
    tpu.vector_store %arg6[%swap3A_988, %swap3A_989], %swap3A_992 {strides = array<i32>} : memref<640x16xf32, #tpu.memory_space<vmem>>, vector<1x16xf32>,
    %broadcast_in_dim3A_993 = arith.constant 0.000000e+00 : f32
    %broadcast_in_dim3A_994 = vector.broadcast %broadcast_in_dim3A_993 : f32 to vector<16xf32>
    %swap3A_995 = arith.constant 123 : i32
    %swap3A_996 = arith.index_cast %swap3A_995 : i32 to index
    %swap3A_997 = arith.constant 0 : index
    %swap3A_998 = tpu.vector_load %arg6[%swap3A_996, %swap3A_997] {strides = array<i32>} : memref<640x16xf32, #tpu.memory_space<vmem>>, vector<1x16xf32>,
    %swap3A_999 = vector.shape_cast %swap3A_998 : vector<1x16xf32> to vector<16xf32>
    %swap3A_1000 = vector.shape_cast %broadcast_in_dim3A_994 : vector<16xf32> to vector<1x16xf32>
    tpu.vector_store %arg6[%swap3A_996, %swap3A_997], %swap3A_1000 {strides = array<i32>} : memref<640x16xf32, #tpu.memory_space<vmem>>, vector<1x16xf32>,
    %broadcast_in_dim3A_1001 = arith.constant 0.000000e+00 : f32
    %broadcast_in_dim3A_1002 = vector.broadcast %broadcast_in_dim3A_1001 : f32 to vector<16xf32>
    %swap3A_1003 = arith.constant 124 : i32
    %swap3A_1004 = arith.index_cast %swap3A_1003 : i32 to index
    %swap3A_1005 = arith.constant 0 : index
    %swap3A_1006 = tpu.vector_load %arg6[%swap3A_1004, %swap3A_1005] {strides = array<i32>} : memref<640x16xf32, #tpu.memory_space<vmem>>, vector<1x16xf32>,
    %swap3A_1007 = vector.shape_cast %swap3A_1006 : vector<1x16xf32> to vector<16xf32>
    %swap3A_1008 = vector.shape_cast %broadcast_in_dim3A_1002 : vector<16xf32> to vector<1x16xf32>
    tpu.vector_store %arg6[%swap3A_1004, %swap3A_1005], %swap3A_1008 {strides = array<i32>} : memref<640x16xf32, #tpu.memory_space<vmem>>, vector<1x16xf32>,
    %broadcast_in_dim3A_1009 = arith.constant 0.000000e+00 : f32
    %broadcast_in_dim3A_1010 = vector.broadcast %broadcast_in_dim3A_1009 : f32 to vector<16xf32>
    %swap3A_1011 = arith.constant 125 : i32
    %swap3A_1012 = arith.index_cast %swap3A_1011 : i32 to index
    %swap3A_1013 = arith.constant 0 : index
    %swap3A_1014 = tpu.vector_load %arg6[%swap3A_1012, %swap3A_1013] {strides = array<i32>} : memref<640x16xf32, #tpu.memory_space<vmem>>, vector<1x16xf32>,
    %swap3A_1015 = vector.shape_cast %swap3A_1014 : vector<1x16xf32> to vector<16xf32>
    %swap3A_1016 = vector.shape_cast %broadcast_in_dim3A_1010 : vector<16xf32> to vector<1x16xf32>
    tpu.vector_store %arg6[%swap3A_1012, %swap3A_1013], %swap3A_1016 {strides = array<i32>} : memref<640x16xf32, #tpu.memory_space<vmem>>, vector<1x16xf32>,
    %broadcast_in_dim3A_1017 = arith.constant 0.000000e+00 : f32
    %broadcast_in_dim3A_1018 = vector.broadcast %broadcast_in_dim3A_1017 : f32 to vector<16xf32>
    %swap3A_1019 = arith.constant 126 : i32
    %swap3A_1020 = arith.index_cast %swap3A_1019 : i32 to index
    %swap3A_1021 = arith.constant 0 : index
    %swap3A_1022 = tpu.vector_load %arg6[%swap3A_1020, %swap3A_1021] {strides = array<i32>} : memref<640x16xf32, #tpu.memory_space<vmem>>, vector<1x16xf32>,
    %swap3A_1023 = vector.shape_cast %swap3A_1022 : vector<1x16xf32> to vector<16xf32>
    %swap3A_1024 = vector.shape_cast %broadcast_in_dim3A_1018 : vector<16xf32> to vector<1x16xf32>
    tpu.vector_store %arg6[%swap3A_1020, %swap3A_1021], %swap3A_1024 {strides = array<i32>} : memref<640x16xf32, #tpu.memory_space<vmem>>, vector<1x16xf32>,
    %broadcast_in_dim3A_1025 = arith.constant 0.000000e+00 : f32
    %broadcast_in_dim3A_1026 = vector.broadcast %broadcast_in_dim3A_1025 : f32 to vector<16xf32>
    %swap3A_1027 = arith.constant 127 : i32
    %swap3A_1028 = arith.index_cast %swap3A_1027 : i32 to index
    %swap3A_1029 = arith.constant 0 : index
    %swap3A_1030 = tpu.vector_load %arg6[%swap3A_1028, %swap3A_1029] {strides = array<i32>} : memref<640x16xf32, #tpu.memory_space<vmem>>, vector<1x16xf32>,
    %swap3A_1031 = vector.shape_cast %swap3A_1030 : vector<1x16xf32> to vector<16xf32>
    %swap3A_1032 = vector.shape_cast %broadcast_in_dim3A_1026 : vector<16xf32> to vector<1x16xf32>
    tpu.vector_store %arg6[%swap3A_1028, %swap3A_1029], %swap3A_1032 {strides = array<i32>} : memref<640x16xf32, #tpu.memory_space<vmem>>, vector<1x16xf32>,
    %mul3A_1033 = arith.constant 640 : i32
    %mul3A_1034 = arith.muli %arg1, %mul3A_1033 : i32
    %add3A_1035 = arith.constant 0 : i32
    %add3A_1036 = arith.addi %mul3A_1034, %add3A_1035 : i32
    %dma_start3A_1037 = arith.constant 0 : i32
    %dma_start3A_1038 = arith.constant 0 : i32
    %dma_start3A_1039 = tpu.memref_slice %arg6[%dma_start3A_1037, %dma_start3A_1038] : memref<640x16xf32, #tpu.memory_space<vmem>> -> memref<128x16xf32, #tpu.memory_space<vmem>>
    %dma_start3A_1040 = arith.constant 0 : i32
    %dma_start3A_1041 = tpu.memref_slice %arg7[%add3A_1036, %dma_start3A_1040] : memref<10240x16xf32, #tpu.memory_space<vmem_shared>> -> memref<128x16xf32, #tpu.memory_space<vmem_shared>>
    %dma_start3A_1042 = arith.constant 0 : i32
    %dma_start3A_1043 = tpu.memref_slice %arg7[%add3A_1036, %dma_start3A_1042] : memref<10240x16xf32, #tpu.memory_space<vmem_shared>> -> memref<128x16xf32, #tpu.memory_space<vmem_shared>>
    %dma_start3A_1044 = arith.constant 0 : i32
    %dma_start3A_1045 = arith.constant 0 : i32
    %dma_start3A_1046 = tpu.memref_slice %arg6[%dma_start3A_1044, %dma_start3A_1045] : memref<640x16xf32, #tpu.memory_space<vmem>> -> memref<128x16xf32, #tpu.memory_space<vmem>>
    tpu.enqueue_dma source(%dma_start3A_1046 : memref<128x16xf32, #tpu.memory_space<vmem>>) target(%dma_start3A_1043 : memref<128x16xf32, #tpu.memory_space<vmem_shared>>) target_semaphore(%arg9 : memref<!tpu.dma_semaphore, #tpu.memory_space<semaphore_mem>>)
    %mul3A_1047 = arith.constant 640 : i32
    %mul3A_1048 = arith.muli %arg1, %mul3A_1047 : i32
    %add3A_1049 = arith.constant 128 : i32
    %add3A_1050 = arith.addi %mul3A_1048, %add3A_1049 : i32
    %dma_start3A_1051 = arith.constant 0 : i32
    %dma_start3A_1052 = arith.constant 0 : i32
    %dma_start3A_1053 = tpu.memref_slice %arg6[%dma_start3A_1051, %dma_start3A_1052] : memref<640x16xf32, #tpu.memory_space<vmem>> -> memref<128x16xf32, #tpu.memory_space<vmem>>
    %dma_start3A_1054 = arith.constant 0 : i32
    %dma_start3A_1055 = tpu.memref_slice %arg7[%add3A_1050, %dma_start3A_1054] : memref<10240x16xf32, #tpu.memory_space<vmem_shared>> -> memref<128x16xf32, #tpu.memory_space<vmem_shared>>
    %dma_start3A_1056 = arith.constant 0 : i32
    %dma_start3A_1057 = tpu.memref_slice %arg7[%add3A_1050, %dma_start3A_1056] : memref<10240x16xf32, #tpu.memory_space<vmem_shared>> -> memref<128x16xf32, #tpu.memory_space<vmem_shared>>
    %dma_start3A_1058 = arith.constant 0 : i32
    %dma_start3A_1059 = arith.constant 0 : i32
    %dma_start3A_1060 = tpu.memref_slice %arg6[%dma_start3A_1058, %dma_start3A_1059] : memref<640x16xf32, #tpu.memory_space<vmem>> -> memref<128x16xf32, #tpu.memory_space<vmem>>
    tpu.enqueue_dma source(%dma_start3A_1060 : memref<128x16xf32, #tpu.memory_space<vmem>>) target(%dma_start3A_1057 : memref<128x16xf32, #tpu.memory_space<vmem_shared>>) target_semaphore(%arg9 : memref<!tpu.dma_semaphore, #tpu.memory_space<semaphore_mem>>)
    %mul3A_1061 = arith.constant 640 : i32
    %mul3A_1062 = arith.muli %arg1, %mul3A_1061 : i32
    %add3A_1063 = arith.constant 256 : i32
    %add3A_1064 = arith.addi %mul3A_1062, %add3A_1063 : i32
    %dma_start3A_1065 = arith.constant 0 : i32
    %dma_start3A_1066 = arith.constant 0 : i32
    %dma_start3A_1067 = tpu.memref_slice %arg6[%dma_start3A_1065, %dma_start3A_1066] : memref<640x16xf32, #tpu.memory_space<vmem>> -> memref<128x16xf32, #tpu.memory_space<vmem>>
    %dma_start3A_1068 = arith.constant 0 : i32
    %dma_start3A_1069 = tpu.memref_slice %arg7[%add3A_1064, %dma_start3A_1068] : memref<10240x16xf32, #tpu.memory_space<vmem_shared>> -> memref<128x16xf32, #tpu.memory_space<vmem_shared>>
    %dma_start3A_1070 = arith.constant 0 : i32
    %dma_start3A_1071 = tpu.memref_slice %arg7[%add3A_1064, %dma_start3A_1070] : memref<10240x16xf32, #tpu.memory_space<vmem_shared>> -> memref<128x16xf32, #tpu.memory_space<vmem_shared>>
    %dma_start3A_1072 = arith.constant 0 : i32
    %dma_start3A_1073 = arith.constant 0 : i32
    %dma_start3A_1074 = tpu.memref_slice %arg6[%dma_start3A_1072, %dma_start3A_1073] : memref<640x16xf32, #tpu.memory_space<vmem>> -> memref<128x16xf32, #tpu.memory_space<vmem>>
    tpu.enqueue_dma source(%dma_start3A_1074 : memref<128x16xf32, #tpu.memory_space<vmem>>) target(%dma_start3A_1071 : memref<128x16xf32, #tpu.memory_space<vmem_shared>>) target_semaphore(%arg9 : memref<!tpu.dma_semaphore, #tpu.memory_space<semaphore_mem>>)
    %mul3A_1075 = arith.constant 640 : i32
    %mul3A_1076 = arith.muli %arg1, %mul3A_1075 : i32
    %add3A_1077 = arith.constant 384 : i32
    %add3A_1078 = arith.addi %mul3A_1076, %add3A_1077 : i32
    %dma_start3A_1079 = arith.constant 0 : i32
    %dma_start3A_1080 = arith.constant 0 : i32
    %dma_start3A_1081 = tpu.memref_slice %arg6[%dma_start3A_1079, %dma_start3A_1080] : memref<640x16xf32, #tpu.memory_space<vmem>> -> memref<128x16xf32, #tpu.memory_space<vmem>>
    %dma_start3A_1082 = arith.constant 0 : i32
    %dma_start3A_1083 = tpu.memref_slice %arg7[%add3A_1078, %dma_start3A_1082] : memref<10240x16xf32, #tpu.memory_space<vmem_shared>> -> memref<128x16xf32, #tpu.memory_space<vmem_shared>>
    %dma_start3A_1084 = arith.constant 0 : i32
    %dma_start3A_1085 = tpu.memref_slice %arg7[%add3A_1078, %dma_start3A_1084] : memref<10240x16xf32, #tpu.memory_space<vmem_shared>> -> memref<128x16xf32, #tpu.memory_space<vmem_shared>>
    %dma_start3A_1086 = arith.constant 0 : i32
    %dma_start3A_1087 = arith.constant 0 : i32
    %dma_start3A_1088 = tpu.memref_slice %arg6[%dma_start3A_1086, %dma_start3A_1087] : memref<640x16xf32, #tpu.memory_space<vmem>> -> memref<128x16xf32, #tpu.memory_space<vmem>>
    tpu.enqueue_dma source(%dma_start3A_1088 : memref<128x16xf32, #tpu.memory_space<vmem>>) target(%dma_start3A_1085 : memref<128x16xf32, #tpu.memory_space<vmem_shared>>) target_semaphore(%arg9 : memref<!tpu.dma_semaphore, #tpu.memory_space<semaphore_mem>>)
    %mul3A_1089 = arith.constant 640 : i32
    %mul3A_1090 = arith.muli %arg1, %mul3A_1089 : i32
    %add3A_1091 = arith.constant 512 : i32
    %add3A_1092 = arith.addi %mul3A_1090, %add3A_1091 : i32
    %dma_start3A_1093 = arith.constant 0 : i32
    %dma_start3A_1094 = arith.constant 0 : i32
    %dma_start3A_1095 = tpu.memref_slice %arg6[%dma_start3A_1093, %dma_start3A_1094] : memref<640x16xf32, #tpu.memory_space<vmem>> -> memref<128x16xf32, #tpu.memory_space<vmem>>
    %dma_start3A_1096 = arith.constant 0 : i32
    %dma_start3A_1097 = tpu.memref_slice %arg7[%add3A_1092, %dma_start3A_1096] : memref<10240x16xf32, #tpu.memory_space<vmem_shared>> -> memref<128x16xf32, #tpu.memory_space<vmem_shared>>
    %dma_start3A_1098 = arith.constant 0 : i32
    %dma_start3A_1099 = tpu.memref_slice %arg7[%add3A_1092, %dma_start3A_1098] : memref<10240x16xf32, #tpu.memory_space<vmem_shared>> -> memref<128x16xf32, #tpu.memory_space<vmem_shared>>
    %dma_start3A_1100 = arith.constant 0 : i32
    %dma_start3A_1101 = arith.constant 0 : i32
    %dma_start3A_1102 = tpu.memref_slice %arg6[%dma_start3A_1100, %dma_start3A_1101] : memref<640x16xf32, #tpu.memory_space<vmem>> -> memref<128x16xf32, #tpu.memory_space<vmem>>
    tpu.enqueue_dma source(%dma_start3A_1102 : memref<128x16xf32, #tpu.memory_space<vmem>>) target(%dma_start3A_1099 : memref<128x16xf32, #tpu.memory_space<vmem_shared>>) target_semaphore(%arg9 : memref<!tpu.dma_semaphore, #tpu.memory_space<semaphore_mem>>)
    %dma_wait3A = arith.constant 0 : i32
    %dma_wait3A_1103 = tpu.memref_slice %arg2[%mul3A_2, %dma_wait3A] : memref<1280x128xi32, #tpu.memory_space<hbm>> -> memref<40x128xi32, #tpu.memory_space<hbm>>
    %dma_wait3A_1104 = arith.constant 0 : i32
    %dma_wait3A_1105 = tpu.memref_slice %arg2[%mul3A_2, %dma_wait3A_1104] : memref<1280x128xi32, #tpu.memory_space<hbm>> -> memref<40x128xi32, #tpu.memory_space<hbm>>
    tpu.wait_dma2 semaphore(%arg8 : memref<!tpu.dma_semaphore, #tpu.memory_space<semaphore_mem>>) src(%dma_wait3A_1105 : memref<40x128xi32, #tpu.memory_space<hbm>>) dst(%arg4 : memref<40x128xi32, #tpu.memory_space<vmem>>)
    %dma_wait3A_1106 = arith.constant 0 : i32
    %dma_wait3A_1107 = arith.constant 0 : i32
    %dma_wait3A_1108 = tpu.memref_slice %arg3[%arg0, %dma_wait3A_1106, %dma_wait3A_1107] : memref<2x10240x16xf32, #tpu.memory_space<hbm>> -> memref<1x640x16xf32, #tpu.memory_space<hbm>>
    %dma_wait3A_1109 = tpu.memref_squeeze %dma_wait3A_1108 : memref<1x640x16xf32, #tpu.memory_space<hbm>> -> memref<640x16xf32, #tpu.memory_space<hbm>>
    %dma_wait3A_1110 = arith.constant 0 : i32
    %dma_wait3A_1111 = arith.constant 0 : i32
    %dma_wait3A_1112 = tpu.memref_slice %arg3[%arg0, %dma_wait3A_1110, %dma_wait3A_1111] : memref<2x10240x16xf32, #tpu.memory_space<hbm>> -> memref<1x640x16xf32, #tpu.memory_space<hbm>>
    %dma_wait3A_1113 = tpu.memref_squeeze %dma_wait3A_1112 : memref<1x640x16xf32, #tpu.memory_space<hbm>> -> memref<640x16xf32, #tpu.memory_space<hbm>>
    tpu.wait_dma2 semaphore(%arg9 : memref<!tpu.dma_semaphore, #tpu.memory_space<semaphore_mem>>) src(%dma_wait3A_1113 : memref<640x16xf32, #tpu.memory_space<hbm>>) dst(%arg6 : memref<640x16xf32, #tpu.memory_space<vmem>>)
    %barrier3A = arith.constant 0 : index
    tpu.barrier barrier_id(%barrier3A)
    %scan3A_1114 = arith.constant 0 : i32
    %scan3A_1115 = arith.constant 0 : i32
    %scan3A_1116 = arith.constant 40 : i32
    %scan3A_1117 = arith.addi %scan3A_1115, %scan3A_1116 : i32
    %scan3A_1118 = arith.constant 1 : i32
    scf.for %scan3A_1293 = %scan3A_1115 to %scan3A_1117 step %scan3A_1118  : i32 {
      %dma_start3A_1294 = arith.constant 0 : i32
      %dma_start3A_1295 = tpu.memref_slice %arg4[%scan3A_1293, %dma_start3A_1294] : memref<40x128xi32, #tpu.memory_space<vmem>> -> memref<1x128xi32, #tpu.memory_space<vmem>>
      %dma_start3A_1296 = tpu.memref_squeeze %dma_start3A_1295 : memref<1x128xi32, #tpu.memory_space<vmem>> -> memref<128xi32, #tpu.memory_space<vmem>>
      %dma_start3A_1297 = arith.constant 0 : i32
      %dma_start3A_1298 = arith.constant 0 : i32
      %dma_start3A_1299 = tpu.memref_slice %arg7[%dma_start3A_1297, %dma_start3A_1298] : memref<10240x16xf32, #tpu.memory_space<vmem_shared>> -> memref<10240x16xf32, #tpu.memory_space<vmem_shared>>
      tpu.enqueue_indirect_dma source(%arg5 : memref<128x16xf32, #tpu.memory_space<vmem>>) target(%dma_start3A_1299 : memref<10240x16xf32, #tpu.memory_space<vmem_shared>>) offsets(%dma_start3A_1296 : memref<128xi32, #tpu.memory_space<vmem>>) semaphore(%arg9 : memref<!tpu.dma_semaphore, #tpu.memory_space<semaphore_mem>>) {add = true}
    }
    %scan3A_1119 = arith.constant 40 : i32
    %scan3A_1120 = arith.constant 0 : i32
    %scan3A_1121 = arith.constant 0 : i32
    %scan3A_1122 = arith.constant 40 : i32
    %scan3A_1123 = arith.addi %scan3A_1121, %scan3A_1122 : i32
    %scan3A_1124 = arith.constant 1 : i32
    scf.for %scan3A_1293 = %scan3A_1121 to %scan3A_1123 step %scan3A_1124  : i32 {
      %dma_wait3A_1294 = arith.constant 0 : i32
      %dma_wait3A_1295 = arith.constant 0 : i32
      %dma_wait3A_1296 = tpu.memref_slice %arg3[%arg0, %dma_wait3A_1294, %dma_wait3A_1295] : memref<2x10240x16xf32, #tpu.memory_space<hbm>> -> memref<1x128x16xf32, #tpu.memory_space<hbm>>
      %dma_wait3A_1297 = tpu.memref_squeeze %dma_wait3A_1296 : memref<1x128x16xf32, #tpu.memory_space<hbm>> -> memref<128x16xf32, #tpu.memory_space<hbm>>
      %dma_wait3A_1298 = arith.constant 0 : i32
      %dma_wait3A_1299 = arith.constant 0 : i32
      %dma_wait3A_1300 = tpu.memref_slice %arg3[%arg0, %dma_wait3A_1298, %dma_wait3A_1299] : memref<2x10240x16xf32, #tpu.memory_space<hbm>> -> memref<1x128x16xf32, #tpu.memory_space<hbm>>
      %dma_wait3A_1301 = tpu.memref_squeeze %dma_wait3A_1300 : memref<1x128x16xf32, #tpu.memory_space<hbm>> -> memref<128x16xf32, #tpu.memory_space<hbm>>
      tpu.wait_dma2 semaphore(%arg9 : memref<!tpu.dma_semaphore, #tpu.memory_space<semaphore_mem>>) src(%dma_wait3A_1301 : memref<128x16xf32, #tpu.memory_space<hbm>>) dst(%arg5 : memref<128x16xf32, #tpu.memory_space<vmem>>)
    }
    %scan3A_1125 = arith.constant 40 : i32
    %barrier3A_1126 = arith.constant 0 : index
    tpu.barrier barrier_id(%barrier3A_1126)
    %mul3A_1127 = arith.constant 640 : i32
    %mul3A_1128 = arith.muli %arg1, %mul3A_1127 : i32
    %add3A_1129 = arith.constant 0 : i32
    %add3A_1130 = arith.addi %mul3A_1128, %add3A_1129 : i32
    %dma_start3A_1131 = arith.constant 0 : i32
    %dma_start3A_1132 = arith.constant 0 : i32
    %dma_start3A_1133 = tpu.memref_slice %arg6[%dma_start3A_1131, %dma_start3A_1132] : memref<640x16xf32, #tpu.memory_space<vmem>> -> memref<128x16xf32, #tpu.memory_space<vmem>>
    %dma_start3A_1134 = arith.constant 0 : i32
    %dma_start3A_1135 = tpu.memref_slice %arg7[%add3A_1130, %dma_start3A_1134] : memref<10240x16xf32, #tpu.memory_space<vmem_shared>> -> memref<128x16xf32, #tpu.memory_space<vmem_shared>>
    %dma_start3A_1136 = arith.constant 0 : i32
    %dma_start3A_1137 = arith.constant 0 : i32
    %dma_start3A_1138 = tpu.memref_slice %arg6[%dma_start3A_1136, %dma_start3A_1137] : memref<640x16xf32, #tpu.memory_space<vmem>> -> memref<128x16xf32, #tpu.memory_space<vmem>>
    %dma_start3A_1139 = arith.constant 0 : i32
    %dma_start3A_1140 = tpu.memref_slice %arg7[%add3A_1130, %dma_start3A_1139] : memref<10240x16xf32, #tpu.memory_space<vmem_shared>> -> memref<128x16xf32, #tpu.memory_space<vmem_shared>>
    tpu.enqueue_dma source(%dma_start3A_1140 : memref<128x16xf32, #tpu.memory_space<vmem_shared>>) target(%dma_start3A_1138 : memref<128x16xf32, #tpu.memory_space<vmem>>) target_semaphore(%arg8 : memref<!tpu.dma_semaphore, #tpu.memory_space<semaphore_mem>>)
    %mul3A_1141 = arith.constant 640 : i32
    %mul3A_1142 = arith.muli %arg1, %mul3A_1141 : i32
    %add3A_1143 = arith.constant 128 : i32
    %add3A_1144 = arith.addi %mul3A_1142, %add3A_1143 : i32
    %dma_start3A_1145 = arith.constant 128 : i32
    %dma_start3A_1146 = arith.constant 0 : i32
    %dma_start3A_1147 = tpu.memref_slice %arg6[%dma_start3A_1145, %dma_start3A_1146] : memref<640x16xf32, #tpu.memory_space<vmem>> -> memref<128x16xf32, #tpu.memory_space<vmem>>
    %dma_start3A_1148 = arith.constant 0 : i32
    %dma_start3A_1149 = tpu.memref_slice %arg7[%add3A_1144, %dma_start3A_1148] : memref<10240x16xf32, #tpu.memory_space<vmem_shared>> -> memref<128x16xf32, #tpu.memory_space<vmem_shared>>
    %dma_start3A_1150 = arith.constant 128 : i32
    %dma_start3A_1151 = arith.constant 0 : i32
    %dma_start3A_1152 = tpu.memref_slice %arg6[%dma_start3A_1150, %dma_start3A_1151] : memref<640x16xf32, #tpu.memory_space<vmem>> -> memref<128x16xf32, #tpu.memory_space<vmem>>
    %dma_start3A_1153 = arith.constant 0 : i32
    %dma_start3A_1154 = tpu.memref_slice %arg7[%add3A_1144, %dma_start3A_1153] : memref<10240x16xf32, #tpu.memory_space<vmem_shared>> -> memref<128x16xf32, #tpu.memory_space<vmem_shared>>
    tpu.enqueue_dma source(%dma_start3A_1154 : memref<128x16xf32, #tpu.memory_space<vmem_shared>>) target(%dma_start3A_1152 : memref<128x16xf32, #tpu.memory_space<vmem>>) target_semaphore(%arg8 : memref<!tpu.dma_semaphore, #tpu.memory_space<semaphore_mem>>)
    %mul3A_1155 = arith.constant 640 : i32
    %mul3A_1156 = arith.muli %arg1, %mul3A_1155 : i32
    %add3A_1157 = arith.constant 256 : i32
    %add3A_1158 = arith.addi %mul3A_1156, %add3A_1157 : i32
    %dma_start3A_1159 = arith.constant 256 : i32
    %dma_start3A_1160 = arith.constant 0 : i32
    %dma_start3A_1161 = tpu.memref_slice %arg6[%dma_start3A_1159, %dma_start3A_1160] : memref<640x16xf32, #tpu.memory_space<vmem>> -> memref<128x16xf32, #tpu.memory_space<vmem>>
    %dma_start3A_1162 = arith.constant 0 : i32
    %dma_start3A_1163 = tpu.memref_slice %arg7[%add3A_1158, %dma_start3A_1162] : memref<10240x16xf32, #tpu.memory_space<vmem_shared>> -> memref<128x16xf32, #tpu.memory_space<vmem_shared>>
    %dma_start3A_1164 = arith.constant 256 : i32
    %dma_start3A_1165 = arith.constant 0 : i32
    %dma_start3A_1166 = tpu.memref_slice %arg6[%dma_start3A_1164, %dma_start3A_1165] : memref<640x16xf32, #tpu.memory_space<vmem>> -> memref<128x16xf32, #tpu.memory_space<vmem>>
    %dma_start3A_1167 = arith.constant 0 : i32
    %dma_start3A_1168 = tpu.memref_slice %arg7[%add3A_1158, %dma_start3A_1167] : memref<10240x16xf32, #tpu.memory_space<vmem_shared>> -> memref<128x16xf32, #tpu.memory_space<vmem_shared>>
    tpu.enqueue_dma source(%dma_start3A_1168 : memref<128x16xf32, #tpu.memory_space<vmem_shared>>) target(%dma_start3A_1166 : memref<128x16xf32, #tpu.memory_space<vmem>>) target_semaphore(%arg8 : memref<!tpu.dma_semaphore, #tpu.memory_space<semaphore_mem>>)
    %mul3A_1169 = arith.constant 640 : i32
    %mul3A_1170 = arith.muli %arg1, %mul3A_1169 : i32
    %add3A_1171 = arith.constant 384 : i32
    %add3A_1172 = arith.addi %mul3A_1170, %add3A_1171 : i32
    %dma_start3A_1173 = arith.constant 384 : i32
    %dma_start3A_1174 = arith.constant 0 : i32
    %dma_start3A_1175 = tpu.memref_slice %arg6[%dma_start3A_1173, %dma_start3A_1174] : memref<640x16xf32, #tpu.memory_space<vmem>> -> memref<128x16xf32, #tpu.memory_space<vmem>>
    %dma_start3A_1176 = arith.constant 0 : i32
    %dma_start3A_1177 = tpu.memref_slice %arg7[%add3A_1172, %dma_start3A_1176] : memref<10240x16xf32, #tpu.memory_space<vmem_shared>> -> memref<128x16xf32, #tpu.memory_space<vmem_shared>>
    %dma_start3A_1178 = arith.constant 384 : i32
    %dma_start3A_1179 = arith.constant 0 : i32
    %dma_start3A_1180 = tpu.memref_slice %arg6[%dma_start3A_1178, %dma_start3A_1179] : memref<640x16xf32, #tpu.memory_space<vmem>> -> memref<128x16xf32, #tpu.memory_space<vmem>>
    %dma_start3A_1181 = arith.constant 0 : i32
    %dma_start3A_1182 = tpu.memref_slice %arg7[%add3A_1172, %dma_start3A_1181] : memref<10240x16xf32, #tpu.memory_space<vmem_shared>> -> memref<128x16xf32, #tpu.memory_space<vmem_shared>>
    tpu.enqueue_dma source(%dma_start3A_1182 : memref<128x16xf32, #tpu.memory_space<vmem_shared>>) target(%dma_start3A_1180 : memref<128x16xf32, #tpu.memory_space<vmem>>) target_semaphore(%arg8 : memref<!tpu.dma_semaphore, #tpu.memory_space<semaphore_mem>>)
    %mul3A_1183 = arith.constant 640 : i32
    %mul3A_1184 = arith.muli %arg1, %mul3A_1183 : i32
    %add3A_1185 = arith.constant 512 : i32
    %add3A_1186 = arith.addi %mul3A_1184, %add3A_1185 : i32
    %dma_start3A_1187 = arith.constant 512 : i32
    %dma_start3A_1188 = arith.constant 0 : i32
    %dma_start3A_1189 = tpu.memref_slice %arg6[%dma_start3A_1187, %dma_start3A_1188] : memref<640x16xf32, #tpu.memory_space<vmem>> -> memref<128x16xf32, #tpu.memory_space<vmem>>
    %dma_start3A_1190 = arith.constant 0 : i32
    %dma_start3A_1191 = tpu.memref_slice %arg7[%add3A_1186, %dma_start3A_1190] : memref<10240x16xf32, #tpu.memory_space<vmem_shared>> -> memref<128x16xf32, #tpu.memory_space<vmem_shared>>
    %dma_start3A_1192 = arith.constant 512 : i32
    %dma_start3A_1193 = arith.constant 0 : i32
    %dma_start3A_1194 = tpu.memref_slice %arg6[%dma_start3A_1192, %dma_start3A_1193] : memref<640x16xf32, #tpu.memory_space<vmem>> -> memref<128x16xf32, #tpu.memory_space<vmem>>
    %dma_start3A_1195 = arith.constant 0 : i32
    %dma_start3A_1196 = tpu.memref_slice %arg7[%add3A_1186, %dma_start3A_1195] : memref<10240x16xf32, #tpu.memory_space<vmem_shared>> -> memref<128x16xf32, #tpu.memory_space<vmem_shared>>
    tpu.enqueue_dma source(%dma_start3A_1196 : memref<128x16xf32, #tpu.memory_space<vmem_shared>>) target(%dma_start3A_1194 : memref<128x16xf32, #tpu.memory_space<vmem>>) target_semaphore(%arg8 : memref<!tpu.dma_semaphore, #tpu.memory_space<semaphore_mem>>)
    %dma_wait3A_1197 = arith.constant 0 : i32
    %dma_wait3A_1198 = arith.constant 0 : i32
    %dma_wait3A_1199 = tpu.memref_slice %arg3[%arg0, %dma_wait3A_1197, %dma_wait3A_1198] : memref<2x10240x16xf32, #tpu.memory_space<hbm>> -> memref<1x640x16xf32, #tpu.memory_space<hbm>>
    %dma_wait3A_1200 = tpu.memref_squeeze %dma_wait3A_1199 : memref<1x640x16xf32, #tpu.memory_space<hbm>> -> memref<640x16xf32, #tpu.memory_space<hbm>>
    %dma_wait3A_1201 = arith.constant 0 : i32
    %dma_wait3A_1202 = arith.constant 0 : i32
    %dma_wait3A_1203 = tpu.memref_slice %arg3[%arg0, %dma_wait3A_1201, %dma_wait3A_1202] : memref<2x10240x16xf32, #tpu.memory_space<hbm>> -> memref<1x640x16xf32, #tpu.memory_space<hbm>>
    %dma_wait3A_1204 = tpu.memref_squeeze %dma_wait3A_1203 : memref<1x640x16xf32, #tpu.memory_space<hbm>> -> memref<640x16xf32, #tpu.memory_space<hbm>>
    tpu.wait_dma2 semaphore(%arg8 : memref<!tpu.dma_semaphore, #tpu.memory_space<semaphore_mem>>) src(%dma_wait3A_1204 : memref<640x16xf32, #tpu.memory_space<hbm>>) dst(%arg6 : memref<640x16xf32, #tpu.memory_space<vmem>>)
    %mul3A_1205 = arith.constant 640 : i32
    %mul3A_1206 = arith.muli %arg1, %mul3A_1205 : i32
    %add3A_1207 = arith.constant 0 : i32
    %add3A_1208 = arith.addi %mul3A_1206, %add3A_1207 : i32
    %dma_start3A_1209 = arith.constant 0 : i32
    %dma_start3A_1210 = arith.constant 0 : i32
    %dma_start3A_1211 = tpu.memref_slice %arg6[%dma_start3A_1209, %dma_start3A_1210] : memref<640x16xf32, #tpu.memory_space<vmem>> -> memref<128x16xf32, #tpu.memory_space<vmem>>
    %dma_start3A_1212 = arith.constant 0 : i32
    %dma_start3A_1213 = tpu.memref_slice %arg3[%arg0, %add3A_1208, %dma_start3A_1212] : memref<2x10240x16xf32, #tpu.memory_space<hbm>> -> memref<1x128x16xf32, #tpu.memory_space<hbm>>
    %dma_start3A_1214 = tpu.memref_squeeze %dma_start3A_1213 : memref<1x128x16xf32, #tpu.memory_space<hbm>> -> memref<128x16xf32, #tpu.memory_space<hbm>>
    %dma_start3A_1215 = arith.constant 0 : i32
    %dma_start3A_1216 = tpu.memref_slice %arg3[%arg0, %add3A_1208, %dma_start3A_1215] : memref<2x10240x16xf32, #tpu.memory_space<hbm>> -> memref<1x128x16xf32, #tpu.memory_space<hbm>>
    %dma_start3A_1217 = tpu.memref_squeeze %dma_start3A_1216 : memref<1x128x16xf32, #tpu.memory_space<hbm>> -> memref<128x16xf32, #tpu.memory_space<hbm>>
    %dma_start3A_1218 = arith.constant 0 : i32
    %dma_start3A_1219 = arith.constant 0 : i32
    %dma_start3A_1220 = tpu.memref_slice %arg6[%dma_start3A_1218, %dma_start3A_1219] : memref<640x16xf32, #tpu.memory_space<vmem>> -> memref<128x16xf32, #tpu.memory_space<vmem>>
    tpu.enqueue_dma source(%dma_start3A_1220 : memref<128x16xf32, #tpu.memory_space<vmem>>) target(%dma_start3A_1217 : memref<128x16xf32, #tpu.memory_space<hbm>>) target_semaphore(%arg9 : memref<!tpu.dma_semaphore, #tpu.memory_space<semaphore_mem>>)
    %mul3A_1221 = arith.constant 640 : i32
    %mul3A_1222 = arith.muli %arg1, %mul3A_1221 : i32
    %add3A_1223 = arith.constant 128 : i32
    %add3A_1224 = arith.addi %mul3A_1222, %add3A_1223 : i32
    %dma_start3A_1225 = arith.constant 128 : i32
    %dma_start3A_1226 = arith.constant 0 : i32
    %dma_start3A_1227 = tpu.memref_slice %arg6[%dma_start3A_1225, %dma_start3A_1226] : memref<640x16xf32, #tpu.memory_space<vmem>> -> memref<128x16xf32, #tpu.memory_space<vmem>>
    %dma_start3A_1228 = arith.constant 0 : i32
    %dma_start3A_1229 = tpu.memref_slice %arg3[%arg0, %add3A_1224, %dma_start3A_1228] : memref<2x10240x16xf32, #tpu.memory_space<hbm>> -> memref<1x128x16xf32, #tpu.memory_space<hbm>>
    %dma_start3A_1230 = tpu.memref_squeeze %dma_start3A_1229 : memref<1x128x16xf32, #tpu.memory_space<hbm>> -> memref<128x16xf32, #tpu.memory_space<hbm>>
    %dma_start3A_1231 = arith.constant 0 : i32
    %dma_start3A_1232 = tpu.memref_slice %arg3[%arg0, %add3A_1224, %dma_start3A_1231] : memref<2x10240x16xf32, #tpu.memory_space<hbm>> -> memref<1x128x16xf32, #tpu.memory_space<hbm>>
    %dma_start3A_1233 = tpu.memref_squeeze %dma_start3A_1232 : memref<1x128x16xf32, #tpu.memory_space<hbm>> -> memref<128x16xf32, #tpu.memory_space<hbm>>
    %dma_start3A_1234 = arith.constant 128 : i32
    %dma_start3A_1235 = arith.constant 0 : i32
    %dma_start3A_1236 = tpu.memref_slice %arg6[%dma_start3A_1234, %dma_start3A_1235] : memref<640x16xf32, #tpu.memory_space<vmem>> -> memref<128x16xf32, #tpu.memory_space<vmem>>
    tpu.enqueue_dma source(%dma_start3A_1236 : memref<128x16xf32, #tpu.memory_space<vmem>>) target(%dma_start3A_1233 : memref<128x16xf32, #tpu.memory_space<hbm>>) target_semaphore(%arg9 : memref<!tpu.dma_semaphore, #tpu.memory_space<semaphore_mem>>)
    %mul3A_1237 = arith.constant 640 : i32
    %mul3A_1238 = arith.muli %arg1, %mul3A_1237 : i32
    %add3A_1239 = arith.constant 256 : i32
    %add3A_1240 = arith.addi %mul3A_1238, %add3A_1239 : i32
    %dma_start3A_1241 = arith.constant 256 : i32
    %dma_start3A_1242 = arith.constant 0 : i32
    %dma_start3A_1243 = tpu.memref_slice %arg6[%dma_start3A_1241, %dma_start3A_1242] : memref<640x16xf32, #tpu.memory_space<vmem>> -> memref<128x16xf32, #tpu.memory_space<vmem>>
    %dma_start3A_1244 = arith.constant 0 : i32
    %dma_start3A_1245 = tpu.memref_slice %arg3[%arg0, %add3A_1240, %dma_start3A_1244] : memref<2x10240x16xf32, #tpu.memory_space<hbm>> -> memref<1x128x16xf32, #tpu.memory_space<hbm>>
    %dma_start3A_1246 = tpu.memref_squeeze %dma_start3A_1245 : memref<1x128x16xf32, #tpu.memory_space<hbm>> -> memref<128x16xf32, #tpu.memory_space<hbm>>
    %dma_start3A_1247 = arith.constant 0 : i32
    %dma_start3A_1248 = tpu.memref_slice %arg3[%arg0, %add3A_1240, %dma_start3A_1247] : memref<2x10240x16xf32, #tpu.memory_space<hbm>> -> memref<1x128x16xf32, #tpu.memory_space<hbm>>
    %dma_start3A_1249 = tpu.memref_squeeze %dma_start3A_1248 : memref<1x128x16xf32, #tpu.memory_space<hbm>> -> memref<128x16xf32, #tpu.memory_space<hbm>>
    %dma_start3A_1250 = arith.constant 256 : i32
    %dma_start3A_1251 = arith.constant 0 : i32
    %dma_start3A_1252 = tpu.memref_slice %arg6[%dma_start3A_1250, %dma_start3A_1251] : memref<640x16xf32, #tpu.memory_space<vmem>> -> memref<128x16xf32, #tpu.memory_space<vmem>>
    tpu.enqueue_dma source(%dma_start3A_1252 : memref<128x16xf32, #tpu.memory_space<vmem>>) target(%dma_start3A_1249 : memref<128x16xf32, #tpu.memory_space<hbm>>) target_semaphore(%arg9 : memref<!tpu.dma_semaphore, #tpu.memory_space<semaphore_mem>>)
    %mul3A_1253 = arith.constant 640 : i32
    %mul3A_1254 = arith.muli %arg1, %mul3A_1253 : i32
    %add3A_1255 = arith.constant 384 : i32
    %add3A_1256 = arith.addi %mul3A_1254, %add3A_1255 : i32
    %dma_start3A_1257 = arith.constant 384 : i32
    %dma_start3A_1258 = arith.constant 0 : i32
    %dma_start3A_1259 = tpu.memref_slice %arg6[%dma_start3A_1257, %dma_start3A_1258] : memref<640x16xf32, #tpu.memory_space<vmem>> -> memref<128x16xf32, #tpu.memory_space<vmem>>
    %dma_start3A_1260 = arith.constant 0 : i32
    %dma_start3A_1261 = tpu.memref_slice %arg3[%arg0, %add3A_1256, %dma_start3A_1260] : memref<2x10240x16xf32, #tpu.memory_space<hbm>> -> memref<1x128x16xf32, #tpu.memory_space<hbm>>
    %dma_start3A_1262 = tpu.memref_squeeze %dma_start3A_1261 : memref<1x128x16xf32, #tpu.memory_space<hbm>> -> memref<128x16xf32, #tpu.memory_space<hbm>>
    %dma_start3A_1263 = arith.constant 0 : i32
    %dma_start3A_1264 = tpu.memref_slice %arg3[%arg0, %add3A_1256, %dma_start3A_1263] : memref<2x10240x16xf32, #tpu.memory_space<hbm>> -> memref<1x128x16xf32, #tpu.memory_space<hbm>>
    %dma_start3A_1265 = tpu.memref_squeeze %dma_start3A_1264 : memref<1x128x16xf32, #tpu.memory_space<hbm>> -> memref<128x16xf32, #tpu.memory_space<hbm>>
    %dma_start3A_1266 = arith.constant 384 : i32
    %dma_start3A_1267 = arith.constant 0 : i32
    %dma_start3A_1268 = tpu.memref_slice %arg6[%dma_start3A_1266, %dma_start3A_1267] : memref<640x16xf32, #tpu.memory_space<vmem>> -> memref<128x16xf32, #tpu.memory_space<vmem>>
    tpu.enqueue_dma source(%dma_start3A_1268 : memref<128x16xf32, #tpu.memory_space<vmem>>) target(%dma_start3A_1265 : memref<128x16xf32, #tpu.memory_space<hbm>>) target_semaphore(%arg9 : memref<!tpu.dma_semaphore, #tpu.memory_space<semaphore_mem>>)
    %mul3A_1269 = arith.constant 640 : i32
    %mul3A_1270 = arith.muli %arg1, %mul3A_1269 : i32
    %add3A_1271 = arith.constant 512 : i32
    %add3A_1272 = arith.addi %mul3A_1270, %add3A_1271 : i32
    %dma_start3A_1273 = arith.constant 512 : i32
    %dma_start3A_1274 = arith.constant 0 : i32
    %dma_start3A_1275 = tpu.memref_slice %arg6[%dma_start3A_1273, %dma_start3A_1274] : memref<640x16xf32, #tpu.memory_space<vmem>> -> memref<128x16xf32, #tpu.memory_space<vmem>>
    %dma_start3A_1276 = arith.constant 0 : i32
    %dma_start3A_1277 = tpu.memref_slice %arg3[%arg0, %add3A_1272, %dma_start3A_1276] : memref<2x10240x16xf32, #tpu.memory_space<hbm>> -> memref<1x128x16xf32, #tpu.memory_space<hbm>>
    %dma_start3A_1278 = tpu.memref_squeeze %dma_start3A_1277 : memref<1x128x16xf32, #tpu.memory_space<hbm>> -> memref<128x16xf32, #tpu.memory_space<hbm>>
    %dma_start3A_1279 = arith.constant 0 : i32
    %dma_start3A_1280 = tpu.memref_slice %arg3[%arg0, %add3A_1272, %dma_start3A_1279] : memref<2x10240x16xf32, #tpu.memory_space<hbm>> -> memref<1x128x16xf32, #tpu.memory_space<hbm>>
    %dma_start3A_1281 = tpu.memref_squeeze %dma_start3A_1280 : memref<1x128x16xf32, #tpu.memory_space<hbm>> -> memref<128x16xf32, #tpu.memory_space<hbm>>
    %dma_start3A_1282 = arith.constant 512 : i32
    %dma_start3A_1283 = arith.constant 0 : i32
    %dma_start3A_1284 = tpu.memref_slice %arg6[%dma_start3A_1282, %dma_start3A_1283] : memref<640x16xf32, #tpu.memory_space<vmem>> -> memref<128x16xf32, #tpu.memory_space<vmem>>
    tpu.enqueue_dma source(%dma_start3A_1284 : memref<128x16xf32, #tpu.memory_space<vmem>>) target(%dma_start3A_1281 : memref<128x16xf32, #tpu.memory_space<hbm>>) target_semaphore(%arg9 : memref<!tpu.dma_semaphore, #tpu.memory_space<semaphore_mem>>)
    %dma_wait3A_1285 = arith.constant 0 : i32
    %dma_wait3A_1286 = arith.constant 0 : i32
    %dma_wait3A_1287 = tpu.memref_slice %arg3[%arg0, %dma_wait3A_1285, %dma_wait3A_1286] : memref<2x10240x16xf32, #tpu.memory_space<hbm>> -> memref<1x640x16xf32, #tpu.memory_space<hbm>>
    %dma_wait3A_1288 = tpu.memref_squeeze %dma_wait3A_1287 : memref<1x640x16xf32, #tpu.memory_space<hbm>> -> memref<640x16xf32, #tpu.memory_space<hbm>>
    %dma_wait3A_1289 = arith.constant 0 : i32
    %dma_wait3A_1290 = arith.constant 0 : i32
    %dma_wait3A_1291 = tpu.memref_slice %arg3[%arg0, %dma_wait3A_1289, %dma_wait3A_1290] : memref<2x10240x16xf32, #tpu.memory_space<hbm>> -> memref<1x640x16xf32, #tpu.memory_space<hbm>>
    %dma_wait3A_1292 = tpu.memref_squeeze %dma_wait3A_1291 : memref<1x640x16xf32, #tpu.memory_space<hbm>> -> memref<640x16xf32, #tpu.memory_space<hbm>>
    tpu.wait_dma2 semaphore(%arg9 : memref<!tpu.dma_semaphore, #tpu.memory_space<semaphore_mem>>) src(%dma_wait3A_1292 : memref<640x16xf32, #tpu.memory_space<hbm>>) dst(%arg6 : memref<640x16xf32, #tpu.memory_space<vmem>>)
    return
  }
}

module attributes {stable_mosaic.version = 14 : i64} {
  func.func @mm_body(%arg0: memref<1250x8x256xf32, #tpu.memory_space<vmem>>, %arg1: memref<2048x128xf32, #tpu.memory_space<vmem>>, %arg2: memref<1250x128xf32, #tpu.memory_space<vmem>>) attributes {dimension_semantics = [], scalar_prefetch = 0 : i64, scratch_operands = 0 : i64, tpu.core_type = #tpu.core_type<tc>} {
    %get3A = arith.constant 0 : index
    %get3A_0 = arith.constant 0 : index
    %get3A_1 = arith.constant 0 : index
    %get3A_2 = vector.load %arg0[%get3A, %get3A_0, %get3A_1] : memref<1250x8x256xf32, #tpu.memory_space<vmem>>, vector<1250x1x256xf32>
    %get3A_3 = vector.shape_cast %get3A_2 : vector<1250x1x256xf32> to vector<1250x256xf32>
    %get3A_4 = arith.constant 0 : index
    %get3A_5 = arith.constant 0 : index
    %get3A_6 = vector.load %arg1[%get3A_4, %get3A_5] : memref<2048x128xf32, #tpu.memory_space<vmem>>, vector<256x128xf32>
    %dot_general3A = arith.constant dense<0.000000e+00> : vector<1250x128xf32>
    %dot_general3A_7 = tpu.matmul %get3A_3, %get3A_6, %dot_general3A {dimension_numbers = #tpu.dot_dimension_numbers<[1], [0], [0], [1], [0, 0, 1, 1], [], []>, transpose_lhs_hint = false} : vector<1250x256xf32>, vector<256x128xf32>, vector<1250x128xf32> -> vector<1250x128xf32>
    %get3A_8 = arith.constant 0 : index
    %get3A_9 = arith.constant 1 : index
    %get3A_10 = arith.constant 0 : index
    %get3A_11 = vector.load %arg0[%get3A_8, %get3A_9, %get3A_10] : memref<1250x8x256xf32, #tpu.memory_space<vmem>>, vector<1250x1x256xf32>
    %get3A_12 = vector.shape_cast %get3A_11 : vector<1250x1x256xf32> to vector<1250x256xf32>
    %get3A_13 = arith.constant 256 : index
    %get3A_14 = arith.constant 0 : index
    %get3A_15 = vector.load %arg1[%get3A_13, %get3A_14] : memref<2048x128xf32, #tpu.memory_space<vmem>>, vector<256x128xf32>
    %dot_general3A_16 = arith.constant dense<0.000000e+00> : vector<1250x128xf32>
    %dot_general3A_17 = tpu.matmul %get3A_12, %get3A_15, %dot_general3A_16 {dimension_numbers = #tpu.dot_dimension_numbers<[1], [0], [0], [1], [0, 0, 1, 1], [], []>, transpose_lhs_hint = false} : vector<1250x256xf32>, vector<256x128xf32>, vector<1250x128xf32> -> vector<1250x128xf32>
    %add3A = arith.addf %dot_general3A_7, %dot_general3A_17 : vector<1250x128xf32>
    %get3A_18 = arith.constant 0 : index
    %get3A_19 = arith.constant 2 : index
    %get3A_20 = arith.constant 0 : index
    %get3A_21 = vector.load %arg0[%get3A_18, %get3A_19, %get3A_20] : memref<1250x8x256xf32, #tpu.memory_space<vmem>>, vector<1250x1x256xf32>
    %get3A_22 = vector.shape_cast %get3A_21 : vector<1250x1x256xf32> to vector<1250x256xf32>
    %get3A_23 = arith.constant 512 : index
    %get3A_24 = arith.constant 0 : index
    %get3A_25 = vector.load %arg1[%get3A_23, %get3A_24] : memref<2048x128xf32, #tpu.memory_space<vmem>>, vector<256x128xf32>
    %dot_general3A_26 = arith.constant dense<0.000000e+00> : vector<1250x128xf32>
    %dot_general3A_27 = tpu.matmul %get3A_22, %get3A_25, %dot_general3A_26 {dimension_numbers = #tpu.dot_dimension_numbers<[1], [0], [0], [1], [0, 0, 1, 1], [], []>, transpose_lhs_hint = false} : vector<1250x256xf32>, vector<256x128xf32>, vector<1250x128xf32> -> vector<1250x128xf32>
    %add3A_28 = arith.addf %add3A, %dot_general3A_27 : vector<1250x128xf32>
    %get3A_29 = arith.constant 0 : index
    %get3A_30 = arith.constant 3 : index
    %get3A_31 = arith.constant 0 : index
    %get3A_32 = vector.load %arg0[%get3A_29, %get3A_30, %get3A_31] : memref<1250x8x256xf32, #tpu.memory_space<vmem>>, vector<1250x1x256xf32>
    %get3A_33 = vector.shape_cast %get3A_32 : vector<1250x1x256xf32> to vector<1250x256xf32>
    %get3A_34 = arith.constant 768 : index
    %get3A_35 = arith.constant 0 : index
    %get3A_36 = vector.load %arg1[%get3A_34, %get3A_35] : memref<2048x128xf32, #tpu.memory_space<vmem>>, vector<256x128xf32>
    %dot_general3A_37 = arith.constant dense<0.000000e+00> : vector<1250x128xf32>
    %dot_general3A_38 = tpu.matmul %get3A_33, %get3A_36, %dot_general3A_37 {dimension_numbers = #tpu.dot_dimension_numbers<[1], [0], [0], [1], [0, 0, 1, 1], [], []>, transpose_lhs_hint = false} : vector<1250x256xf32>, vector<256x128xf32>, vector<1250x128xf32> -> vector<1250x128xf32>
    %add3A_39 = arith.addf %add3A_28, %dot_general3A_38 : vector<1250x128xf32>
    %get3A_40 = arith.constant 0 : index
    %get3A_41 = arith.constant 4 : index
    %get3A_42 = arith.constant 0 : index
    %get3A_43 = vector.load %arg0[%get3A_40, %get3A_41, %get3A_42] : memref<1250x8x256xf32, #tpu.memory_space<vmem>>, vector<1250x1x256xf32>
    %get3A_44 = vector.shape_cast %get3A_43 : vector<1250x1x256xf32> to vector<1250x256xf32>
    %get3A_45 = arith.constant 1024 : index
    %get3A_46 = arith.constant 0 : index
    %get3A_47 = vector.load %arg1[%get3A_45, %get3A_46] : memref<2048x128xf32, #tpu.memory_space<vmem>>, vector<256x128xf32>
    %dot_general3A_48 = arith.constant dense<0.000000e+00> : vector<1250x128xf32>
    %dot_general3A_49 = tpu.matmul %get3A_44, %get3A_47, %dot_general3A_48 {dimension_numbers = #tpu.dot_dimension_numbers<[1], [0], [0], [1], [0, 0, 1, 1], [], []>, transpose_lhs_hint = false} : vector<1250x256xf32>, vector<256x128xf32>, vector<1250x128xf32> -> vector<1250x128xf32>
    %add3A_50 = arith.addf %add3A_39, %dot_general3A_49 : vector<1250x128xf32>
    %get3A_51 = arith.constant 0 : index
    %get3A_52 = arith.constant 5 : index
    %get3A_53 = arith.constant 0 : index
    %get3A_54 = vector.load %arg0[%get3A_51, %get3A_52, %get3A_53] : memref<1250x8x256xf32, #tpu.memory_space<vmem>>, vector<1250x1x256xf32>
    %get3A_55 = vector.shape_cast %get3A_54 : vector<1250x1x256xf32> to vector<1250x256xf32>
    %get3A_56 = arith.constant 1280 : index
    %get3A_57 = arith.constant 0 : index
    %get3A_58 = vector.load %arg1[%get3A_56, %get3A_57] : memref<2048x128xf32, #tpu.memory_space<vmem>>, vector<256x128xf32>
    %dot_general3A_59 = arith.constant dense<0.000000e+00> : vector<1250x128xf32>
    %dot_general3A_60 = tpu.matmul %get3A_55, %get3A_58, %dot_general3A_59 {dimension_numbers = #tpu.dot_dimension_numbers<[1], [0], [0], [1], [0, 0, 1, 1], [], []>, transpose_lhs_hint = false} : vector<1250x256xf32>, vector<256x128xf32>, vector<1250x128xf32> -> vector<1250x128xf32>
    %add3A_61 = arith.addf %add3A_50, %dot_general3A_60 : vector<1250x128xf32>
    %get3A_62 = arith.constant 0 : index
    %get3A_63 = arith.constant 6 : index
    %get3A_64 = arith.constant 0 : index
    %get3A_65 = vector.load %arg0[%get3A_62, %get3A_63, %get3A_64] : memref<1250x8x256xf32, #tpu.memory_space<vmem>>, vector<1250x1x256xf32>
    %get3A_66 = vector.shape_cast %get3A_65 : vector<1250x1x256xf32> to vector<1250x256xf32>
    %get3A_67 = arith.constant 1536 : index
    %get3A_68 = arith.constant 0 : index
    %get3A_69 = vector.load %arg1[%get3A_67, %get3A_68] : memref<2048x128xf32, #tpu.memory_space<vmem>>, vector<256x128xf32>
    %dot_general3A_70 = arith.constant dense<0.000000e+00> : vector<1250x128xf32>
    %dot_general3A_71 = tpu.matmul %get3A_66, %get3A_69, %dot_general3A_70 {dimension_numbers = #tpu.dot_dimension_numbers<[1], [0], [0], [1], [0, 0, 1, 1], [], []>, transpose_lhs_hint = false} : vector<1250x256xf32>, vector<256x128xf32>, vector<1250x128xf32> -> vector<1250x128xf32>
    %add3A_72 = arith.addf %add3A_61, %dot_general3A_71 : vector<1250x128xf32>
    %get3A_73 = arith.constant 0 : index
    %get3A_74 = arith.constant 7 : index
    %get3A_75 = arith.constant 0 : index
    %get3A_76 = vector.load %arg0[%get3A_73, %get3A_74, %get3A_75] : memref<1250x8x256xf32, #tpu.memory_space<vmem>>, vector<1250x1x256xf32>
    %get3A_77 = vector.shape_cast %get3A_76 : vector<1250x1x256xf32> to vector<1250x256xf32>
    %get3A_78 = arith.constant 1792 : index
    %get3A_79 = arith.constant 0 : index
    %get3A_80 = vector.load %arg1[%get3A_78, %get3A_79] : memref<2048x128xf32, #tpu.memory_space<vmem>>, vector<256x128xf32>
    %dot_general3A_81 = arith.constant dense<0.000000e+00> : vector<1250x128xf32>
    %dot_general3A_82 = tpu.matmul %get3A_77, %get3A_80, %dot_general3A_81 {dimension_numbers = #tpu.dot_dimension_numbers<[1], [0], [0], [1], [0, 0, 1, 1], [], []>, transpose_lhs_hint = false} : vector<1250x256xf32>, vector<256x128xf32>, vector<1250x128xf32> -> vector<1250x128xf32>
    %add3A_83 = arith.addf %add3A_72, %dot_general3A_82 : vector<1250x128xf32>
    %swap3A = arith.constant 0 : index
    %swap3A_84 = arith.constant 0 : index
    %swap3A_85 = vector.load %arg2[%swap3A, %swap3A_84] : memref<1250x128xf32, #tpu.memory_space<vmem>>, vector<1250x128xf32>
    tpu.vector_store %arg2[%swap3A, %swap3A_84], %add3A_83 {strides = array<i32>} : memref<1250x128xf32, #tpu.memory_space<vmem>>, vector<1250x128xf32>,
    return
  }
}

module attributes {stable_mosaic.version = 14 : i64} {
  func.func @sc_body(%arg0: memref<1250x128xf32, #tpu.memory_space<vmem>>, %arg1: memref<2560x128xf32, #tpu.memory_space<vmem>>, %arg2: memref<1250x128xf32, #tpu.memory_space<vmem>>, %arg3: memref<1250x128xf32, #tpu.memory_space<vmem>>) attributes {dimension_semantics = [], scalar_prefetch = 0 : i64, scratch_operands = 0 : i64, tpu.core_type = #tpu.core_type<tc>} {
    %get3A = arith.constant 0 : index
    %get3A_0 = arith.constant 0 : index
    %get3A_1 = vector.load %arg1[%get3A, %get3A_0] : memref<2560x128xf32, #tpu.memory_space<vmem>>, vector<2560x128xf32>
    %slice3A = vector.extract_strided_slice %get3A_1 {offsets = [0, 0], sizes = [1250, 128], strides = [1, 1]} : vector<2560x128xf32> to vector<1250x128xf32>
    %add3A = arith.constant 1.000000e+00 : f32
    %add3A_2 = vector.broadcast %add3A : f32 to vector<1250x128xf32>
    %add3A_3 = arith.addf %add3A_2, %slice3A : vector<1250x128xf32>
    %slice3A_4 = vector.extract_strided_slice %get3A_1 {offsets = [1280, 0], sizes = [1250, 128], strides = [1, 1]} : vector<2560x128xf32> to vector<1250x128xf32>
    %add3A_5 = arith.addf %add3A_3, %slice3A_4 : vector<1250x128xf32>
    %rsqrt3A = math.rsqrt %add3A_5 : vector<1250x128xf32>
    %get3A_6 = arith.constant 0 : index
    %get3A_7 = arith.constant 0 : index
    %get3A_8 = vector.load %arg0[%get3A_6, %get3A_7] : memref<1250x128xf32, #tpu.memory_space<vmem>>, vector<1250x128xf32>
    %mul3A = arith.mulf %get3A_8, %rsqrt3A : vector<1250x128xf32>
    %swap3A = arith.constant 0 : index
    %swap3A_9 = arith.constant 0 : index
    %swap3A_10 = vector.load %arg2[%swap3A, %swap3A_9] : memref<1250x128xf32, #tpu.memory_space<vmem>>, vector<1250x128xf32>
    tpu.vector_store %arg2[%swap3A, %swap3A_9], %mul3A {strides = array<i32>} : memref<1250x128xf32, #tpu.memory_space<vmem>>, vector<1250x128xf32>,
    %swap3A_11 = arith.constant 0 : index
    %swap3A_12 = arith.constant 0 : index
    %swap3A_13 = vector.load %arg3[%swap3A_11, %swap3A_12] : memref<1250x128xf32, #tpu.memory_space<vmem>>, vector<1250x128xf32>
    tpu.vector_store %arg3[%swap3A_11, %swap3A_12], %rsqrt3A {strides = array<i32>} : memref<1250x128xf32, #tpu.memory_space<vmem>>, vector<1250x128xf32>,
    return
  }
}

module attributes {stable_mosaic.version = 14 : i64} {
  func.func @body(%arg0: memref<2560x128xf32, #tpu.memory_space<vmem>>, %arg1: memref<1250x128xf32, #tpu.memory_space<vmem>>, %arg2: memref<1250x128xf32, #tpu.memory_space<vmem>>, %arg3: memref<1x128xf32, #tpu.memory_space<vmem>>, %arg4: memref<128x128xf32, #tpu.memory_space<vmem>>, %arg5: memref<1250x128xf32, #tpu.memory_space<vmem>>) attributes {dimension_semantics = [], scalar_prefetch = 0 : i64, scratch_operands = 0 : i64, tpu.core_type = #tpu.core_type<tc>} {
    %get3A = arith.constant 0 : index
    %get3A_0 = arith.constant 0 : index
    %get3A_1 = vector.load %arg0[%get3A, %get3A_0] : memref<2560x128xf32, #tpu.memory_space<vmem>>, vector<2560x128xf32>
    %get3A_2 = arith.constant 0 : index
    %get3A_3 = arith.constant 0 : index
    %get3A_4 = vector.load %arg2[%get3A_2, %get3A_3] : memref<1250x128xf32, #tpu.memory_space<vmem>>, vector<1250x128xf32>
    %slice3A = vector.extract_strided_slice %get3A_1 {offsets = [0, 0], sizes = [1250, 128], strides = [1, 1]} : vector<2560x128xf32> to vector<1250x128xf32>
    %slice3A_5 = vector.extract_strided_slice %get3A_1 {offsets = [1280, 0], sizes = [1250, 128], strides = [1, 1]} : vector<2560x128xf32> to vector<1250x128xf32>
    %add3A = arith.addf %slice3A, %slice3A_5 : vector<1250x128xf32>
    %get3A_6 = arith.constant 0 : index
    %get3A_7 = arith.constant 0 : index
    %get3A_8 = vector.load %arg1[%get3A_6, %get3A_7] : memref<1250x128xf32, #tpu.memory_space<vmem>>, vector<1250x128xf32>
    %add3A_9 = arith.addf %add3A, %get3A_8 : vector<1250x128xf32>
    %mul3A = arith.mulf %get3A_4, %add3A_9 : vector<1250x128xf32>
    %get3A_10 = arith.constant 0 : index
    %get3A_11 = arith.constant 0 : index
    %get3A_12 = vector.load %arg3[%get3A_10, %get3A_11] : memref<1x128xf32, #tpu.memory_space<vmem>>, vector<1x128xf32>
    %add3A_13 = vector.broadcast %get3A_12 : vector<1x128xf32> to vector<1250x128xf32>
    %add3A_14 = arith.addf %mul3A, %add3A_13 : vector<1250x128xf32>
    %max3A = arith.constant 0.000000e+00 : f32
    %max3A_15 = vector.broadcast %max3A : f32 to vector<1250x128xf32>
    %max3A_16 = arith.maximumf %add3A_14, %max3A_15 : vector<1250x128xf32>
    %get3A_17 = arith.constant 0 : index
    %get3A_18 = arith.constant 0 : index
    %get3A_19 = vector.load %arg4[%get3A_17, %get3A_18] : memref<128x128xf32, #tpu.memory_space<vmem>>, vector<128x128xf32>
    %dot_general3A = arith.constant dense<0.000000e+00> : vector<1250x128xf32>
    %dot_general3A_20 = tpu.matmul %max3A_16, %get3A_19, %dot_general3A {dimension_numbers = #tpu.dot_dimension_numbers<[1], [0], [0], [1], [0, 0, 1, 1], [], []>, transpose_lhs_hint = false} : vector<1250x128xf32>, vector<128x128xf32>, vector<1250x128xf32> -> vector<1250x128xf32>
    %mul3A_21 = arith.mulf %get3A_4, %dot_general3A_20 : vector<1250x128xf32>
    %swap3A = arith.constant 0 : index
    %swap3A_22 = arith.constant 0 : index
    %swap3A_23 = vector.load %arg5[%swap3A, %swap3A_22] : memref<1250x128xf32, #tpu.memory_space<vmem>>, vector<1250x128xf32>
    tpu.vector_store %arg5[%swap3A, %swap3A_22], %mul3A_21 {strides = array<i32>} : memref<1250x128xf32, #tpu.memory_space<vmem>>, vector<1250x128xf32>,
    return
  }
}

module attributes {stable_mosaic.version = 14 : i64} {
  func.func @body(%arg0: memref<2560x128xf32, #tpu.memory_space<vmem>>, %arg1: memref<1250x128xf32, #tpu.memory_space<vmem>>, %arg2: memref<1250x128xf32, #tpu.memory_space<vmem>>, %arg3: memref<1x128xf32, #tpu.memory_space<vmem>>, %arg4: memref<128x128xf32, #tpu.memory_space<vmem>>, %arg5: memref<128x128xf32, #tpu.memory_space<vmem>>, %arg6: memref<1250x8x16xf32, #tpu.memory_space<vmem>>) attributes {dimension_semantics = [], scalar_prefetch = 0 : i64, scratch_operands = 0 : i64, tpu.core_type = #tpu.core_type<tc>} {
    %get3A = arith.constant 0 : index
    %get3A_0 = arith.constant 0 : index
    %get3A_1 = vector.load %arg0[%get3A, %get3A_0] : memref<2560x128xf32, #tpu.memory_space<vmem>>, vector<2560x128xf32>
    %get3A_2 = arith.constant 0 : index
    %get3A_3 = arith.constant 0 : index
    %get3A_4 = vector.load %arg2[%get3A_2, %get3A_3] : memref<1250x128xf32, #tpu.memory_space<vmem>>, vector<1250x128xf32>
    %slice3A = vector.extract_strided_slice %get3A_1 {offsets = [0, 0], sizes = [1250, 128], strides = [1, 1]} : vector<2560x128xf32> to vector<1250x128xf32>
    %slice3A_5 = vector.extract_strided_slice %get3A_1 {offsets = [1280, 0], sizes = [1250, 128], strides = [1, 1]} : vector<2560x128xf32> to vector<1250x128xf32>
    %add3A = arith.addf %slice3A, %slice3A_5 : vector<1250x128xf32>
    %get3A_6 = arith.constant 0 : index
    %get3A_7 = arith.constant 0 : index
    %get3A_8 = vector.load %arg1[%get3A_6, %get3A_7] : memref<1250x128xf32, #tpu.memory_space<vmem>>, vector<1250x128xf32>
    %add3A_9 = arith.addf %add3A, %get3A_8 : vector<1250x128xf32>
    %mul3A = arith.mulf %get3A_4, %add3A_9 : vector<1250x128xf32>
    %get3A_10 = arith.constant 0 : index
    %get3A_11 = arith.constant 0 : index
    %get3A_12 = vector.load %arg3[%get3A_10, %get3A_11] : memref<1x128xf32, #tpu.memory_space<vmem>>, vector<1x128xf32>
    %add3A_13 = vector.broadcast %get3A_12 : vector<1x128xf32> to vector<1250x128xf32>
    %add3A_14 = arith.addf %mul3A, %add3A_13 : vector<1250x128xf32>
    %exp3A = math.exp %add3A_14 : vector<1250x128xf32>
    %get3A_15 = arith.constant 0 : index
    %get3A_16 = arith.constant 0 : index
    %get3A_17 = vector.load %arg4[%get3A_15, %get3A_16] : memref<128x128xf32, #tpu.memory_space<vmem>>, vector<128x128xf32>
    %dot_general3A = arith.constant dense<0.000000e+00> : vector<1250x128xf32>
    %dot_general3A_18 = tpu.matmul %exp3A, %get3A_17, %dot_general3A {dimension_numbers = #tpu.dot_dimension_numbers<[1], [0], [0], [1], [0, 0, 1, 1], [], []>, transpose_lhs_hint = false} : vector<1250x128xf32>, vector<128x128xf32>, vector<1250x128xf32> -> vector<1250x128xf32>
    %log3A = math.log %dot_general3A_18 : vector<1250x128xf32>
    %sub3A = arith.subf %add3A_14, %log3A : vector<1250x128xf32>
    %get3A_19 = arith.constant 0 : index
    %get3A_20 = arith.constant 0 : index
    %get3A_21 = vector.load %arg5[%get3A_19, %get3A_20] : memref<128x128xf32, #tpu.memory_space<vmem>>, vector<128x128xf32>
    %slice3A_22 = vector.extract_strided_slice %get3A_21 {offsets = [0, 0], sizes = [128, 16], strides = [1, 1]} : vector<128x128xf32> to vector<128x16xf32>
    %dot_general3A_23 = arith.constant dense<0.000000e+00> : vector<1250x16xf32>
    %dot_general3A_24 = tpu.matmul %sub3A, %slice3A_22, %dot_general3A_23 {dimension_numbers = #tpu.dot_dimension_numbers<[1], [0], [0], [1], [0, 0, 1, 1], [], []>, transpose_lhs_hint = false} : vector<1250x128xf32>, vector<128x16xf32>, vector<1250x16xf32> -> vector<1250x16xf32>
    %swap3A = arith.constant 0 : index
    %swap3A_25 = arith.constant 0 : index
    %swap3A_26 = arith.constant 0 : index
    %swap3A_27 = vector.load %arg6[%swap3A, %swap3A_25, %swap3A_26] : memref<1250x8x16xf32, #tpu.memory_space<vmem>>, vector<1250x1x16xf32>
    %swap3A_28 = vector.shape_cast %swap3A_27 : vector<1250x1x16xf32> to vector<1250x16xf32>
    %swap3A_29 = vector.shape_cast %dot_general3A_24 : vector<1250x16xf32> to vector<1250x1x16xf32>
    tpu.vector_store %arg6[%swap3A, %swap3A_25, %swap3A_26], %swap3A_29 {strides = array<i32>} : memref<1250x8x16xf32, #tpu.memory_space<vmem>>, vector<1250x1x16xf32>,
    %slice3A_30 = vector.extract_strided_slice %get3A_21 {offsets = [0, 16], sizes = [128, 16], strides = [1, 1]} : vector<128x128xf32> to vector<128x16xf32>
    %dot_general3A_31 = arith.constant dense<0.000000e+00> : vector<1250x16xf32>
    %dot_general3A_32 = tpu.matmul %sub3A, %slice3A_30, %dot_general3A_31 {dimension_numbers = #tpu.dot_dimension_numbers<[1], [0], [0], [1], [0, 0, 1, 1], [], []>, transpose_lhs_hint = false} : vector<1250x128xf32>, vector<128x16xf32>, vector<1250x16xf32> -> vector<1250x16xf32>
    %swap3A_33 = arith.constant 0 : index
    %swap3A_34 = arith.constant 1 : index
    %swap3A_35 = arith.constant 0 : index
    %swap3A_36 = vector.load %arg6[%swap3A_33, %swap3A_34, %swap3A_35] : memref<1250x8x16xf32, #tpu.memory_space<vmem>>, vector<1250x1x16xf32>
    %swap3A_37 = vector.shape_cast %swap3A_36 : vector<1250x1x16xf32> to vector<1250x16xf32>
    %swap3A_38 = vector.shape_cast %dot_general3A_32 : vector<1250x16xf32> to vector<1250x1x16xf32>
    tpu.vector_store %arg6[%swap3A_33, %swap3A_34, %swap3A_35], %swap3A_38 {strides = array<i32>} : memref<1250x8x16xf32, #tpu.memory_space<vmem>>, vector<1250x1x16xf32>,
    %slice3A_39 = vector.extract_strided_slice %get3A_21 {offsets = [0, 32], sizes = [128, 16], strides = [1, 1]} : vector<128x128xf32> to vector<128x16xf32>
    %dot_general3A_40 = arith.constant dense<0.000000e+00> : vector<1250x16xf32>
    %dot_general3A_41 = tpu.matmul %sub3A, %slice3A_39, %dot_general3A_40 {dimension_numbers = #tpu.dot_dimension_numbers<[1], [0], [0], [1], [0, 0, 1, 1], [], []>, transpose_lhs_hint = false} : vector<1250x128xf32>, vector<128x16xf32>, vector<1250x16xf32> -> vector<1250x16xf32>
    %swap3A_42 = arith.constant 0 : index
    %swap3A_43 = arith.constant 2 : index
    %swap3A_44 = arith.constant 0 : index
    %swap3A_45 = vector.load %arg6[%swap3A_42, %swap3A_43, %swap3A_44] : memref<1250x8x16xf32, #tpu.memory_space<vmem>>, vector<1250x1x16xf32>
    %swap3A_46 = vector.shape_cast %swap3A_45 : vector<1250x1x16xf32> to vector<1250x16xf32>
    %swap3A_47 = vector.shape_cast %dot_general3A_41 : vector<1250x16xf32> to vector<1250x1x16xf32>
    tpu.vector_store %arg6[%swap3A_42, %swap3A_43, %swap3A_44], %swap3A_47 {strides = array<i32>} : memref<1250x8x16xf32, #tpu.memory_space<vmem>>, vector<1250x1x16xf32>,
    %slice3A_48 = vector.extract_strided_slice %get3A_21 {offsets = [0, 48], sizes = [128, 16], strides = [1, 1]} : vector<128x128xf32> to vector<128x16xf32>
    %dot_general3A_49 = arith.constant dense<0.000000e+00> : vector<1250x16xf32>
    %dot_general3A_50 = tpu.matmul %sub3A, %slice3A_48, %dot_general3A_49 {dimension_numbers = #tpu.dot_dimension_numbers<[1], [0], [0], [1], [0, 0, 1, 1], [], []>, transpose_lhs_hint = false} : vector<1250x128xf32>, vector<128x16xf32>, vector<1250x16xf32> -> vector<1250x16xf32>
    %swap3A_51 = arith.constant 0 : index
    %swap3A_52 = arith.constant 3 : index
    %swap3A_53 = arith.constant 0 : index
    %swap3A_54 = vector.load %arg6[%swap3A_51, %swap3A_52, %swap3A_53] : memref<1250x8x16xf32, #tpu.memory_space<vmem>>, vector<1250x1x16xf32>
    %swap3A_55 = vector.shape_cast %swap3A_54 : vector<1250x1x16xf32> to vector<1250x16xf32>
    %swap3A_56 = vector.shape_cast %dot_general3A_50 : vector<1250x16xf32> to vector<1250x1x16xf32>
    tpu.vector_store %arg6[%swap3A_51, %swap3A_52, %swap3A_53], %swap3A_56 {strides = array<i32>} : memref<1250x8x16xf32, #tpu.memory_space<vmem>>, vector<1250x1x16xf32>,
    %slice3A_57 = vector.extract_strided_slice %get3A_21 {offsets = [0, 64], sizes = [128, 16], strides = [1, 1]} : vector<128x128xf32> to vector<128x16xf32>
    %dot_general3A_58 = arith.constant dense<0.000000e+00> : vector<1250x16xf32>
    %dot_general3A_59 = tpu.matmul %sub3A, %slice3A_57, %dot_general3A_58 {dimension_numbers = #tpu.dot_dimension_numbers<[1], [0], [0], [1], [0, 0, 1, 1], [], []>, transpose_lhs_hint = false} : vector<1250x128xf32>, vector<128x16xf32>, vector<1250x16xf32> -> vector<1250x16xf32>
    %swap3A_60 = arith.constant 0 : index
    %swap3A_61 = arith.constant 4 : index
    %swap3A_62 = arith.constant 0 : index
    %swap3A_63 = vector.load %arg6[%swap3A_60, %swap3A_61, %swap3A_62] : memref<1250x8x16xf32, #tpu.memory_space<vmem>>, vector<1250x1x16xf32>
    %swap3A_64 = vector.shape_cast %swap3A_63 : vector<1250x1x16xf32> to vector<1250x16xf32>
    %swap3A_65 = vector.shape_cast %dot_general3A_59 : vector<1250x16xf32> to vector<1250x1x16xf32>
    tpu.vector_store %arg6[%swap3A_60, %swap3A_61, %swap3A_62], %swap3A_65 {strides = array<i32>} : memref<1250x8x16xf32, #tpu.memory_space<vmem>>, vector<1250x1x16xf32>,
    %slice3A_66 = vector.extract_strided_slice %get3A_21 {offsets = [0, 80], sizes = [128, 16], strides = [1, 1]} : vector<128x128xf32> to vector<128x16xf32>
    %dot_general3A_67 = arith.constant dense<0.000000e+00> : vector<1250x16xf32>
    %dot_general3A_68 = tpu.matmul %sub3A, %slice3A_66, %dot_general3A_67 {dimension_numbers = #tpu.dot_dimension_numbers<[1], [0], [0], [1], [0, 0, 1, 1], [], []>, transpose_lhs_hint = false} : vector<1250x128xf32>, vector<128x16xf32>, vector<1250x16xf32> -> vector<1250x16xf32>
    %swap3A_69 = arith.constant 0 : index
    %swap3A_70 = arith.constant 5 : index
    %swap3A_71 = arith.constant 0 : index
    %swap3A_72 = vector.load %arg6[%swap3A_69, %swap3A_70, %swap3A_71] : memref<1250x8x16xf32, #tpu.memory_space<vmem>>, vector<1250x1x16xf32>
    %swap3A_73 = vector.shape_cast %swap3A_72 : vector<1250x1x16xf32> to vector<1250x16xf32>
    %swap3A_74 = vector.shape_cast %dot_general3A_68 : vector<1250x16xf32> to vector<1250x1x16xf32>
    tpu.vector_store %arg6[%swap3A_69, %swap3A_70, %swap3A_71], %swap3A_74 {strides = array<i32>} : memref<1250x8x16xf32, #tpu.memory_space<vmem>>, vector<1250x1x16xf32>,
    %slice3A_75 = vector.extract_strided_slice %get3A_21 {offsets = [0, 96], sizes = [128, 16], strides = [1, 1]} : vector<128x128xf32> to vector<128x16xf32>
    %dot_general3A_76 = arith.constant dense<0.000000e+00> : vector<1250x16xf32>
    %dot_general3A_77 = tpu.matmul %sub3A, %slice3A_75, %dot_general3A_76 {dimension_numbers = #tpu.dot_dimension_numbers<[1], [0], [0], [1], [0, 0, 1, 1], [], []>, transpose_lhs_hint = false} : vector<1250x128xf32>, vector<128x16xf32>, vector<1250x16xf32> -> vector<1250x16xf32>
    %swap3A_78 = arith.constant 0 : index
    %swap3A_79 = arith.constant 6 : index
    %swap3A_80 = arith.constant 0 : index
    %swap3A_81 = vector.load %arg6[%swap3A_78, %swap3A_79, %swap3A_80] : memref<1250x8x16xf32, #tpu.memory_space<vmem>>, vector<1250x1x16xf32>
    %swap3A_82 = vector.shape_cast %swap3A_81 : vector<1250x1x16xf32> to vector<1250x16xf32>
    %swap3A_83 = vector.shape_cast %dot_general3A_77 : vector<1250x16xf32> to vector<1250x1x16xf32>
    tpu.vector_store %arg6[%swap3A_78, %swap3A_79, %swap3A_80], %swap3A_83 {strides = array<i32>} : memref<1250x8x16xf32, #tpu.memory_space<vmem>>, vector<1250x1x16xf32>,
    %slice3A_84 = vector.extract_strided_slice %get3A_21 {offsets = [0, 112], sizes = [128, 16], strides = [1, 1]} : vector<128x128xf32> to vector<128x16xf32>
    %dot_general3A_85 = arith.constant dense<0.000000e+00> : vector<1250x16xf32>
    %dot_general3A_86 = tpu.matmul %sub3A, %slice3A_84, %dot_general3A_85 {dimension_numbers = #tpu.dot_dimension_numbers<[1], [0], [0], [1], [0, 0, 1, 1], [], []>, transpose_lhs_hint = false} : vector<1250x128xf32>, vector<128x16xf32>, vector<1250x16xf32> -> vector<1250x16xf32>
    %swap3A_87 = arith.constant 0 : index
    %swap3A_88 = arith.constant 7 : index
    %swap3A_89 = arith.constant 0 : index
    %swap3A_90 = vector.load %arg6[%swap3A_87, %swap3A_88, %swap3A_89] : memref<1250x8x16xf32, #tpu.memory_space<vmem>>, vector<1250x1x16xf32>
    %swap3A_91 = vector.shape_cast %swap3A_90 : vector<1250x1x16xf32> to vector<1250x16xf32>
    %swap3A_92 = vector.shape_cast %dot_general3A_86 : vector<1250x16xf32> to vector<1250x1x16xf32>
    tpu.vector_store %arg6[%swap3A_87, %swap3A_88, %swap3A_89], %swap3A_92 {strides = array<i32>} : memref<1250x8x16xf32, #tpu.memory_space<vmem>>, vector<1250x1x16xf32>,
    return
  }
}

</mosaic_0001>

<sc_bundles>
// kernel: kernel.12.cloned.1.call-start
scs
__scs_entry_jumppad:
0x0: {  	(pc) =	sbr.rel $0x88, $3  }
0x1: {  	(tag) =	ssettag $0x0;
	lr =	simm.s32 $0x1  }
0x2: {  	[smem:$0x3F9B] =	sst lr;
	_ =	strace $0xD0000000  }
0x3: {  	_ = 	snop  }
0x4: {  	_ = 	snop  }
0x5: {  	_ = 	snop  }
0x6: {  	_ = 	snop  }
0x7: {  	_ = 	snop  }
__scs_overlays_trampoline_lowered:
0x8: {  	[smem:$0x3FAA] =	sst s0  }
0x9: {  	[smem:$0x3FAB] =	sst s1  }
0xa: {  	[smem:$0x3FAC] =	sst s2  }
0xb: {  	[smem:$0x3FAD] =	sst s3  }
0xc: {  	[smem:$0x3FAE] =	sst s4  }
0xd: {  	[smem:$0x3FAF] =	sst s5  }
0xe: {  	[smem:$0x3FB0] =	sst s6  }
0xf: {  	[smem:$0x3FB1] =	sst s7  }
0x10: {  	[smem:$0x3FB2] =	sst s8  }
0x11: {  	[smem:$0x3FB3] =	sst s9;
	s0 =	simm.s32 @!p0 $0x0  }
0x12: {  	s1 =	sld [smem:$0x3F99];
	s0 =	simm.s32 @p0 $0x1  }
0x13: {  	[smem:$0x3FB4] =	sst s0;
	s0 =	simm.s32 @!p1 $0x0  }
0x14: {  	s2 =	sld [smem:$0x3F98];
	s0 =	simm.s32 @p1 $0x1  }
0x15: {  	[smem:$0x3FB5] =	sst s0;
	s0 =	simm.s32 @!p2 $0x0  }
0x16: {  	s3 =	sld [smem:$0x3FDB];
	s0 =	simm.s32 @p2 $0x1  }
0x17: {  	s4 =	simm.s32 $0x1BF5;
	[smem:$0x3FB7] =	sst s0  }
0x18: {  	s0 =	sld [smem:$0x3F9A];
	_ =	swait.ge [sflag:s4], $0x0  }
0x19: {  	s7 =	sld [smem:$0x3F9B]  }
0x1a: {  	s8 =	sadd.s32 $0xFFFFE003, lr  }
0x1b: {  	s9 =	sadd.s32 $0xFFFFFEF7, lr;
	s5 =	simm.s32 $0xFFFFFFFF;
	p2 =	slt.u32 s8, $0xFFFFF086  }
0x1c: {  	p1 =	slt.u32 s9, $0xF7A;
	s5 =	simm.s32 @!p2 $0x0  }
0x1d: {  	s5 =	simm.s32 @p1 $0x1;
	p0 =	seq.s32 s7, s2  }
0x1e: {  	s7 =	smul.u32 @!p0 $0xF7A, s2;
	p2 =	seq.s32 @!p0 s5, $0x0  }
0x1f: {  	s9 =	smul.u32 $0xF7A, s1;
	s8 =	simm.s32 @!p0 $0x1BF5;
	p2 =	por !p2, p0  }
0x20: {  	[sflag:s8] =	ssyncset.s32 @!p0 $0xFFFFF086;
	s6 =	sadd.s32 @!p0 s3, s7;
	s7 =	simm.s32 @!p0 $0x108  }
0x21: {  	s3 =	sadd.s32 s3, s9;
	s6 =	sadd.s32 @!p0 $0x88, s6;
	s7 =	simm.s32 @p2 $0x1082  }
0x22: {  	[simem:s7], [sflag:s8] =	dma.local @!p0 [hbm:s6], $0xF7A  }
0x23: {  	s9 =	sor.u32 $0xD0000000, s2;
	s6 =	simm.s32 $0x108;
	_ =	swait.ge @!p0 [sflag:s8], $0x0  }
0x24: {  	s3 =	sadd.s32 $0x88, s3;
	s6 =	simm.s32 @!p1 $0x1082;
	[sflag:s4] =	ssyncset.s32 $0xFFFFF086  }
0x25: {  	[simem:s6], [sflag:s4] =	dma.local [hbm:s3], $0xF7A  }
0x26: {  	[smem:$0x3F9B] =	sst s1;
	(tag) =	ssettag s2;
	_ =	strace s9  }
0x27: {  	s1 =	sld [smem:$0x3FAB]  }
0x28: {  	s2 =	sld [smem:$0x3FAC]  }
0x29: {  	s4 =	sld [smem:$0x3FAE]  }
0x2a: {  	p0 =	seq.s32 s5, $0x0;
	s5 =	sld [smem:$0x3FAF]  }
0x2b: {  	s6 =	sld [smem:$0x3FB0]  }
0x2c: {  	s7 =	sld [smem:$0x3FB1]  }
0x2d: {  	s3 =	simm.s32 $0x108;
	s8 =	sld [smem:$0x3FB2]  }
0x2e: {  	s3 =	simm.s32 @!p0 $0x1082;
	s9 =	sld [smem:$0x3FB3]  }
0x2f: {  	lr =	sadd.s32 s0, s3;
	s0 =	sld [smem:$0x3FAA]  }
0x30: {  	s3 =	sld [smem:$0x3FAD]  }
0x31: {  	[smem:$0x3FB6] =	sst s10  }
0x32: {  	s10 =	sld [smem:$0x3FB4];
	_ =	sdelay $0x3  }
0x33: {  	p0 =	seq.s32 s10, $0x1;
	s10 =	sld [smem:$0x3FB6];
	_ =	sdelay $0x3  }
0x34: {  	[smem:$0x3FB6] =	sst s10  }
0x35: {  	s10 =	sld [smem:$0x3FB5];
	_ =	sdelay $0x3  }
0x36: {  	p1 =	seq.s32 s10, $0x1;
	s10 =	sld [smem:$0x3FB6];
	_ =	sdelay $0x3  }
0x37: {  	[smem:$0x3FB6] =	sst s10  }
0x38: {  	s10 =	sld [smem:$0x3FB7]  }
0x39: {  	_ = 	snop;
	(pc) =	sbr.ind lr, $3  }
0x3a: {  	_ = 	snop  }
0x3b: {  	_ = 	snop  }
0x3c: {  	p2 =	seq.s32 s10, $0x1;
	s10 =	sld [smem:$0x3FB6]  }
0x3d: {  	_ =	shalt  }
0x3e: {  	_ =	shalt  }
0x3f: {  	_ =	shalt  }
0x40: {  	_ =	shalt  }
0x41: {  	_ =	shalt  }
0x42: {  	_ =	shalt  }
0x43: {  	_ =	shalt  }
0x44: {  	_ =	shalt  }
0x45: {  	_ =	shalt  }
0x46: {  	_ =	shalt  }
0x47: {  	_ =	shalt  }
0x48: {  	_ =	shalt  }
0x49: {  	_ =	shalt  }
0x4a: {  	_ =	shalt  }
0x4b: {  	_ =	shalt  }
0x4c: {  	_ =	shalt  }
0x4d: {  	_ =	shalt  }
0x4e: {  	_ =	shalt  }
0x4f: {  	_ =	shalt  }
0x50: {  	_ =	shalt  }
0x51: {  	_ =	shalt  }
0x52: {  	_ =	shalt  }
0x53: {  	_ =	shalt  }
0x54: {  	_ =	shalt  }
0x55: {  	_ =	shalt  }
0x56: {  	_ =	shalt  }
0x57: {  	_ =	shalt  }
0x58: {  	_ =	shalt  }
0x59: {  	_ =	shalt  }
0x5a: {  	_ =	shalt  }
0x5b: {  	_ =	shalt  }
0x5c: {  	_ =	shalt  }
0x5d: {  	_ =	shalt  }
0x5e: {  	_ =	shalt  }
0x5f: {  	_ =	shalt  }
0x60: {  	_ =	shalt  }
0x61: {  	_ =	shalt  }
0x62: {  	_ =	shalt  }
0x63: {  	_ =	shalt  }
0x64: {  	_ =	shalt  }
0x65: {  	_ =	shalt  }
0x66: {  	_ =	shalt  }
0x67: {  	_ =	shalt  }
0x68: {  	_ =	shalt  }
0x69: {  	_ =	shalt  }
0x6a: {  	_ =	shalt  }
0x6b: {  	_ =	shalt  }
0x6c: {  	_ =	shalt  }
0x6d: {  	_ =	shalt  }
0x6e: {  	_ =	shalt  }
0x6f: {  	_ =	shalt  }
0x70: {  	_ =	shalt  }
0x71: {  	_ =	shalt  }
0x72: {  	_ =	shalt  }
0x73: {  	_ =	shalt  }
0x74: {  	_ =	shalt  }
0x75: {  	_ =	shalt  }
0x76: {  	_ =	shalt  }
0x77: {  	_ =	shalt  }
0x78: {  	_ =	shalt  }
0x79: {  	_ =	shalt  }
0x7a: {  	_ =	shalt  }
0x7b: {  	_ =	shalt  }
0x7c: {  	_ =	shalt  }
0x7d: {  	_ =	shalt  }
0x7e: {  	_ =	shalt  }
0x7f: {  	_ =	shalt  }
0x80: {  	_ =	shalt  }
0x81: {  	_ =	shalt  }
0x82: {  	_ =	shalt  }
0x83: {  	_ =	shalt  }
0x84: {  	_ =	shalt  }
0x85: {  	_ =	shalt  }
0x86: {  	_ =	shalt  }
0x87: {  	_ =	shalt  }
.Lfunc_end0:
.L_simem_size_0:
called_computation.1_lowered:
.L_overlay_start_0:
0x88: {  	s2 =	sld [smem:$0x3FD9]  }
0x89: {  	s3 =	sld [smem:$0x3FFE];
	_ =	sdelay $0x1  }
0x8a: {  	s1 =	srdreg.scid  }
0x8b: {  	s0 =	sand.u32 $0x1, s1  }
0x8c: {  	s17 =	sshll.u32 s0, $0xA;
	s2 =	sadd.s32 s3, s2  }
0x8d: {  	s2 =	sadd.s32 s2, s17  }
0x8e: {  	[smem:$0x3FC2] =	sst s2  }
0x8f: {  	_ = 	snop  }
0x90: {  	s2 =	sld [smem:$0x3FD0];
	(tm) =	ssettm $0x1  }
0x91: {  	s18 =	sld [smem:$0x3FFB];
	_ =	sdelay $0x3  }
0x92: {  	_ =	strace s18  }
0x93: {  	s3 =	sld [smem:$0x3FFC];
	_ =	sdelay $0x3  }
0x94: {  	_ =	strace s3  }
0x95: {  	s3 =	sld [smem:$0x3FFD];
	_ =	sdelay $0x3  }
0x96: {  	_ =	strace s3  }
0x97: {  	_ =	strace $0x8FFFFFFF  }
0x98: {  	s19 =	sld [smem:$0x3FDB];
	_ =	sdelay $0x1  }
0x99: {  	s4 =	simm.s32 $_scs_section_size  }
0x9a: {  	s5 =	simm.s32 $_size__tile_overlayer_lowered;
	s6 =	simm.s32 $_tile_overlayer_lowered  }
0x9b: {  	s22 =	simm.s32 $0x1BFF;
	s21 =	sshll.u32 s6, $0x1;
	s3 =	sadd.s32 s4, s19  }
0x9c: {  	s7 =	simm.s32 $0x0;
	s20 =	sshll.u32 s5, $0x1;
	s5 =	sadd.s32 s21, s3  }
0x9d: {  	[timem:s7], [sflag:s22] =	dma.local [hbm:s5], s20  }
0x9e: {  	_ =	swait.ge [sflag:s22], s20  }
0x9f: {  	s4 =	ssub.s32 $0x0, s20;
	[sflag:s22] =	ssyncset.done $0x0  }
0xa0: {  	[sflag:s22] =	ssyncadd.s32 s4;
	_ =	sdelay $0x1  }
0xa1: {  	s23 =	simm.s32 $0x1B8B  }
0xa2: {  	_ =	swait.ge [sflag:s23], $0x1  }
0xa3: {  	[sflag:s23] =	ssyncset.done $0x0  }
0xa4: {  	s25 =	simm.s32 $0x1B8E;
	s24 =	sld [smem:$0x3FFE];
	[sflag:s23] =	ssyncadd.s32 $0xFFFFFFFF  }
0xa5: {  	s26 =	simm.s32 $execute0_lowered;
	[smem:$0x3FD2] =	sst s25  }
0xa6: {  	s5 =	sshll.u32 s26, $0x1;
	_ =	strace $0x80000049;
	[dreg:$0x1] =	wrdreg $0xFFFFFFFF  }
0xa7: {  	s28 =	simm.s32 $_size_execute0_lowered;
	s3 =	sadd.s32 s3, s5;
	[dreg:$0x0] =	wrdreg $0x0  }
0xa8: {  	s5 =	sshll.u32 s28, $0x1;
	[dreg:$0x2] =	wrdreg s3  }
0xa9: {  	[dreg:$0x3] =	wrdreg s5  }
0xaa: {  	[dreg:$0x4] =	wrdreg $0xC0  }
0xab: {  	_ =	task [dreg:s7], $0x5FFFF  }
0xac: {  	[dreg:$0x1] =	wrdreg $0xFFFFFFFF  }
0xad: {  	[dreg:$0x0] =	wrdreg $0x60  }
0xae: {  	[dreg:$0x2] =	wrdreg s2  }
0xaf: {  	[dreg:$0x3] =	wrdreg s24  }
0xb0: {  	[dreg:$0x4] =	wrdreg $0x170000  }
0xb1: {  	[dreg:$0x5] =	wrdreg $0x9  }
0xb2: {  	_ =	task.clear_ibuf [dreg:s7], $0x6FFFF;
	_ =	strace $0x90000049  }
0xb3: {  	s29 =	simm.s32 $0x9;
	_ =	strace $0x8000004B  }
0xb4: {  	_ =	swait.ge [sflag:s29], $0x1  }
0xb5: {  	[sflag:s29] =	ssyncadd.s32 $0xFFFFFFFF  }
0xb6: {  	_ =	strace $0x9000004B  }
0xb7: {  	_ =	sfence  }
0xb8: {  	s30 =	sld [smem:$0x0];
	_ =	sdelay $0x2  }
0xb9: {  	s31 =	sshll.u32 s1, $0xD;
	s1 =	sshrl.u32 s1, $0x2  }
0xba: {  	s3 =	sand.u32 $0x4000, s31;
	s1 =	sadd.s32 s1, s30  }
0xbb: {  	s0 =	sor.u32 s3, s0;
	s1 =	sshll.u32 s1, $0x11  }
0xbc: {  	s0 =	sor.u32 s1, s0  }
0xbd: {  	s0 =	sadd.s32 $0x8F2B, s0  }
0xbe: {  	[sflag:s0] =	ssyncadd.remote.s32 $0x1  }
0xbf: {  	_ =	sfence.sel $0xFFFF  }
0xc0: {  	[dreg:$0x0] =	wrdreg $0xFFFFFFFF;
	(pc) =	sbr.abs _section_cstart, $3  }
0xc1: {  	[dreg:$0x1] =	wrdreg $0xFFFFFFFF  }
0xc2: {  	_ =	task.clear_ibuf [dreg:s7], $0x2FFFF;
	_ =	strace $0x9FFFFFFF  }
0xc3: {  	(tm) =	ssettm $0x7FFFFFFF  }
tec
execute0_lowered:
.L_overlay_start_1:
0x0: {  	(tag) =	ssettag $0x1  }
0x1: {  	s0 =	rddreg [dreg:$0x0]  }
0x2: {  	s1 =	srdreg.scid;
	s5 =	rddreg [dreg:$0x1]  }
0x3: {  	s3 =	rddreg [dreg:$0x2];
	s2 =	stileid.u32;
	s4 =	simm.s32 $0x0  }
0x4: {  	s21 =	simm.s32 $0x16800;
	s22 =	simm.s32 $0x2;
	s23 =	simm.s32 $0x2800  }
0x5: {  	s24 =	simm.s32 $0x3000;
	s25 =	simm.s32 $0x3800;
	s26 =	simm.s32 $0x4000  }
0x6: {  	s28 =	simm.s32 $0x4800;
	s29 =	simm.s32 $0x0;
	s8 =	sand.u32 $0x1, s1  }
0x7: {  	[smem:$0x7FF] =	sst s4;
	s11 =	smul.u32 $0x2800, s2;
	s16 =	sadd.s32 $0x7400, s5  }
0x8: {  	s6 =	sshll.u32 s8, $0x4;
	s7 =	ssub.s32 $0x2, s8;
	_ =	strace $0x8000004A  }
0x9: {  	s15 =	smul.u32 $0x28000, s8;
	s6 =	sor.u32 s2, s6;
	s9 =	sshrl.u32 s7, $0x1  }
0xa: {  	s12 =	sadd.s32 $0x800, s11;
	s14 =	sadd.s32 $0x1000, s11;
	s18 =	sadd.s32 $0x1800, s11  }
0xb: {  	s19 =	sadd.s32 $0x2000, s11;
	s6 =	smul.u32 $0x280, s6;
	s17 =	ssub.s32 s7, s9  }
0xc: {  	s7 =	sadd.s32 s11, s3;
	s8 =	sadd.s32 s12, s3;
	s9 =	sadd.s32 s14, s3  }
0xd: {  	s10 =	sadd.s32 s18, s3;
	s13 =	sadd.s32 s11, s15;
	s12 =	sadd.s32 s15, s12  }
0xe: {  	s11 =	sadd.s32 s19, s3;
	s14 =	sadd.s32 s15, s14;
	s18 =	sadd.s32 s15, s18  }
0xf: {  	s15 =	sadd.s32 s15, s19;
	s13 =	sshrl.u32 s13, $0x3;
	s20 =	sshrl.u32 s12, $0x3  }
0x10: {  	s14 =	sshrl.u32 s14, $0x3;
	s18 =	sshrl.u32 s18, $0x3;
	s19 =	sshrl.u32 s15, $0x3  }
0x11: {  	s17 =	smax.u32 s17, $0x1;
	s6 =	sadd.s32 s6, s5;
	s12 =	sadd.s32 s16, s13  }
0x12: {  	s13 =	sadd.s32 s16, s20;
	s14 =	sadd.s32 s16, s14;
	s15 =	sadd.s32 s16, s18  }
0x13: {  	s16 =	sadd.s32 s16, s19;
	s18 =	simm.s32 $0x1400;
	s19 =	simm.s32 $0x1  }
0x14: {  	v0 =	vimm.f32 $0.0e+00;
	s20 =	simm.s32 $0x80;
	s5 =	sadd.s32 $0x11400, s6;
	s6 =	sadd.s32 $0x2400, s6  }
.LBB2_1:
0x15: {  	[tilespmem:s4], [sflag:$0x1] =	stream.linear.gather [hbm4b:s5+s4], $0x1400, $0x38;
	[tilespmem:$0x19800] =	vst v63  }
0x16: {  	_ = 	snop  }
0x17: {  	[tilespmem:s18], [sflag:$0x2] =	stream.linear.gather [hbm4b:s6+s4], $0x1400, $0x38;
	[tilespmem:$0x19800] =	vst v63  }
0x18: {  	_ =	swait.ge [sflag:s19], $0x1400  }
0x19: {  	[sflag:s19] =	ssyncset.done $0x0  }
0x1a: {  	s30 =	simm.s32 $0x2800;
	s31 =	simm.s32 $0x0;
	[sflag:s19] =	ssyncadd.s32 $0xFFFFEC00  }
.LBB2_2:
0x1b: {  	p0 =	sne.s32 s31, $0x4E00  }
.Ltmp0:
0x1c: {  	_ = 	snop;
	(pc) =	sbr.rel @p0 .LBB2_2-.Ltmp0, $4  }
0x1d: {  	_ = 	snop  }
0x1e: {  	s1 =	sshra.s32 s31, $0x2  }
0x1f: {  	[tilespmem:s30], [sflag:$0x1] =	stream.indirect.gather [hbm4b:s0+s20], $0x10, s1, s20, $0xb8;
	[tilespmem:$0x19800] =	vst v63  }
0x20: {  	s31 =	sadd.s32 $0x200, s31;
	s30 =	sadd.s32 $0x800, s30  }
0x21: {  	s30 =	simm.s32 $0x40;
	s31 =	simm.s32 $0x0  }
.LBB2_4:
0x22: {  	p0 =	sne.s32 s30, $0x1FC0;
	[tilespmem:s31+$0x16800] =	vst v0;
	s1 =	smov.u32 s30;
	s30 =	sadd.s32 $0x40, s30  }
.Ltmp1:
0x23: {  	(pc) =	sbr.rel @p0 .LBB2_4-.Ltmp1, $2  }
0x24: {  	_ =	sdelay $0x2  }
0x25: {  	s31 =	sshra.s32 s1, $0x2  }
0x26: {  	[tilespmem:s31+$0x16800] =	vst v0  }
0x27: {  	[spmem:s7] =	stream.linear.scatter [tilespmem:s21], [sflag:$0x2], $0x800, $0x38;
	[tilespmem:$0x19800] =	vst v63  }
0x28: {  	_ = 	snop  }
0x29: {  	[spmem:s8] =	stream.linear.scatter [tilespmem:s21], [sflag:$0x2], $0x800, $0x38;
	[tilespmem:$0x19800] =	vst v63  }
0x2a: {  	_ = 	snop  }
0x2b: {  	[spmem:s9] =	stream.linear.scatter [tilespmem:s21], [sflag:$0x2], $0x800, $0x38;
	[tilespmem:$0x19800] =	vst v63  }
0x2c: {  	_ = 	snop  }
0x2d: {  	[spmem:s10] =	stream.linear.scatter [tilespmem:s21], [sflag:$0x2], $0x800, $0x38;
	[tilespmem:$0x19800] =	vst v63  }
0x2e: {  	_ = 	snop  }
0x2f: {  	[spmem:s11] =	stream.linear.scatter [tilespmem:s21], [sflag:$0x2], $0x800, $0x38;
	[tilespmem:$0x19800] =	vst v63  }
0x30: {  	_ =	swait.ge [sflag:s22], $0x1400  }
0x31: {  	[sflag:s22] =	ssyncset.done $0x0  }
0x32: {  	[sflag:s22] =	ssyncadd.s32 $0xFFFFEC00  }
0x33: {  	_ =	swait.ge [sflag:s22], $0x2800  }
0x34: {  	[sflag:s22] =	ssyncset.done $0x0  }
0x35: {  	[sflag:s22] =	ssyncadd.s32 $0xFFFFD800  }
0x36: {  	[bflag:$0x0] =	sbarrier.arrive $0xFFFF  }
0x37: {  	_ =	swait.ge [sflag:s19], $0x14000  }
0x38: {  	s30 =	simm.s32 $0x2800;
	[sflag:s19] =	ssyncset.done $0x0  }
0x39: {  	s1 =	simm.s32 $0x1400;
	s31 =	simm.s32 $0x200;
	[sflag:s19] =	ssyncadd.s32 $0xFFFEC000  }
0x3a: {  	[spmem:s3] =	stream.indirect.scatter.add.f32 [tilespmem:s30], [sflag:$0x2], $0x10, s1, s20, $0xb8;
	[tilespmem:$0x19800] =	vst v63  }
.LBB2_6:
0x3b: {  	p0 =	sne.s32 s31, $0x4E00  }
.Ltmp2:
0x3c: {  	_ = 	snop;
	(pc) =	sbr.rel @p0 .LBB2_6-.Ltmp2, $4  }
0x3d: {  	_ = 	snop  }
0x3e: {  	s1 =	sshra.s32 s31, $0x2;
	s31 =	sadd.s32 $0x200, s31  }
0x3f: {  	s30 =	sadd.s32 $0x800, s30;
	s1 =	sadd.s32 $0x1400, s1  }
0x40: {  	[spmem:s3] =	stream.indirect.scatter.add.f32 [tilespmem:s30], [sflag:$0x2], $0x10, s1, s20, $0xb8;
	[tilespmem:$0x19800] =	vst v63  }
0x41: {  	_ =	swait.ge [sflag:s22], $0x14000  }
0x42: {  	[sflag:s22] =	ssyncset.done $0x0  }
0x43: {  	[sflag:s22] =	ssyncadd.s32 $0xFFFEC000  }
0x44: {  	[bflag:$0x0] =	sbarrier.arrive $0xFFFF  }
0x45: {  	[tilespmem:s23], [sflag:$0x1] =	stream.linear.gather [spmem:s7], $0x800, $0x38;
	[tilespmem:$0x19800] =	vst v63  }
0x46: {  	_ = 	snop  }
0x47: {  	[tilespmem:s24], [sflag:$0x1] =	stream.linear.gather [spmem:s8], $0x800, $0x38;
	[tilespmem:$0x19800] =	vst v63  }
0x48: {  	_ = 	snop  }
0x49: {  	[tilespmem:s25], [sflag:$0x1] =	stream.linear.gather [spmem:s9], $0x800, $0x38;
	[tilespmem:$0x19800] =	vst v63  }
0x4a: {  	_ = 	snop  }
0x4b: {  	[tilespmem:s26], [sflag:$0x1] =	stream.linear.gather [spmem:s10], $0x800, $0x38;
	[tilespmem:$0x19800] =	vst v63  }
0x4c: {  	_ = 	snop  }
0x4d: {  	[tilespmem:s28], [sflag:$0x1] =	stream.linear.gather [spmem:s11], $0x800, $0x38;
	[tilespmem:$0x19800] =	vst v63  }
0x4e: {  	_ =	swait.ge [sflag:s19], $0x2800  }
0x4f: {  	[sflag:s19] =	ssyncset.done $0x0  }
0x50: {  	[sflag:s19] =	ssyncadd.s32 $0xFFFFD800  }
0x51: {  	[hbm4b:s12+s4] =	stream.linear.scatter [tilespmem:s23], [sflag:$0x2], $0x800, $0x38;
	[tilespmem:$0x19800] =	vst v63  }
0x52: {  	_ = 	snop  }
0x53: {  	[hbm4b:s13+s4] =	stream.linear.scatter [tilespmem:s24], [sflag:$0x2], $0x800, $0x38;
	[tilespmem:$0x19800] =	vst v63  }
0x54: {  	s29 =	sadd.s32 $0x1, s29  }
0x55: {  	[hbm4b:s14+s4] =	stream.linear.scatter [tilespmem:s25], [sflag:$0x2], $0x800, $0x38;
	[tilespmem:$0x19800] =	vst v63  }
0x56: {  	p0 =	sne.s32 s29, s17  }
0x57: {  	[hbm4b:s15+s4] =	stream.linear.scatter [tilespmem:s26], [sflag:$0x2], $0x800, $0x38;
	[tilespmem:$0x19800] =	vst v63  }
.Ltmp3:
0x58: {  	_ = 	snop;
	(pc) =	sbr.rel @p0 .LBB2_1-.Ltmp3, $4  }
0x59: {  	[hbm4b:s16+s4] =	stream.linear.scatter [tilespmem:s28], [sflag:$0x2], $0x800, $0x38;
	[tilespmem:$0x19800] =	vst v63  }
0x5a: {  	_ =	swait.ge [sflag:s22], $0x2800  }
0x5b: {  	[sflag:s22] =	ssyncset.done $0x0  }
0x5c: {  	[sflag:s22] =	ssyncadd.s32 $0xFFFFD800  }
0x5d: {  	_ =	sfence.sel $0x180000  }
0x5e: {  	[bflag:$0x0] =	sbarrier.arrive $0xFFFF  }
0x5f: {  	_ =	strace $0x9000004A  }
0x60: {  	[bflag:$0x2] =	sbarrier.arrive $0xFFFF  }
0x61: {  	p0 =	sne.s32 s2, $0x0;
	s0 =	rddreg [dreg:$0x3]  }
0x62: {  	s0 =	sadd.s32 @!p0 $0x100000, s0  }
0x63: {  	[sflag:s0] =	ssyncadd.tile.s32 @!p0 $0x1;
	_ =	shalt  }
.Lfunc_end2:
_tile_overlayer_lowered:
.L_overlay_start_2:
0x64: {  	(tag) =	ssettag $0x2  }
0x65: {  	s0 =	rddreg [dreg:$0x0];
	s2 =	stileid.u32  }
0x66: {  	s1 =	rddreg [dreg:$0x1];
	p0 =	sne.s32 s2, $0x0  }
0x67: {  	s3 =	rddreg [dreg:$0x2];
	[bflag:$0x3] =	sbarrier.arrive $0xFFFF;
	s2 =	simm.s32 @!p0 $0x1C03  }
0x68: {  	[timem:s3], [sflag:s2] =	dma.local @!p0 [hbm:s0], s1  }
0x69: {  	s0 =	simm.s32 @!p0 $0x3  }
0x6a: {  	_ =	swait.ge @!p0 [sflag:s0], s1  }
0x6b: {  	s1 =	ssub.s32 @!p0 $0x0, s1;
	[sflag:s0] =	ssyncset.done @!p0 $0x0  }
0x6c: {  	[sflag:s0] =	ssyncadd.s32 @!p0 s1  }
0x6d: {  	[bflag:$0x3] =	sbarrier.arrive $0xFFFF  }
0x6e: {  	_ =	shalt  }

// kernel: kernel.15.cloned.1.call-start
scs
__scs_entry_jumppad:
0x0: {  	(pc) =	sbr.rel $0x88, $3  }
0x1: {  	(tag) =	ssettag $0x0;
	lr =	simm.s32 $0x1  }
0x2: {  	[smem:$0x3F9B] =	sst lr;
	_ =	strace $0xD0000000  }
0x3: {  	_ = 	snop  }
0x4: {  	_ = 	snop  }
0x5: {  	_ = 	snop  }
0x6: {  	_ = 	snop  }
0x7: {  	_ = 	snop  }
__scs_overlays_trampoline_lowered:
0x8: {  	[smem:$0x3FAA] =	sst s0  }
0x9: {  	[smem:$0x3FAB] =	sst s1  }
0xa: {  	[smem:$0x3FAC] =	sst s2  }
0xb: {  	[smem:$0x3FAD] =	sst s3  }
0xc: {  	[smem:$0x3FAE] =	sst s4  }
0xd: {  	[smem:$0x3FAF] =	sst s5  }
0xe: {  	[smem:$0x3FB0] =	sst s6  }
0xf: {  	[smem:$0x3FB1] =	sst s7  }
0x10: {  	[smem:$0x3FB2] =	sst s8  }
0x11: {  	[smem:$0x3FB3] =	sst s9;
	s0 =	simm.s32 @!p0 $0x0  }
0x12: {  	s1 =	sld [smem:$0x3F99];
	s0 =	simm.s32 @p0 $0x1  }
0x13: {  	[smem:$0x3FB4] =	sst s0;
	s0 =	simm.s32 @!p1 $0x0  }
0x14: {  	s2 =	sld [smem:$0x3F98];
	s0 =	simm.s32 @p1 $0x1  }
0x15: {  	[smem:$0x3FB5] =	sst s0;
	s0 =	simm.s32 @!p2 $0x0  }
0x16: {  	s3 =	sld [smem:$0x3FDB];
	s0 =	simm.s32 @p2 $0x1  }
0x17: {  	s4 =	simm.s32 $0x1BF5;
	[smem:$0x3FB7] =	sst s0  }
0x18: {  	s0 =	sld [smem:$0x3F9A];
	_ =	swait.ge [sflag:s4], $0x0  }
0x19: {  	s7 =	sld [smem:$0x3F9B]  }
0x1a: {  	s8 =	sadd.s32 $0xFFFFE003, lr  }
0x1b: {  	s9 =	sadd.s32 $0xFFFFFEF7, lr;
	s5 =	simm.s32 $0xFFFFFFFF;
	p2 =	slt.u32 s8, $0xFFFFF086  }
0x1c: {  	p1 =	slt.u32 s9, $0xF7A;
	s5 =	simm.s32 @!p2 $0x0  }
0x1d: {  	s5 =	simm.s32 @p1 $0x1;
	p0 =	seq.s32 s7, s2  }
0x1e: {  	s7 =	smul.u32 @!p0 $0xF7A, s2;
	p2 =	seq.s32 @!p0 s5, $0x0  }
0x1f: {  	s9 =	smul.u32 $0xF7A, s1;
	s8 =	simm.s32 @!p0 $0x1BF5;
	p2 =	por !p2, p0  }
0x20: {  	[sflag:s8] =	ssyncset.s32 @!p0 $0xFFFFF086;
	s6 =	sadd.s32 @!p0 s3, s7;
	s7 =	simm.s32 @!p0 $0x108  }
0x21: {  	s3 =	sadd.s32 s3, s9;
	s6 =	sadd.s32 @!p0 $0x88, s6;
	s7 =	simm.s32 @p2 $0x1082  }
0x22: {  	[simem:s7], [sflag:s8] =	dma.local @!p0 [hbm:s6], $0xF7A  }
0x23: {  	s9 =	sor.u32 $0xD0000000, s2;
	s6 =	simm.s32 $0x108;
	_ =	swait.ge @!p0 [sflag:s8], $0x0  }
0x24: {  	s3 =	sadd.s32 $0x88, s3;
	s6 =	simm.s32 @!p1 $0x1082;
	[sflag:s4] =	ssyncset.s32 $0xFFFFF086  }
0x25: {  	[simem:s6], [sflag:s4] =	dma.local [hbm:s3], $0xF7A  }
0x26: {  	[smem:$0x3F9B] =	sst s1;
	(tag) =	ssettag s2;
	_ =	strace s9  }
0x27: {  	s1 =	sld [smem:$0x3FAB]  }
0x28: {  	s2 =	sld [smem:$0x3FAC]  }
0x29: {  	s4 =	sld [smem:$0x3FAE]  }
0x2a: {  	p0 =	seq.s32 s5, $0x0;
	s5 =	sld [smem:$0x3FAF]  }
0x2b: {  	s6 =	sld [smem:$0x3FB0]  }
0x2c: {  	s7 =	sld [smem:$0x3FB1]  }
0x2d: {  	s3 =	simm.s32 $0x108;
	s8 =	sld [smem:$0x3FB2]  }
0x2e: {  	s3 =	simm.s32 @!p0 $0x1082;
	s9 =	sld [smem:$0x3FB3]  }
0x2f: {  	lr =	sadd.s32 s0, s3;
	s0 =	sld [smem:$0x3FAA]  }
0x30: {  	s3 =	sld [smem:$0x3FAD]  }
0x31: {  	[smem:$0x3FB6] =	sst s10  }
0x32: {  	s10 =	sld [smem:$0x3FB4];
	_ =	sdelay $0x3  }
0x33: {  	p0 =	seq.s32 s10, $0x1;
	s10 =	sld [smem:$0x3FB6];
	_ =	sdelay $0x3  }
0x34: {  	[smem:$0x3FB6] =	sst s10  }
0x35: {  	s10 =	sld [smem:$0x3FB5];
	_ =	sdelay $0x3  }
0x36: {  	p1 =	seq.s32 s10, $0x1;
	s10 =	sld [smem:$0x3FB6];
	_ =	sdelay $0x3  }
0x37: {  	[smem:$0x3FB6] =	sst s10  }
0x38: {  	s10 =	sld [smem:$0x3FB7]  }
0x39: {  	_ = 	snop;
	(pc) =	sbr.ind lr, $3  }
0x3a: {  	_ = 	snop  }
0x3b: {  	_ = 	snop  }
0x3c: {  	p2 =	seq.s32 s10, $0x1;
	s10 =	sld [smem:$0x3FB6]  }
0x3d: {  	_ =	shalt  }
0x3e: {  	_ =	shalt  }
0x3f: {  	_ =	shalt  }
0x40: {  	_ =	shalt  }
0x41: {  	_ =	shalt  }
0x42: {  	_ =	shalt  }
0x43: {  	_ =	shalt  }
0x44: {  	_ =	shalt  }
0x45: {  	_ =	shalt  }
0x46: {  	_ =	shalt  }
0x47: {  	_ =	shalt  }
0x48: {  	_ =	shalt  }
0x49: {  	_ =	shalt  }
0x4a: {  	_ =	shalt  }
0x4b: {  	_ =	shalt  }
0x4c: {  	_ =	shalt  }
0x4d: {  	_ =	shalt  }
0x4e: {  	_ =	shalt  }
0x4f: {  	_ =	shalt  }
0x50: {  	_ =	shalt  }
0x51: {  	_ =	shalt  }
0x52: {  	_ =	shalt  }
0x53: {  	_ =	shalt  }
0x54: {  	_ =	shalt  }
0x55: {  	_ =	shalt  }
0x56: {  	_ =	shalt  }
0x57: {  	_ =	shalt  }
0x58: {  	_ =	shalt  }
0x59: {  	_ =	shalt  }
0x5a: {  	_ =	shalt  }
0x5b: {  	_ =	shalt  }
0x5c: {  	_ =	shalt  }
0x5d: {  	_ =	shalt  }
0x5e: {  	_ =	shalt  }
0x5f: {  	_ =	shalt  }
0x60: {  	_ =	shalt  }
0x61: {  	_ =	shalt  }
0x62: {  	_ =	shalt  }
0x63: {  	_ =	shalt  }
0x64: {  	_ =	shalt  }
0x65: {  	_ =	shalt  }
0x66: {  	_ =	shalt  }
0x67: {  	_ =	shalt  }
0x68: {  	_ =	shalt  }
0x69: {  	_ =	shalt  }
0x6a: {  	_ =	shalt  }
0x6b: {  	_ =	shalt  }
0x6c: {  	_ =	shalt  }
0x6d: {  	_ =	shalt  }
0x6e: {  	_ =	shalt  }
0x6f: {  	_ =	shalt  }
0x70: {  	_ =	shalt  }
0x71: {  	_ =	shalt  }
0x72: {  	_ =	shalt  }
0x73: {  	_ =	shalt  }
0x74: {  	_ =	shalt  }
0x75: {  	_ =	shalt  }
0x76: {  	_ =	shalt  }
0x77: {  	_ =	shalt  }
0x78: {  	_ =	shalt  }
0x79: {  	_ =	shalt  }
0x7a: {  	_ =	shalt  }
0x7b: {  	_ =	shalt  }
0x7c: {  	_ =	shalt  }
0x7d: {  	_ =	shalt  }
0x7e: {  	_ =	shalt  }
0x7f: {  	_ =	shalt  }
0x80: {  	_ =	shalt  }
0x81: {  	_ =	shalt  }
0x82: {  	_ =	shalt  }
0x83: {  	_ =	shalt  }
0x84: {  	_ =	shalt  }
0x85: {  	_ =	shalt  }
0x86: {  	_ =	shalt  }
0x87: {  	_ =	shalt  }
.Lfunc_end0:
.L_simem_size_0:
called_computation.2_lowered:
.L_overlay_start_0:
0x88: {  	s2 =	sld [smem:$0x3FD9]  }
0x89: {  	s3 =	sld [smem:$0x3FFE];
	_ =	sdelay $0x1  }
0x8a: {  	s1 =	srdreg.scid  }
0x8b: {  	s0 =	sand.u32 $0x1, s1  }
0x8c: {  	s17 =	sshll.u32 s0, $0xA;
	s2 =	sadd.s32 s3, s2  }
0x8d: {  	s2 =	sadd.s32 s2, s17  }
0x8e: {  	[smem:$0x3FC2] =	sst s2  }
0x8f: {  	_ = 	snop  }
0x90: {  	s2 =	sld [smem:$0x3FD0];
	(tm) =	ssettm $0x1  }
0x91: {  	s18 =	sld [smem:$0x3FFB];
	_ =	sdelay $0x3  }
0x92: {  	_ =	strace s18  }
0x93: {  	s3 =	sld [smem:$0x3FFC];
	_ =	sdelay $0x3  }
0x94: {  	_ =	strace s3  }
0x95: {  	s3 =	sld [smem:$0x3FFD];
	_ =	sdelay $0x3  }
0x96: {  	_ =	strace s3  }
0x97: {  	_ =	strace $0x8FFFFFFF  }
0x98: {  	s19 =	sld [smem:$0x3FDB];
	_ =	sdelay $0x1  }
0x99: {  	s4 =	simm.s32 $_scs_section_size  }
0x9a: {  	s5 =	simm.s32 $_size__tile_overlayer_lowered;
	s6 =	simm.s32 $_tile_overlayer_lowered  }
0x9b: {  	s22 =	simm.s32 $0x1BFF;
	s21 =	sshll.u32 s6, $0x1;
	s3 =	sadd.s32 s4, s19  }
0x9c: {  	s7 =	simm.s32 $0x0;
	s20 =	sshll.u32 s5, $0x1;
	s5 =	sadd.s32 s21, s3  }
0x9d: {  	[timem:s7], [sflag:s22] =	dma.local [hbm:s5], s20  }
0x9e: {  	_ =	swait.ge [sflag:s22], s20  }
0x9f: {  	s4 =	ssub.s32 $0x0, s20;
	[sflag:s22] =	ssyncset.done $0x0  }
0xa0: {  	[sflag:s22] =	ssyncadd.s32 s4;
	_ =	sdelay $0x1  }
0xa1: {  	s23 =	simm.s32 $0x1B8B  }
0xa2: {  	_ =	swait.ge [sflag:s23], $0x1  }
0xa3: {  	[sflag:s23] =	ssyncset.done $0x0  }
0xa4: {  	s25 =	simm.s32 $0x1B8E;
	s24 =	sld [smem:$0x3FFE];
	[sflag:s23] =	ssyncadd.s32 $0xFFFFFFFF  }
0xa5: {  	s26 =	simm.s32 $execute0_lowered;
	[smem:$0x3FD2] =	sst s25  }
0xa6: {  	s5 =	sshll.u32 s26, $0x1;
	_ =	strace $0x8000004C;
	[dreg:$0x1] =	wrdreg $0xFFFFFFFF  }
0xa7: {  	s28 =	simm.s32 $_size_execute0_lowered;
	s3 =	sadd.s32 s3, s5;
	[dreg:$0x0] =	wrdreg $0x0  }
0xa8: {  	s5 =	sshll.u32 s28, $0x1;
	[dreg:$0x2] =	wrdreg s3  }
0xa9: {  	[dreg:$0x3] =	wrdreg s5  }
0xaa: {  	[dreg:$0x4] =	wrdreg $0xC0  }
0xab: {  	_ =	task [dreg:s7], $0x5FFFF  }
0xac: {  	[dreg:$0x1] =	wrdreg $0xFFFFFFFF  }
0xad: {  	[dreg:$0x0] =	wrdreg $0x60  }
0xae: {  	[dreg:$0x2] =	wrdreg s2  }
0xaf: {  	[dreg:$0x3] =	wrdreg s24  }
0xb0: {  	[dreg:$0x4] =	wrdreg $0x170000  }
0xb1: {  	[dreg:$0x5] =	wrdreg $0x9  }
0xb2: {  	_ =	task.clear_ibuf [dreg:s7], $0x6FFFF;
	_ =	strace $0x9000004C  }
0xb3: {  	s29 =	simm.s32 $0x9;
	_ =	strace $0x8000004E  }
0xb4: {  	_ =	swait.ge [sflag:s29], $0x1  }
0xb5: {  	[sflag:s29] =	ssyncadd.s32 $0xFFFFFFFF  }
0xb6: {  	_ =	strace $0x9000004E  }
0xb7: {  	_ =	sfence  }
0xb8: {  	s30 =	sld [smem:$0x0];
	_ =	sdelay $0x2  }
0xb9: {  	s31 =	sshll.u32 s1, $0xD;
	s1 =	sshrl.u32 s1, $0x2  }
0xba: {  	s3 =	sand.u32 $0x4000, s31;
	s1 =	sadd.s32 s1, s30  }
0xbb: {  	s0 =	sor.u32 s3, s0;
	s1 =	sshll.u32 s1, $0x11  }
0xbc: {  	s0 =	sor.u32 s1, s0  }
0xbd: {  	s0 =	sadd.s32 $0x8F2B, s0  }
0xbe: {  	[sflag:s0] =	ssyncadd.remote.s32 $0x1  }
0xbf: {  	_ =	sfence.sel $0xFFFF  }
0xc0: {  	[dreg:$0x0] =	wrdreg $0xFFFFFFFF;
	(pc) =	sbr.abs _section_cstart, $3  }
0xc1: {  	[dreg:$0x1] =	wrdreg $0xFFFFFFFF  }
0xc2: {  	_ =	task.clear_ibuf [dreg:s7], $0x2FFFF;
	_ =	strace $0x9FFFFFFF  }
0xc3: {  	(tm) =	ssettm $0x7FFFFFFF  }
tec
execute0_lowered:
.L_overlay_start_1:
0x0: {  	(tag) =	ssettag $0x1  }
0x1: {  	s0 =	rddreg [dreg:$0x0]  }
0x2: {  	s1 =	srdreg.scid;
	s5 =	rddreg [dreg:$0x1]  }
0x3: {  	s3 =	rddreg [dreg:$0x2];
	s2 =	stileid.u32;
	s4 =	simm.s32 $0x0  }
0x4: {  	s21 =	simm.s32 $0x16800;
	s22 =	simm.s32 $0x2;
	s23 =	simm.s32 $0x2800  }
0x5: {  	s24 =	simm.s32 $0x3000;
	s25 =	simm.s32 $0x3800;
	s26 =	simm.s32 $0x4000  }
0x6: {  	s28 =	simm.s32 $0x4800;
	s29 =	simm.s32 $0x0;
	s8 =	sand.u32 $0x1, s1  }
0x7: {  	[smem:$0x7FF] =	sst s4;
	s11 =	smul.u32 $0x2800, s2;
	s16 =	sadd.s32 $0x7400, s5  }
0x8: {  	s6 =	sshll.u32 s8, $0x4;
	s7 =	ssub.s32 $0x2, s8;
	_ =	strace $0x8000004D  }
0x9: {  	s15 =	smul.u32 $0x28000, s8;
	s6 =	sor.u32 s2, s6;
	s9 =	sshrl.u32 s7, $0x1  }
0xa: {  	s12 =	sadd.s32 $0x800, s11;
	s14 =	sadd.s32 $0x1000, s11;
	s18 =	sadd.s32 $0x1800, s11  }
0xb: {  	s19 =	sadd.s32 $0x2000, s11;
	s6 =	smul.u32 $0x280, s6;
	s17 =	ssub.s32 s7, s9  }
0xc: {  	s7 =	sadd.s32 s11, s3;
	s8 =	sadd.s32 s12, s3;
	s9 =	sadd.s32 s14, s3  }
0xd: {  	s10 =	sadd.s32 s18, s3;
	s13 =	sadd.s32 s11, s15;
	s12 =	sadd.s32 s15, s12  }
0xe: {  	s11 =	sadd.s32 s19, s3;
	s14 =	sadd.s32 s15, s14;
	s18 =	sadd.s32 s15, s18  }
0xf: {  	s15 =	sadd.s32 s15, s19;
	s13 =	sshrl.u32 s13, $0x3;
	s20 =	sshrl.u32 s12, $0x3  }
0x10: {  	s14 =	sshrl.u32 s14, $0x3;
	s18 =	sshrl.u32 s18, $0x3;
	s19 =	sshrl.u32 s15, $0x3  }
0x11: {  	s17 =	smax.u32 s17, $0x1;
	s6 =	sadd.s32 s6, s5;
	s12 =	sadd.s32 s16, s13  }
0x12: {  	s13 =	sadd.s32 s16, s20;
	s14 =	sadd.s32 s16, s14;
	s15 =	sadd.s32 s16, s18  }
0x13: {  	s16 =	sadd.s32 s16, s19;
	s18 =	simm.s32 $0x1400;
	s19 =	simm.s32 $0x1  }
0x14: {  	v0 =	vimm.f32 $0.0e+00;
	s20 =	simm.s32 $0x80;
	s5 =	sadd.s32 $0x11400, s6;
	s6 =	sadd.s32 $0x2400, s6  }
.LBB2_1:
0x15: {  	[tilespmem:s4], [sflag:$0x1] =	stream.linear.gather [hbm4b:s5+s4], $0x1400, $0x38;
	[tilespmem:$0x19800] =	vst v63  }
0x16: {  	_ = 	snop  }
0x17: {  	[tilespmem:s18], [sflag:$0x2] =	stream.linear.gather [hbm4b:s6+s4], $0x1400, $0x38;
	[tilespmem:$0x19800] =	vst v63  }
0x18: {  	_ =	swait.ge [sflag:s19], $0x1400  }
0x19: {  	[sflag:s19] =	ssyncset.done $0x0  }
0x1a: {  	s30 =	simm.s32 $0x2800;
	s31 =	simm.s32 $0x0;
	[sflag:s19] =	ssyncadd.s32 $0xFFFFEC00  }
.LBB2_2:
0x1b: {  	p0 =	sne.s32 s31, $0x4E00  }
.Ltmp0:
0x1c: {  	_ = 	snop;
	(pc) =	sbr.rel @p0 .LBB2_2-.Ltmp0, $4  }
0x1d: {  	_ = 	snop  }
0x1e: {  	s1 =	sshra.s32 s31, $0x2  }
0x1f: {  	[tilespmem:s30], [sflag:$0x1] =	stream.indirect.gather [hbm4b:s0+s20], $0x10, s1, s20, $0xb8;
	[tilespmem:$0x19800] =	vst v63  }
0x20: {  	s31 =	sadd.s32 $0x200, s31;
	s30 =	sadd.s32 $0x800, s30  }
0x21: {  	s30 =	simm.s32 $0x40;
	s31 =	simm.s32 $0x0  }
.LBB2_4:
0x22: {  	p0 =	sne.s32 s30, $0x1FC0;
	[tilespmem:s31+$0x16800] =	vst v0;
	s1 =	smov.u32 s30;
	s30 =	sadd.s32 $0x40, s30  }
.Ltmp1:
0x23: {  	(pc) =	sbr.rel @p0 .LBB2_4-.Ltmp1, $2  }
0x24: {  	_ =	sdelay $0x2  }
0x25: {  	s31 =	sshra.s32 s1, $0x2  }
0x26: {  	[tilespmem:s31+$0x16800] =	vst v0  }
0x27: {  	[spmem:s7] =	stream.linear.scatter [tilespmem:s21], [sflag:$0x2], $0x800, $0x38;
	[tilespmem:$0x19800] =	vst v63  }
0x28: {  	_ = 	snop  }
0x29: {  	[spmem:s8] =	stream.linear.scatter [tilespmem:s21], [sflag:$0x2], $0x800, $0x38;
	[tilespmem:$0x19800] =	vst v63  }
0x2a: {  	_ = 	snop  }
0x2b: {  	[spmem:s9] =	stream.linear.scatter [tilespmem:s21], [sflag:$0x2], $0x800, $0x38;
	[tilespmem:$0x19800] =	vst v63  }
0x2c: {  	_ = 	snop  }
0x2d: {  	[spmem:s10] =	stream.linear.scatter [tilespmem:s21], [sflag:$0x2], $0x800, $0x38;
	[tilespmem:$0x19800] =	vst v63  }
0x2e: {  	_ = 	snop  }
0x2f: {  	[spmem:s11] =	stream.linear.scatter [tilespmem:s21], [sflag:$0x2], $0x800, $0x38;
	[tilespmem:$0x19800] =	vst v63  }
0x30: {  	_ =	swait.ge [sflag:s22], $0x1400  }
0x31: {  	[sflag:s22] =	ssyncset.done $0x0  }
0x32: {  	[sflag:s22] =	ssyncadd.s32 $0xFFFFEC00  }
0x33: {  	_ =	swait.ge [sflag:s22], $0x2800  }
0x34: {  	[sflag:s22] =	ssyncset.done $0x0  }
0x35: {  	[sflag:s22] =	ssyncadd.s32 $0xFFFFD800  }
0x36: {  	[bflag:$0x0] =	sbarrier.arrive $0xFFFF  }
0x37: {  	_ =	swait.ge [sflag:s19], $0x14000  }
0x38: {  	s30 =	simm.s32 $0x2800;
	[sflag:s19] =	ssyncset.done $0x0  }
0x39: {  	s1 =	simm.s32 $0x1400;
	s31 =	simm.s32 $0x200;
	[sflag:s19] =	ssyncadd.s32 $0xFFFEC000  }
0x3a: {  	[spmem:s3] =	stream.indirect.scatter.add.f32 [tilespmem:s30], [sflag:$0x2], $0x10, s1, s20, $0xb8;
	[tilespmem:$0x19800] =	vst v63  }
.LBB2_6:
0x3b: {  	p0 =	sne.s32 s31, $0x4E00  }
.Ltmp2:
0x3c: {  	_ = 	snop;
	(pc) =	sbr.rel @p0 .LBB2_6-.Ltmp2, $4  }
0x3d: {  	_ = 	snop  }
0x3e: {  	s1 =	sshra.s32 s31, $0x2;
	s31 =	sadd.s32 $0x200, s31  }
0x3f: {  	s30 =	sadd.s32 $0x800, s30;
	s1 =	sadd.s32 $0x1400, s1  }
0x40: {  	[spmem:s3] =	stream.indirect.scatter.add.f32 [tilespmem:s30], [sflag:$0x2], $0x10, s1, s20, $0xb8;
	[tilespmem:$0x19800] =	vst v63  }
0x41: {  	_ =	swait.ge [sflag:s22], $0x14000  }
0x42: {  	[sflag:s22] =	ssyncset.done $0x0  }
0x43: {  	[sflag:s22] =	ssyncadd.s32 $0xFFFEC000  }
0x44: {  	[bflag:$0x0] =	sbarrier.arrive $0xFFFF  }
0x45: {  	[tilespmem:s23], [sflag:$0x1] =	stream.linear.gather [spmem:s7], $0x800, $0x38;
	[tilespmem:$0x19800] =	vst v63  }
0x46: {  	_ = 	snop  }
0x47: {  	[tilespmem:s24], [sflag:$0x1] =	stream.linear.gather [spmem:s8], $0x800, $0x38;
	[tilespmem:$0x19800] =	vst v63  }
0x48: {  	_ = 	snop  }
0x49: {  	[tilespmem:s25], [sflag:$0x1] =	stream.linear.gather [spmem:s9], $0x800, $0x38;
	[tilespmem:$0x19800] =	vst v63  }
0x4a: {  	_ = 	snop  }
0x4b: {  	[tilespmem:s26], [sflag:$0x1] =	stream.linear.gather [spmem:s10], $0x800, $0x38;
	[tilespmem:$0x19800] =	vst v63  }
0x4c: {  	_ = 	snop  }
0x4d: {  	[tilespmem:s28], [sflag:$0x1] =	stream.linear.gather [spmem:s11], $0x800, $0x38;
	[tilespmem:$0x19800] =	vst v63  }
0x4e: {  	_ =	swait.ge [sflag:s19], $0x2800  }
0x4f: {  	[sflag:s19] =	ssyncset.done $0x0  }
0x50: {  	[sflag:s19] =	ssyncadd.s32 $0xFFFFD800  }
0x51: {  	[hbm4b:s12+s4] =	stream.linear.scatter [tilespmem:s23], [sflag:$0x2], $0x800, $0x38;
	[tilespmem:$0x19800] =	vst v63  }
0x52: {  	_ = 	snop  }
0x53: {  	[hbm4b:s13+s4] =	stream.linear.scatter [tilespmem:s24], [sflag:$0x2], $0x800, $0x38;
	[tilespmem:$0x19800] =	vst v63  }
0x54: {  	s29 =	sadd.s32 $0x1, s29  }
0x55: {  	[hbm4b:s14+s4] =	stream.linear.scatter [tilespmem:s25], [sflag:$0x2], $0x800, $0x38;
	[tilespmem:$0x19800] =	vst v63  }
0x56: {  	p0 =	sne.s32 s29, s17  }
0x57: {  	[hbm4b:s15+s4] =	stream.linear.scatter [tilespmem:s26], [sflag:$0x2], $0x800, $0x38;
	[tilespmem:$0x19800] =	vst v63  }
.Ltmp3:
0x58: {  	_ = 	snop;
	(pc) =	sbr.rel @p0 .LBB2_1-.Ltmp3, $4  }
0x59: {  	[hbm4b:s16+s4] =	stream.linear.scatter [tilespmem:s28], [sflag:$0x2], $0x800, $0x38;
	[tilespmem:$0x19800] =	vst v63  }
0x5a: {  	_ =	swait.ge [sflag:s22], $0x2800  }
0x5b: {  	[sflag:s22] =	ssyncset.done $0x0  }
0x5c: {  	[sflag:s22] =	ssyncadd.s32 $0xFFFFD800  }
0x5d: {  	_ =	sfence.sel $0x180000  }
0x5e: {  	[bflag:$0x0] =	sbarrier.arrive $0xFFFF  }
0x5f: {  	_ =	strace $0x9000004D  }
0x60: {  	[bflag:$0x2] =	sbarrier.arrive $0xFFFF  }
0x61: {  	p0 =	sne.s32 s2, $0x0;
	s0 =	rddreg [dreg:$0x3]  }
0x62: {  	s0 =	sadd.s32 @!p0 $0x100000, s0  }
0x63: {  	[sflag:s0] =	ssyncadd.tile.s32 @!p0 $0x1;
	_ =	shalt  }
.Lfunc_end2:
_tile_overlayer_lowered:
.L_overlay_start_2:
0x64: {  	(tag) =	ssettag $0x2  }
0x65: {  	s0 =	rddreg [dreg:$0x0];
	s2 =	stileid.u32  }
0x66: {  	s1 =	rddreg [dreg:$0x1];
	p0 =	sne.s32 s2, $0x0  }
0x67: {  	s3 =	rddreg [dreg:$0x2];
	[bflag:$0x3] =	sbarrier.arrive $0xFFFF;
	s2 =	simm.s32 @!p0 $0x1C03  }
0x68: {  	[timem:s3], [sflag:s2] =	dma.local @!p0 [hbm:s0], s1  }
0x69: {  	s0 =	simm.s32 @!p0 $0x3  }
0x6a: {  	_ =	swait.ge @!p0 [sflag:s0], s1  }
0x6b: {  	s1 =	ssub.s32 @!p0 $0x0, s1;
	[sflag:s0] =	ssyncset.done @!p0 $0x0  }
0x6c: {  	[sflag:s0] =	ssyncadd.s32 @!p0 s1  }
0x6d: {  	[bflag:$0x3] =	sbarrier.arrive $0xFFFF  }
0x6e: {  	_ =	shalt  }

// kernel: kernel.9.cloned.1.call-start
scs
__scs_entry_jumppad:
0x0: {  	(pc) =	sbr.rel $0x88, $3  }
0x1: {  	(tag) =	ssettag $0x0;
	lr =	simm.s32 $0x1  }
0x2: {  	[smem:$0x3F9B] =	sst lr;
	_ =	strace $0xD0000000  }
0x3: {  	_ = 	snop  }
0x4: {  	_ = 	snop  }
0x5: {  	_ = 	snop  }
0x6: {  	_ = 	snop  }
0x7: {  	_ = 	snop  }
__scs_overlays_trampoline_lowered:
0x8: {  	[smem:$0x3FAA] =	sst s0  }
0x9: {  	[smem:$0x3FAB] =	sst s1  }
0xa: {  	[smem:$0x3FAC] =	sst s2  }
0xb: {  	[smem:$0x3FAD] =	sst s3  }
0xc: {  	[smem:$0x3FAE] =	sst s4  }
0xd: {  	[smem:$0x3FAF] =	sst s5  }
0xe: {  	[smem:$0x3FB0] =	sst s6  }
0xf: {  	[smem:$0x3FB1] =	sst s7  }
0x10: {  	[smem:$0x3FB2] =	sst s8  }
0x11: {  	[smem:$0x3FB3] =	sst s9;
	s0 =	simm.s32 @!p0 $0x0  }
0x12: {  	s1 =	sld [smem:$0x3F99];
	s0 =	simm.s32 @p0 $0x1  }
0x13: {  	[smem:$0x3FB4] =	sst s0;
	s0 =	simm.s32 @!p1 $0x0  }
0x14: {  	s2 =	sld [smem:$0x3F98];
	s0 =	simm.s32 @p1 $0x1  }
0x15: {  	[smem:$0x3FB5] =	sst s0;
	s0 =	simm.s32 @!p2 $0x0  }
0x16: {  	s3 =	sld [smem:$0x3FDB];
	s0 =	simm.s32 @p2 $0x1  }
0x17: {  	s4 =	simm.s32 $0x1BF5;
	[smem:$0x3FB7] =	sst s0  }
0x18: {  	s0 =	sld [smem:$0x3F9A];
	_ =	swait.ge [sflag:s4], $0x0  }
0x19: {  	s7 =	sld [smem:$0x3F9B]  }
0x1a: {  	s8 =	sadd.s32 $0xFFFFE003, lr  }
0x1b: {  	s9 =	sadd.s32 $0xFFFFFEF7, lr;
	s5 =	simm.s32 $0xFFFFFFFF;
	p2 =	slt.u32 s8, $0xFFFFF086  }
0x1c: {  	p1 =	slt.u32 s9, $0xF7A;
	s5 =	simm.s32 @!p2 $0x0  }
0x1d: {  	s5 =	simm.s32 @p1 $0x1;
	p0 =	seq.s32 s7, s2  }
0x1e: {  	s7 =	smul.u32 @!p0 $0xF7A, s2;
	p2 =	seq.s32 @!p0 s5, $0x0  }
0x1f: {  	s9 =	smul.u32 $0xF7A, s1;
	s8 =	simm.s32 @!p0 $0x1BF5;
	p2 =	por !p2, p0  }
0x20: {  	[sflag:s8] =	ssyncset.s32 @!p0 $0xFFFFF086;
	s6 =	sadd.s32 @!p0 s3, s7;
	s7 =	simm.s32 @!p0 $0x108  }
0x21: {  	s3 =	sadd.s32 s3, s9;
	s6 =	sadd.s32 @!p0 $0x88, s6;
	s7 =	simm.s32 @p2 $0x1082  }
0x22: {  	[simem:s7], [sflag:s8] =	dma.local @!p0 [hbm:s6], $0xF7A  }
0x23: {  	s9 =	sor.u32 $0xD0000000, s2;
	s6 =	simm.s32 $0x108;
	_ =	swait.ge @!p0 [sflag:s8], $0x0  }
0x24: {  	s3 =	sadd.s32 $0x88, s3;
	s6 =	simm.s32 @!p1 $0x1082;
	[sflag:s4] =	ssyncset.s32 $0xFFFFF086  }
0x25: {  	[simem:s6], [sflag:s4] =	dma.local [hbm:s3], $0xF7A  }
0x26: {  	[smem:$0x3F9B] =	sst s1;
	(tag) =	ssettag s2;
	_ =	strace s9  }
0x27: {  	s1 =	sld [smem:$0x3FAB]  }
0x28: {  	s2 =	sld [smem:$0x3FAC]  }
0x29: {  	s4 =	sld [smem:$0x3FAE]  }
0x2a: {  	p0 =	seq.s32 s5, $0x0;
	s5 =	sld [smem:$0x3FAF]  }
0x2b: {  	s6 =	sld [smem:$0x3FB0]  }
0x2c: {  	s7 =	sld [smem:$0x3FB1]  }
0x2d: {  	s3 =	simm.s32 $0x108;
	s8 =	sld [smem:$0x3FB2]  }
0x2e: {  	s3 =	simm.s32 @!p0 $0x1082;
	s9 =	sld [smem:$0x3FB3]  }
0x2f: {  	lr =	sadd.s32 s0, s3;
	s0 =	sld [smem:$0x3FAA]  }
0x30: {  	s3 =	sld [smem:$0x3FAD]  }
0x31: {  	[smem:$0x3FB6] =	sst s10  }
0x32: {  	s10 =	sld [smem:$0x3FB4];
	_ =	sdelay $0x3  }
0x33: {  	p0 =	seq.s32 s10, $0x1;
	s10 =	sld [smem:$0x3FB6];
	_ =	sdelay $0x3  }
0x34: {  	[smem:$0x3FB6] =	sst s10  }
0x35: {  	s10 =	sld [smem:$0x3FB5];
	_ =	sdelay $0x3  }
0x36: {  	p1 =	seq.s32 s10, $0x1;
	s10 =	sld [smem:$0x3FB6];
	_ =	sdelay $0x3  }
0x37: {  	[smem:$0x3FB6] =	sst s10  }
0x38: {  	s10 =	sld [smem:$0x3FB7]  }
0x39: {  	_ = 	snop;
	(pc) =	sbr.ind lr, $3  }
0x3a: {  	_ = 	snop  }
0x3b: {  	_ = 	snop  }
0x3c: {  	p2 =	seq.s32 s10, $0x1;
	s10 =	sld [smem:$0x3FB6]  }
0x3d: {  	_ =	shalt  }
0x3e: {  	_ =	shalt  }
0x3f: {  	_ =	shalt  }
0x40: {  	_ =	shalt  }
0x41: {  	_ =	shalt  }
0x42: {  	_ =	shalt  }
0x43: {  	_ =	shalt  }
0x44: {  	_ =	shalt  }
0x45: {  	_ =	shalt  }
0x46: {  	_ =	shalt  }
0x47: {  	_ =	shalt  }
0x48: {  	_ =	shalt  }
0x49: {  	_ =	shalt  }
0x4a: {  	_ =	shalt  }
0x4b: {  	_ =	shalt  }
0x4c: {  	_ =	shalt  }
0x4d: {  	_ =	shalt  }
0x4e: {  	_ =	shalt  }
0x4f: {  	_ =	shalt  }
0x50: {  	_ =	shalt  }
0x51: {  	_ =	shalt  }
0x52: {  	_ =	shalt  }
0x53: {  	_ =	shalt  }
0x54: {  	_ =	shalt  }
0x55: {  	_ =	shalt  }
0x56: {  	_ =	shalt  }
0x57: {  	_ =	shalt  }
0x58: {  	_ =	shalt  }
0x59: {  	_ =	shalt  }
0x5a: {  	_ =	shalt  }
0x5b: {  	_ =	shalt  }
0x5c: {  	_ =	shalt  }
0x5d: {  	_ =	shalt  }
0x5e: {  	_ =	shalt  }
0x5f: {  	_ =	shalt  }
0x60: {  	_ =	shalt  }
0x61: {  	_ =	shalt  }
0x62: {  	_ =	shalt  }
0x63: {  	_ =	shalt  }
0x64: {  	_ =	shalt  }
0x65: {  	_ =	shalt  }
0x66: {  	_ =	shalt  }
0x67: {  	_ =	shalt  }
0x68: {  	_ =	shalt  }
0x69: {  	_ =	shalt  }
0x6a: {  	_ =	shalt  }
0x6b: {  	_ =	shalt  }
0x6c: {  	_ =	shalt  }
0x6d: {  	_ =	shalt  }
0x6e: {  	_ =	shalt  }
0x6f: {  	_ =	shalt  }
0x70: {  	_ =	shalt  }
0x71: {  	_ =	shalt  }
0x72: {  	_ =	shalt  }
0x73: {  	_ =	shalt  }
0x74: {  	_ =	shalt  }
0x75: {  	_ =	shalt  }
0x76: {  	_ =	shalt  }
0x77: {  	_ =	shalt  }
0x78: {  	_ =	shalt  }
0x79: {  	_ =	shalt  }
0x7a: {  	_ =	shalt  }
0x7b: {  	_ =	shalt  }
0x7c: {  	_ =	shalt  }
0x7d: {  	_ =	shalt  }
0x7e: {  	_ =	shalt  }
0x7f: {  	_ =	shalt  }
0x80: {  	_ =	shalt  }
0x81: {  	_ =	shalt  }
0x82: {  	_ =	shalt  }
0x83: {  	_ =	shalt  }
0x84: {  	_ =	shalt  }
0x85: {  	_ =	shalt  }
0x86: {  	_ =	shalt  }
0x87: {  	_ =	shalt  }
.Lfunc_end0:
.L_simem_size_0:
called_computation_lowered:
.L_overlay_start_0:
0x88: {  	s2 =	sld [smem:$0x3FD9]  }
0x89: {  	s3 =	sld [smem:$0x3FFE];
	_ =	sdelay $0x1  }
0x8a: {  	s1 =	srdreg.scid  }
0x8b: {  	s0 =	sand.u32 $0x1, s1  }
0x8c: {  	s16 =	sshll.u32 s0, $0xA;
	s2 =	sadd.s32 s3, s2  }
0x8d: {  	s2 =	sadd.s32 s2, s16  }
0x8e: {  	[smem:$0x3FC2] =	sst s2  }
0x8f: {  	_ = 	snop  }
0x90: {  	(tm) =	ssettm $0x1  }
0x91: {  	s17 =	sld [smem:$0x3FFB];
	_ =	sdelay $0x3  }
0x92: {  	_ =	strace s17  }
0x93: {  	s2 =	sld [smem:$0x3FFC];
	_ =	sdelay $0x3  }
0x94: {  	_ =	strace s2  }
0x95: {  	s2 =	sld [smem:$0x3FFD];
	_ =	sdelay $0x3  }
0x96: {  	_ =	strace s2  }
0x97: {  	_ =	strace $0x8FFFFFFF  }
0x98: {  	s18 =	sld [smem:$0x3FDB];
	_ =	sdelay $0x1  }
0x99: {  	s19 =	simm.s32 $_scs_section_size  }
0x9a: {  	s4 =	simm.s32 $_size__tile_overlayer_lowered;
	s5 =	simm.s32 $_tile_overlayer_lowered  }
0x9b: {  	s22 =	simm.s32 $0x1BFF;
	s21 =	sshll.u32 s5, $0x1;
	s2 =	sadd.s32 s19, s18  }
0x9c: {  	s6 =	simm.s32 $0x0;
	s20 =	sshll.u32 s4, $0x1;
	s4 =	sadd.s32 s21, s2  }
0x9d: {  	[timem:s6], [sflag:s22] =	dma.local [hbm:s4], s20  }
0x9e: {  	_ =	swait.ge [sflag:s22], s20  }
0x9f: {  	s3 =	ssub.s32 $0x0, s20;
	[sflag:s22] =	ssyncset.done $0x0  }
0xa0: {  	[sflag:s22] =	ssyncadd.s32 s3;
	_ =	sdelay $0x1  }
0xa1: {  	s23 =	simm.s32 $0x1B8B  }
0xa2: {  	_ =	swait.ge [sflag:s23], $0x1  }
0xa3: {  	[sflag:s23] =	ssyncset.done $0x0  }
0xa4: {  	s25 =	simm.s32 $0x1B8E;
	s24 =	sld [smem:$0x3FFE];
	[sflag:s23] =	ssyncadd.s32 $0xFFFFFFFF  }
0xa5: {  	s26 =	simm.s32 $execute0_lowered;
	[smem:$0x3FD2] =	sst s25  }
0xa6: {  	s4 =	sshll.u32 s26, $0x1;
	_ =	strace $0x80000046;
	[dreg:$0x1] =	wrdreg $0xFFFFFFFF  }
0xa7: {  	s28 =	simm.s32 $_size_execute0_lowered;
	s2 =	sadd.s32 s2, s4;
	[dreg:$0x0] =	wrdreg $0x0  }
0xa8: {  	s4 =	sshll.u32 s28, $0x1;
	[dreg:$0x2] =	wrdreg s2  }
0xa9: {  	[dreg:$0x3] =	wrdreg s4  }
0xaa: {  	[dreg:$0x4] =	wrdreg $0xC0  }
0xab: {  	_ =	task [dreg:s6], $0x5FFFF  }
0xac: {  	[dreg:$0x1] =	wrdreg $0xFFFFFFFF  }
0xad: {  	[dreg:$0x0] =	wrdreg $0x60  }
0xae: {  	[dreg:$0x2] =	wrdreg s24  }
0xaf: {  	[dreg:$0x3] =	wrdreg $0x44000  }
0xb0: {  	[dreg:$0x4] =	wrdreg $0x9  }
0xb1: {  	_ =	task.clear_ibuf [dreg:s6], $0x5FFFF;
	_ =	strace $0x90000046  }
0xb2: {  	s29 =	simm.s32 $0x9;
	_ =	strace $0x80000048  }
0xb3: {  	_ =	swait.ge [sflag:s29], $0x1  }
0xb4: {  	[sflag:s29] =	ssyncadd.s32 $0xFFFFFFFF  }
0xb5: {  	_ =	strace $0x90000048  }
0xb6: {  	_ =	sfence  }
0xb7: {  	s30 =	sld [smem:$0x0];
	_ =	sdelay $0x2  }
0xb8: {  	s31 =	sshll.u32 s1, $0xD;
	s1 =	sshrl.u32 s1, $0x2  }
0xb9: {  	s3 =	sand.u32 $0x4000, s31;
	s1 =	sadd.s32 s1, s30  }
0xba: {  	s0 =	sor.u32 s3, s0;
	s1 =	sshll.u32 s1, $0x11  }
0xbb: {  	s0 =	sor.u32 s1, s0  }
0xbc: {  	s0 =	sadd.s32 $0x8F2B, s0  }
0xbd: {  	[sflag:s0] =	ssyncadd.remote.s32 $0x1  }
0xbe: {  	_ =	sfence.sel $0xFFFF  }
0xbf: {  	[dreg:$0x0] =	wrdreg $0xFFFFFFFF;
	(pc) =	sbr.abs _section_cstart, $3  }
0xc0: {  	[dreg:$0x1] =	wrdreg $0xFFFFFFFF  }
0xc1: {  	_ =	task.clear_ibuf [dreg:s6], $0x2FFFF;
	_ =	strace $0x9FFFFFFF  }
0xc2: {  	(tm) =	ssettm $0x7FFFFFFF  }
0xc3: {  	_ =	shalt  }
tec
execute0_lowered:
.L_overlay_start_1:
0x0: {  	(tag) =	ssettag $0x1  }
0x1: {  	s0 =	srdreg.scid;
	s1 =	rddreg [dreg:$0x0]  }
0x2: {  	s2 =	rddreg [dreg:$0x1];
	s7 =	stileid.u32;
	s3 =	simm.s32 $0x0  }
0x3: {  	s17 =	simm.s32 $0x1;
	s18 =	simm.s32 $0x2;
	s19 =	simm.s32 $0x80  }
0x4: {  	s20 =	simm.s32 $0x1400;
	s31 =	simm.s32 $0x1180;
	s21 =	simm.s32 $0x1300  }
0x5: {  	s22 =	simm.s32 $0x1380;
	s23 =	simm.s32 $0x2400;
	s24 =	simm.s32 $0x2C00  }
0x6: {  	s25 =	simm.s32 $0x3400;
	s26 =	simm.s32 $0x3C00;
	s28 =	simm.s32 $0x0  }
0x7: {  	s0 =	sand.u32 $0x1, s0;
	[smem:$0x7FF] =	sst s3;
	s9 =	smul.u32 $0x2800, s7  }
0x8: {  	s4 =	sshll.u32 s0, $0x4;
	s5 =	ssub.s32 $0x2, s0;
	_ =	strace $0x80000047  }
0x9: {  	s0 =	smul.u32 $0x28000, s0;
	s4 =	sor.u32 s7, s4;
	s6 =	sshrl.u32 s5, $0x1  }
0xa: {  	s10 =	sadd.s32 $0x800, s9;
	s12 =	sadd.s32 $0x1000, s9;
	s13 =	sadd.s32 $0x1800, s9  }
0xb: {  	s14 =	sadd.s32 $0x2000, s9;
	s4 =	smul.u32 $0x280, s4;
	s15 =	ssub.s32 s5, s6  }
0xc: {  	s5 =	sadd.s32 s9, s2;
	s6 =	sadd.s32 s10, s2;
	s7 =	sadd.s32 s12, s2  }
0xd: {  	s8 =	sadd.s32 s13, s2;
	s11 =	sadd.s32 s9, s0;
	s10 =	sadd.s32 s0, s10  }
0xe: {  	s9 =	sadd.s32 s14, s2;
	s12 =	sadd.s32 s0, s12;
	s13 =	sadd.s32 s0, s13  }
0xf: {  	s0 =	sadd.s32 s0, s14;
	s11 =	sshrl.u32 s11, $0x3;
	s16 =	sshrl.u32 s10, $0x3  }
0x10: {  	s12 =	sshrl.u32 s12, $0x3;
	s13 =	sshrl.u32 s13, $0x3;
	s0 =	sshrl.u32 s0, $0x3  }
0x11: {  	s15 =	smax.u32 s15, $0x1;
	s4 =	sadd.s32 s4, s1;
	s1 =	sadd.s32 $0x7400, s1  }
0x12: {  	s4 =	sadd.s32 $0x2400, s4;
	s10 =	sadd.s32 s1, s11;
	s11 =	sadd.s32 s1, s16  }
0x13: {  	s12 =	sadd.s32 s1, s12;
	s13 =	sadd.s32 s1, s13;
	s14 =	sadd.s32 s1, s0  }
0x14: {  	v0 =	vimm.f32 $1.000000000e+00;
	v1 =	vimm.f32 $0.0e+00;
	s16 =	simm.s32 $0x1C00;
	s0 =	simm.s32 $0x1200;
	s1 =	simm.s32 $0x1280  }
.LBB2_1:
0x15: {  	[tilespmem:s3], [sflag:$0x1] =	stream.linear.gather [hbm4b:s4+s3], $0x1400, $0x38;
	[tilespmem:$0x6C00] =	vst v63  }
0x16: {  	s29 =	simm.s32 $0x40;
	s30 =	simm.s32 $0x0  }
.LBB2_2:
0x17: {  	p0 =	sne.s32 s29, $0x1FC0;
	[tilespmem:s30+$0x1400] =	vst v0;
	s30 =	smov.u32 s29;
	s29 =	sadd.s32 $0x40, s29  }
.Ltmp0:
0x18: {  	(pc) =	sbr.rel @p0 .LBB2_2-.Ltmp0, $2  }
0x19: {  	_ =	sdelay $0x2  }
0x1a: {  	s30 =	sshra.s32 s30, $0x2  }
0x1b: {  	[tilespmem:s30+$0x1400] =	vst v0  }
0x1c: {  	[tilespmem:$0x1C00] =	vst v1  }
0x1d: {  	[tilespmem:$0x1C10] =	vst v1  }
0x1e: {  	[tilespmem:$0x1C20] =	vst v1  }
0x1f: {  	[tilespmem:$0x1C30] =	vst v1  }
0x20: {  	[tilespmem:$0x1C40] =	vst v1  }
0x21: {  	[tilespmem:$0x1C50] =	vst v1  }
0x22: {  	[tilespmem:$0x1C60] =	vst v1  }
0x23: {  	[tilespmem:$0x1C70] =	vst v1  }
0x24: {  	[tilespmem:$0x1C80] =	vst v1  }
0x25: {  	[tilespmem:$0x1C90] =	vst v1  }
0x26: {  	[tilespmem:$0x1CA0] =	vst v1  }
0x27: {  	[tilespmem:$0x1CB0] =	vst v1  }
0x28: {  	[tilespmem:$0x1CC0] =	vst v1  }
0x29: {  	[tilespmem:$0x1CD0] =	vst v1  }
0x2a: {  	[tilespmem:$0x1CE0] =	vst v1  }
0x2b: {  	[tilespmem:$0x1CF0] =	vst v1  }
0x2c: {  	[tilespmem:$0x1D00] =	vst v1  }
0x2d: {  	[tilespmem:$0x1D10] =	vst v1  }
0x2e: {  	[tilespmem:$0x1D20] =	vst v1  }
0x2f: {  	[tilespmem:$0x1D30] =	vst v1  }
0x30: {  	[tilespmem:$0x1D40] =	vst v1  }
0x31: {  	[tilespmem:$0x1D50] =	vst v1  }
0x32: {  	[tilespmem:$0x1D60] =	vst v1  }
0x33: {  	[tilespmem:$0x1D70] =	vst v1  }
0x34: {  	[tilespmem:$0x1D80] =	vst v1  }
0x35: {  	[tilespmem:$0x1D90] =	vst v1  }
0x36: {  	[tilespmem:$0x1DA0] =	vst v1  }
0x37: {  	[tilespmem:$0x1DB0] =	vst v1  }
0x38: {  	[tilespmem:$0x1DC0] =	vst v1  }
0x39: {  	[tilespmem:$0x1DD0] =	vst v1  }
0x3a: {  	[tilespmem:$0x1DE0] =	vst v1  }
0x3b: {  	[tilespmem:$0x1DF0] =	vst v1  }
0x3c: {  	[tilespmem:$0x1E00] =	vst v1  }
0x3d: {  	[tilespmem:$0x1E10] =	vst v1  }
0x3e: {  	[tilespmem:$0x1E20] =	vst v1  }
0x3f: {  	[tilespmem:$0x1E30] =	vst v1  }
0x40: {  	[tilespmem:$0x1E40] =	vst v1  }
0x41: {  	[tilespmem:$0x1E50] =	vst v1  }
0x42: {  	[tilespmem:$0x1E60] =	vst v1  }
0x43: {  	[tilespmem:$0x1E70] =	vst v1  }
0x44: {  	[tilespmem:$0x1E80] =	vst v1  }
0x45: {  	[tilespmem:$0x1E90] =	vst v1  }
0x46: {  	[tilespmem:$0x1EA0] =	vst v1  }
0x47: {  	[tilespmem:$0x1EB0] =	vst v1  }
0x48: {  	[tilespmem:$0x1EC0] =	vst v1  }
0x49: {  	[tilespmem:$0x1ED0] =	vst v1  }
0x4a: {  	[tilespmem:$0x1EE0] =	vst v1  }
0x4b: {  	[tilespmem:$0x1EF0] =	vst v1  }
0x4c: {  	[tilespmem:$0x1F00] =	vst v1  }
0x4d: {  	[tilespmem:$0x1F10] =	vst v1  }
0x4e: {  	[tilespmem:$0x1F20] =	vst v1  }
0x4f: {  	[tilespmem:$0x1F30] =	vst v1  }
0x50: {  	[tilespmem:$0x1F40] =	vst v1  }
0x51: {  	[tilespmem:$0x1F50] =	vst v1  }
0x52: {  	[tilespmem:$0x1F60] =	vst v1  }
0x53: {  	[tilespmem:$0x1F70] =	vst v1  }
0x54: {  	[tilespmem:$0x1F80] =	vst v1  }
0x55: {  	[tilespmem:$0x1F90] =	vst v1  }
0x56: {  	[tilespmem:$0x1FA0] =	vst v1  }
0x57: {  	[tilespmem:$0x1FB0] =	vst v1  }
0x58: {  	[tilespmem:$0x1FC0] =	vst v1  }
0x59: {  	[tilespmem:$0x1FD0] =	vst v1  }
0x5a: {  	[tilespmem:$0x1FE0] =	vst v1  }
0x5b: {  	[tilespmem:$0x1FF0] =	vst v1  }
0x5c: {  	[tilespmem:$0x2000] =	vst v1  }
0x5d: {  	[tilespmem:$0x2010] =	vst v1  }
0x5e: {  	[tilespmem:$0x2020] =	vst v1  }
0x5f: {  	[tilespmem:$0x2030] =	vst v1  }
0x60: {  	[tilespmem:$0x2040] =	vst v1  }
0x61: {  	[tilespmem:$0x2050] =	vst v1  }
0x62: {  	[tilespmem:$0x2060] =	vst v1  }
0x63: {  	[tilespmem:$0x2070] =	vst v1  }
0x64: {  	[tilespmem:$0x2080] =	vst v1  }
0x65: {  	[tilespmem:$0x2090] =	vst v1  }
0x66: {  	[tilespmem:$0x20A0] =	vst v1  }
0x67: {  	[tilespmem:$0x20B0] =	vst v1  }
0x68: {  	[tilespmem:$0x20C0] =	vst v1  }
0x69: {  	[tilespmem:$0x20D0] =	vst v1  }
0x6a: {  	[tilespmem:$0x20E0] =	vst v1  }
0x6b: {  	[tilespmem:$0x20F0] =	vst v1  }
0x6c: {  	[tilespmem:$0x2100] =	vst v1  }
0x6d: {  	[tilespmem:$0x2110] =	vst v1  }
0x6e: {  	[tilespmem:$0x2120] =	vst v1  }
0x6f: {  	[tilespmem:$0x2130] =	vst v1  }
0x70: {  	[tilespmem:$0x2140] =	vst v1  }
0x71: {  	[tilespmem:$0x2150] =	vst v1  }
0x72: {  	[tilespmem:$0x2160] =	vst v1  }
0x73: {  	[tilespmem:$0x2170] =	vst v1  }
0x74: {  	[tilespmem:$0x2180] =	vst v1  }
0x75: {  	[tilespmem:$0x2190] =	vst v1  }
0x76: {  	[tilespmem:$0x21A0] =	vst v1  }
0x77: {  	[tilespmem:$0x21B0] =	vst v1  }
0x78: {  	[tilespmem:$0x21C0] =	vst v1  }
0x79: {  	[tilespmem:$0x21D0] =	vst v1  }
0x7a: {  	[tilespmem:$0x21E0] =	vst v1  }
0x7b: {  	[tilespmem:$0x21F0] =	vst v1  }
0x7c: {  	[tilespmem:$0x2200] =	vst v1  }
0x7d: {  	[tilespmem:$0x2210] =	vst v1  }
0x7e: {  	[tilespmem:$0x2220] =	vst v1  }
0x7f: {  	[tilespmem:$0x2230] =	vst v1  }
0x80: {  	[tilespmem:$0x2240] =	vst v1  }
0x81: {  	[tilespmem:$0x2250] =	vst v1  }
0x82: {  	[tilespmem:$0x2260] =	vst v1  }
0x83: {  	[tilespmem:$0x2270] =	vst v1  }
0x84: {  	[tilespmem:$0x2280] =	vst v1  }
0x85: {  	[tilespmem:$0x2290] =	vst v1  }
0x86: {  	[tilespmem:$0x22A0] =	vst v1  }
0x87: {  	[tilespmem:$0x22B0] =	vst v1  }
0x88: {  	[tilespmem:$0x22C0] =	vst v1  }
0x89: {  	[tilespmem:$0x22D0] =	vst v1  }
0x8a: {  	[tilespmem:$0x22E0] =	vst v1  }
0x8b: {  	[tilespmem:$0x22F0] =	vst v1  }
0x8c: {  	[tilespmem:$0x2300] =	vst v1  }
0x8d: {  	[tilespmem:$0x2310] =	vst v1  }
0x8e: {  	[tilespmem:$0x2320] =	vst v1  }
0x8f: {  	[tilespmem:$0x2330] =	vst v1  }
0x90: {  	[tilespmem:$0x2340] =	vst v1  }
0x91: {  	[tilespmem:$0x2350] =	vst v1  }
0x92: {  	[tilespmem:$0x2360] =	vst v1  }
0x93: {  	[tilespmem:$0x2370] =	vst v1  }
0x94: {  	[tilespmem:$0x2380] =	vst v1  }
0x95: {  	[tilespmem:$0x2390] =	vst v1  }
0x96: {  	[tilespmem:$0x23A0] =	vst v1  }
0x97: {  	[tilespmem:$0x23B0] =	vst v1  }
0x98: {  	[tilespmem:$0x23C0] =	vst v1  }
0x99: {  	[tilespmem:$0x23D0] =	vst v1  }
0x9a: {  	[tilespmem:$0x23E0] =	vst v1  }
0x9b: {  	[tilespmem:$0x23F0] =	vst v1  }
0x9c: {  	[spmem:s5] =	stream.linear.scatter [tilespmem:s16], [sflag:$0x2], $0x800, $0x38;
	[tilespmem:$0x6C00] =	vst v63  }
0x9d: {  	_ = 	snop  }
0x9e: {  	[spmem:s6] =	stream.linear.scatter [tilespmem:s16], [sflag:$0x2], $0x800, $0x38;
	[tilespmem:$0x6C00] =	vst v63  }
0x9f: {  	_ = 	snop  }
0xa0: {  	[spmem:s7] =	stream.linear.scatter [tilespmem:s16], [sflag:$0x2], $0x800, $0x38;
	[tilespmem:$0x6C00] =	vst v63  }
0xa1: {  	_ = 	snop  }
0xa2: {  	[spmem:s8] =	stream.linear.scatter [tilespmem:s16], [sflag:$0x2], $0x800, $0x38;
	[tilespmem:$0x6C00] =	vst v63  }
0xa3: {  	_ = 	snop  }
0xa4: {  	[spmem:s9] =	stream.linear.scatter [tilespmem:s16], [sflag:$0x2], $0x800, $0x38;
	[tilespmem:$0x6C00] =	vst v63  }
0xa5: {  	_ =	swait.ge [sflag:s17], $0x1400  }
0xa6: {  	[sflag:s17] =	ssyncset.done $0x0  }
0xa7: {  	[sflag:s17] =	ssyncadd.s32 $0xFFFFEC00  }
0xa8: {  	_ =	swait.ge [sflag:s18], $0x2800  }
0xa9: {  	[sflag:s18] =	ssyncset.done $0x0  }
0xaa: {  	[sflag:s18] =	ssyncadd.s32 $0xFFFFD800  }
0xab: {  	[bflag:$0x0] =	sbarrier.arrive $0xFFFF  }
0xac: {  	[spmem:s2] =	stream.indirect.scatter.add.f32 [tilespmem:s20], [sflag:$0x2], $0x10, s3, s19, $0xb8;
	[tilespmem:$0x6C00] =	vst v63  }
0xad: {  	_ = 	snop  }
0xae: {  	[spmem:s2] =	stream.indirect.scatter.add.f32 [tilespmem:s20], [sflag:$0x2], $0x10, s19, s19, $0xb8;
	[tilespmem:$0x6C00] =	vst v63  }
0xaf: {  	s29 =	simm.s32 $0x100  }
0xb0: {  	[spmem:s2] =	stream.indirect.scatter.add.f32 [tilespmem:s20], [sflag:$0x2], $0x10, s29, s19, $0xb8;
	[tilespmem:$0x6C00] =	vst v63  }
0xb1: {  	s29 =	simm.s32 $0x180  }
0xb2: {  	[spmem:s2] =	stream.indirect.scatter.add.f32 [tilespmem:s20], [sflag:$0x2], $0x10, s29, s19, $0xb8;
	[tilespmem:$0x6C00] =	vst v63  }
0xb3: {  	s29 =	simm.s32 $0x200  }
0xb4: {  	[spmem:s2] =	stream.indirect.scatter.add.f32 [tilespmem:s20], [sflag:$0x2], $0x10, s29, s19, $0xb8;
	[tilespmem:$0x6C00] =	vst v63  }
0xb5: {  	s29 =	simm.s32 $0x280  }
0xb6: {  	[spmem:s2] =	stream.indirect.scatter.add.f32 [tilespmem:s20], [sflag:$0x2], $0x10, s29, s19, $0xb8;
	[tilespmem:$0x6C00] =	vst v63  }
0xb7: {  	s29 =	simm.s32 $0x300  }
0xb8: {  	[spmem:s2] =	stream.indirect.scatter.add.f32 [tilespmem:s20], [sflag:$0x2], $0x10, s29, s19, $0xb8;
	[tilespmem:$0x6C00] =	vst v63  }
0xb9: {  	s29 =	simm.s32 $0x380  }
0xba: {  	[spmem:s2] =	stream.indirect.scatter.add.f32 [tilespmem:s20], [sflag:$0x2], $0x10, s29, s19, $0xb8;
	[tilespmem:$0x6C00] =	vst v63  }
0xbb: {  	s29 =	simm.s32 $0x400  }
0xbc: {  	[spmem:s2] =	stream.indirect.scatter.add.f32 [tilespmem:s20], [sflag:$0x2], $0x10, s29, s19, $0xb8;
	[tilespmem:$0x6C00] =	vst v63  }
0xbd: {  	s29 =	simm.s32 $0x480  }
0xbe: {  	[spmem:s2] =	stream.indirect.scatter.add.f32 [tilespmem:s20], [sflag:$0x2], $0x10, s29, s19, $0xb8;
	[tilespmem:$0x6C00] =	vst v63  }
0xbf: {  	s29 =	simm.s32 $0x500  }
0xc0: {  	[spmem:s2] =	stream.indirect.scatter.add.f32 [tilespmem:s20], [sflag:$0x2], $0x10, s29, s19, $0xb8;
	[tilespmem:$0x6C00] =	vst v63  }
0xc1: {  	s29 =	simm.s32 $0x580  }
0xc2: {  	[spmem:s2] =	stream.indirect.scatter.add.f32 [tilespmem:s20], [sflag:$0x2], $0x10, s29, s19, $0xb8;
	[tilespmem:$0x6C00] =	vst v63  }
0xc3: {  	s29 =	simm.s32 $0x600  }
0xc4: {  	[spmem:s2] =	stream.indirect.scatter.add.f32 [tilespmem:s20], [sflag:$0x2], $0x10, s29, s19, $0xb8;
	[tilespmem:$0x6C00] =	vst v63  }
0xc5: {  	s29 =	simm.s32 $0x680  }
0xc6: {  	[spmem:s2] =	stream.indirect.scatter.add.f32 [tilespmem:s20], [sflag:$0x2], $0x10, s29, s19, $0xb8;
	[tilespmem:$0x6C00] =	vst v63  }
0xc7: {  	s29 =	simm.s32 $0x700  }
0xc8: {  	[spmem:s2] =	stream.indirect.scatter.add.f32 [tilespmem:s20], [sflag:$0x2], $0x10, s29, s19, $0xb8;
	[tilespmem:$0x6C00] =	vst v63  }
0xc9: {  	s29 =	simm.s32 $0x780  }
0xca: {  	[spmem:s2] =	stream.indirect.scatter.add.f32 [tilespmem:s20], [sflag:$0x2], $0x10, s29, s19, $0xb8;
	[tilespmem:$0x6C00] =	vst v63  }
0xcb: {  	s29 =	simm.s32 $0x800  }
0xcc: {  	[spmem:s2] =	stream.indirect.scatter.add.f32 [tilespmem:s20], [sflag:$0x2], $0x10, s29, s19, $0xb8;
	[tilespmem:$0x6C00] =	vst v63  }
0xcd: {  	s29 =	simm.s32 $0x880  }
0xce: {  	[spmem:s2] =	stream.indirect.scatter.add.f32 [tilespmem:s20], [sflag:$0x2], $0x10, s29, s19, $0xb8;
	[tilespmem:$0x6C00] =	vst v63  }
0xcf: {  	s29 =	simm.s32 $0x900  }
0xd0: {  	[spmem:s2] =	stream.indirect.scatter.add.f32 [tilespmem:s20], [sflag:$0x2], $0x10, s29, s19, $0xb8;
	[tilespmem:$0x6C00] =	vst v63  }
0xd1: {  	s29 =	simm.s32 $0x980  }
0xd2: {  	[spmem:s2] =	stream.indirect.scatter.add.f32 [tilespmem:s20], [sflag:$0x2], $0x10, s29, s19, $0xb8;
	[tilespmem:$0x6C00] =	vst v63  }
0xd3: {  	s29 =	simm.s32 $0xA00  }
0xd4: {  	[spmem:s2] =	stream.indirect.scatter.add.f32 [tilespmem:s20], [sflag:$0x2], $0x10, s29, s19, $0xb8;
	[tilespmem:$0x6C00] =	vst v63  }
0xd5: {  	s29 =	simm.s32 $0xA80  }
0xd6: {  	[spmem:s2] =	stream.indirect.scatter.add.f32 [tilespmem:s20], [sflag:$0x2], $0x10, s29, s19, $0xb8;
	[tilespmem:$0x6C00] =	vst v63  }
0xd7: {  	s29 =	simm.s32 $0xB00  }
0xd8: {  	[spmem:s2] =	stream.indirect.scatter.add.f32 [tilespmem:s20], [sflag:$0x2], $0x10, s29, s19, $0xb8;
	[tilespmem:$0x6C00] =	vst v63  }
0xd9: {  	s29 =	simm.s32 $0xB80  }
0xda: {  	[spmem:s2] =	stream.indirect.scatter.add.f32 [tilespmem:s20], [sflag:$0x2], $0x10, s29, s19, $0xb8;
	[tilespmem:$0x6C00] =	vst v63  }
0xdb: {  	s29 =	simm.s32 $0xC00  }
0xdc: {  	[spmem:s2] =	stream.indirect.scatter.add.f32 [tilespmem:s20], [sflag:$0x2], $0x10, s29, s19, $0xb8;
	[tilespmem:$0x6C00] =	vst v63  }
0xdd: {  	s29 =	simm.s32 $0xC80  }
0xde: {  	[spmem:s2] =	stream.indirect.scatter.add.f32 [tilespmem:s20], [sflag:$0x2], $0x10, s29, s19, $0xb8;
	[tilespmem:$0x6C00] =	vst v63  }
0xdf: {  	s29 =	simm.s32 $0xD00  }
0xe0: {  	[spmem:s2] =	stream.indirect.scatter.add.f32 [tilespmem:s20], [sflag:$0x2], $0x10, s29, s19, $0xb8;
	[tilespmem:$0x6C00] =	vst v63  }
0xe1: {  	s29 =	simm.s32 $0xD80  }
0xe2: {  	[spmem:s2] =	stream.indirect.scatter.add.f32 [tilespmem:s20], [sflag:$0x2], $0x10, s29, s19, $0xb8;
	[tilespmem:$0x6C00] =	vst v63  }
0xe3: {  	s29 =	simm.s32 $0xE00  }
0xe4: {  	[spmem:s2] =	stream.indirect.scatter.add.f32 [tilespmem:s20], [sflag:$0x2], $0x10, s29, s19, $0xb8;
	[tilespmem:$0x6C00] =	vst v63  }
0xe5: {  	s29 =	simm.s32 $0xE80  }
0xe6: {  	[spmem:s2] =	stream.indirect.scatter.add.f32 [tilespmem:s20], [sflag:$0x2], $0x10, s29, s19, $0xb8;
	[tilespmem:$0x6C00] =	vst v63  }
0xe7: {  	s29 =	simm.s32 $0xF00  }
0xe8: {  	[spmem:s2] =	stream.indirect.scatter.add.f32 [tilespmem:s20], [sflag:$0x2], $0x10, s29, s19, $0xb8;
	[tilespmem:$0x6C00] =	vst v63  }
0xe9: {  	s29 =	simm.s32 $0xF80  }
0xea: {  	[spmem:s2] =	stream.indirect.scatter.add.f32 [tilespmem:s20], [sflag:$0x2], $0x10, s29, s19, $0xb8;
	[tilespmem:$0x6C00] =	vst v63  }
0xeb: {  	s29 =	simm.s32 $0x1000  }
0xec: {  	[spmem:s2] =	stream.indirect.scatter.add.f32 [tilespmem:s20], [sflag:$0x2], $0x10, s29, s19, $0xb8;
	[tilespmem:$0x6C00] =	vst v63  }
0xed: {  	s29 =	simm.s32 $0x1080  }
0xee: {  	[spmem:s2] =	stream.indirect.scatter.add.f32 [tilespmem:s20], [sflag:$0x2], $0x10, s29, s19, $0xb8;
	[tilespmem:$0x6C00] =	vst v63  }
0xef: {  	s29 =	simm.s32 $0x1100  }
0xf0: {  	[spmem:s2] =	stream.indirect.scatter.add.f32 [tilespmem:s20], [sflag:$0x2], $0x10, s29, s19, $0xb8;
	[tilespmem:$0x6C00] =	vst v63  }
0xf1: {  	_ = 	snop  }
0xf2: {  	[spmem:s2] =	stream.indirect.scatter.add.f32 [tilespmem:s20], [sflag:$0x2], $0x10, s31, s19, $0xb8;
	[tilespmem:$0x6C00] =	vst v63  }
0xf3: {  	_ = 	snop  }
0xf4: {  	[spmem:s2] =	stream.indirect.scatter.add.f32 [tilespmem:s20], [sflag:$0x2], $0x10, s0, s19, $0xb8;
	[tilespmem:$0x6C00] =	vst v63  }
0xf5: {  	_ = 	snop  }
0xf6: {  	[spmem:s2] =	stream.indirect.scatter.add.f32 [tilespmem:s20], [sflag:$0x2], $0x10, s1, s19, $0xb8;
	[tilespmem:$0x6C00] =	vst v63  }
0xf7: {  	_ = 	snop  }
0xf8: {  	[spmem:s2] =	stream.indirect.scatter.add.f32 [tilespmem:s20], [sflag:$0x2], $0x10, s21, s19, $0xb8;
	[tilespmem:$0x6C00] =	vst v63  }
0xf9: {  	_ = 	snop  }
0xfa: {  	[spmem:s2] =	stream.indirect.scatter.add.f32 [tilespmem:s20], [sflag:$0x2], $0x10, s22, s19, $0xb8;
	[tilespmem:$0x6C00] =	vst v63  }
0xfb: {  	_ =	swait.ge [sflag:s18], $0x800  }
0xfc: {  	s29 =	simm.s32 $0x27;
	[sflag:s18] =	ssyncset.done $0x0  }
.LBB2_4:
0xfd: {  	p0 =	sne.s32 s29, $0x1;
	s29 =	sadd.s32 $0xFFFFFFFF, s29;
	[sflag:s18] =	ssyncadd.s32 $0xFFFFF800  }
.Ltmp1:
0xfe: {  	(pc) =	sbr.rel @p0 .LBB2_4-.Ltmp1, $3  }
0xff: {  	_ =	sdelay $0x1  }
0x100: {  	_ =	swait.ge [sflag:s18], $0x800  }
0x101: {  	[sflag:s18] =	ssyncset.done $0x0  }
0x102: {  	[sflag:s18] =	ssyncadd.s32 $0xFFFFF800  }
0x103: {  	[bflag:$0x0] =	sbarrier.arrive $0xFFFF  }
0x104: {  	[tilespmem:s16], [sflag:$0x1] =	stream.linear.gather [spmem:s5], $0x800, $0x38;
	[tilespmem:$0x6C00] =	vst v63  }
0x105: {  	_ = 	snop  }
0x106: {  	[tilespmem:s23], [sflag:$0x1] =	stream.linear.gather [spmem:s6], $0x800, $0x38;
	[tilespmem:$0x6C00] =	vst v63  }
0x107: {  	_ = 	snop  }
0x108: {  	[tilespmem:s24], [sflag:$0x1] =	stream.linear.gather [spmem:s7], $0x800, $0x38;
	[tilespmem:$0x6C00] =	vst v63  }
0x109: {  	_ = 	snop  }
0x10a: {  	[tilespmem:s25], [sflag:$0x1] =	stream.linear.gather [spmem:s8], $0x800, $0x38;
	[tilespmem:$0x6C00] =	vst v63  }
0x10b: {  	_ = 	snop  }
0x10c: {  	[tilespmem:s26], [sflag:$0x1] =	stream.linear.gather [spmem:s9], $0x800, $0x38;
	[tilespmem:$0x6C00] =	vst v63  }
0x10d: {  	_ =	swait.ge [sflag:s17], $0x2800  }
0x10e: {  	[sflag:s17] =	ssyncset.done $0x0  }
0x10f: {  	[sflag:s17] =	ssyncadd.s32 $0xFFFFD800  }
0x110: {  	[hbm4b:s10+s3] =	stream.linear.scatter [tilespmem:s16], [sflag:$0x2], $0x800, $0x38;
	[tilespmem:$0x6C00] =	vst v63  }
0x111: {  	_ = 	snop  }
0x112: {  	[hbm4b:s11+s3] =	stream.linear.scatter [tilespmem:s23], [sflag:$0x2], $0x800, $0x38;
	[tilespmem:$0x6C00] =	vst v63  }
0x113: {  	s28 =	sadd.s32 $0x1, s28  }
0x114: {  	[hbm4b:s12+s3] =	stream.linear.scatter [tilespmem:s24], [sflag:$0x2], $0x800, $0x38;
	[tilespmem:$0x6C00] =	vst v63  }
0x115: {  	p0 =	sne.s32 s28, s15  }
0x116: {  	[hbm4b:s13+s3] =	stream.linear.scatter [tilespmem:s25], [sflag:$0x2], $0x800, $0x38;
	[tilespmem:$0x6C00] =	vst v63  }
.Ltmp2:
0x117: {  	_ = 	snop;
	(pc) =	sbr.rel @p0 .LBB2_1-.Ltmp2, $4  }
0x118: {  	[hbm4b:s14+s3] =	stream.linear.scatter [tilespmem:s26], [sflag:$0x2], $0x800, $0x38;
	[tilespmem:$0x6C00] =	vst v63  }
0x119: {  	_ =	swait.ge [sflag:s18], $0x2800  }
0x11a: {  	[sflag:s18] =	ssyncset.done $0x0  }
0x11b: {  	[sflag:s18] =	ssyncadd.s32 $0xFFFFD800  }
0x11c: {  	_ =	sfence.sel $0x180000  }
0x11d: {  	[bflag:$0x0] =	sbarrier.arrive $0xFFFF  }
0x11e: {  	_ =	strace $0x90000047  }
0x11f: {  	s0 =	stileid.u32;
	[bflag:$0x2] =	sbarrier.arrive $0xFFFF  }
0x120: {  	p0 =	sne.s32 s0, $0x0;
	s0 =	rddreg [dreg:$0x2]  }
0x121: {  	s0 =	sadd.s32 @!p0 $0x100000, s0  }
0x122: {  	[sflag:s0] =	ssyncadd.tile.s32 @!p0 $0x1;
	_ =	shalt  }
.Lfunc_end2:
_tile_overlayer_lowered:
.L_overlay_start_2:
0x123: {  	(tag) =	ssettag $0x2  }
0x124: {  	s0 =	rddreg [dreg:$0x0];
	s2 =	stileid.u32  }
0x125: {  	s1 =	rddreg [dreg:$0x1];
	p0 =	sne.s32 s2, $0x0  }
0x126: {  	s3 =	rddreg [dreg:$0x2];
	[bflag:$0x3] =	sbarrier.arrive $0xFFFF;
	s2 =	simm.s32 @!p0 $0x1C03  }
0x127: {  	[timem:s3], [sflag:s2] =	dma.local @!p0 [hbm:s0], s1  }
0x128: {  	s0 =	simm.s32 @!p0 $0x3  }
0x129: {  	_ =	swait.ge @!p0 [sflag:s0], s1  }
0x12a: {  	s1 =	ssub.s32 @!p0 $0x0, s1;
	[sflag:s0] =	ssyncset.done @!p0 $0x0  }
0x12b: {  	[sflag:s0] =	ssyncadd.s32 @!p0 s1  }
0x12c: {  	[bflag:$0x3] =	sbarrier.arrive $0xFFFF  }
0x12d: {  	_ =	shalt  }

</sc_bundles>
